<compile_context>
chip_gen: v7x
topology: tpu7x:2x2x1
jax: 0.10.2.dev20260603
libtpu: 0.0.44.dev20260713+nightly
codegen_flags: <defaults>
</compile_context>

<pallas_src>
import jax
import jax.numpy as jnp
from jax import lax
from jax.experimental import pallas as pl
from jax.experimental.pallas import tpu as pltpu
from jax.experimental.pallas import tpu_sc as plsc

N = 10000
E = 320000
D = 128
H = 64
G = 64
GF = 16

NC = 2
NS = 16
NW = NC * NS
KA = 128
NCA = 80
EP = NW * NCA * KA
NBLK = EP // KA
ACCN = 10240
RPA = ACCN // NS
NJUNK = ACCN - N
NPAD = 10240
RPT = NPAD // NS

_mesh = plsc.VectorSubcoreMesh(
    core_axis_name="c", subcore_axis_name="s", num_cores=NC, num_subcores=NS)



NBLK0 = E // KA
DB = NBLK0 // NW
DREM = NBLK0 % NW


def _deg_body(eidx_hbm, out_hbm, idxv, ones_v, zbuf, dld, dbb, acc, sem):
    c = lax.axis_index("c")
    s = lax.axis_index("s")
    w = c * NS + s
    nb = DB + jnp.where(w < DREM, 1, 0)
    b0 = DB * w + jnp.minimum(w, DREM)

    @pl.when(w < DREM)
    def _():
        pltpu.sync_copy(eidx_hbm.at[pl.ds(b0, DB + 1)], idxv)

    @pl.when(w >= DREM)
    def _():
        pltpu.sync_copy(eidx_hbm.at[pl.ds(b0, DB)], idxv.at[pl.ds(0, DB)])

    for i in range(8):
        ones_v[pl.ds(i * 16, 16)] = jnp.ones((16,), jnp.float32)
        zbuf[pl.ds(i * 16, 16)] = jnp.zeros((16,), jnp.float32)
    r0 = s * RPT
    for i in range(RPT // 128):
        pltpu.sync_copy(zbuf, acc.at[pl.ds(r0 + i * 128, 128)])
    plsc.subcore_barrier()

    def fire(j, carry):
        pltpu.async_copy(ones_v, acc.at[idxv.at[j, 1]], sem, add=True)
        return carry

    lax.fori_loop(0, nb, fire, 0)

    def drain(j, carry):
        pltpu.make_async_copy(ones_v, acc.at[idxv.at[j, 1]], sem).wait()
        return carry

    lax.fori_loop(0, nb, drain, 0)
    plsc.subcore_barrier()
    pltpu.sync_copy(acc.at[pl.ds(r0, RPT)], dld)

    def bcast(i, carry):
        v0 = plsc.load_gather(dld, [jnp.full((16,), 2 * i, jnp.int32)])
        v1 = plsc.load_gather(dld, [jnp.full((16,), 2 * i + 1, jnp.int32)])
        for k in range(4):
            dbb[i, pl.ds(16 * k, 16)] = v0
        for k in range(4, 8):
            dbb[i, pl.ds(16 * k, 16)] = v1
        return carry

    lax.fori_loop(0, RPT // 2, bcast, 0)
    pltpu.sync_copy(dbb, out_hbm.at[c, pl.ds(s * (RPT // 2), RPT // 2)])


_deg_kernel = pl.kernel(
    _deg_body,
    out_type=jax.ShapeDtypeStruct((NC, NPAD // 2, 128), jnp.float32),
    mesh=_mesh,
    compiler_params=pltpu.CompilerParams(needs_layout_passes=False),
    scratch_types=[
        pltpu.VMEM((DB + 1, 2, KA), jnp.int32),
        pltpu.VMEM((KA,), jnp.float32),
        pltpu.VMEM((128,), jnp.float32),
        pltpu.VMEM((RPT,), jnp.float32),
        pltpu.VMEM((RPT // 2, 128), jnp.float32),
        pltpu.VMEM_SHARED((NPAD,), jnp.float32),
        pltpu.SemaphoreType.DMA,
    ],
)


def _agg_body(g_hbm, eidx_hbm, out_hbm,
              idxv, b0, b1, b2, b3, b4, b5, b6, b7,
              g0, g1, g2, g3, g4, g5, g6, g7,
              s0, s1, s2, s3, s4, s5, s6, s7, acc):
    bufs = [b0, b1, b2, b3, b4, b5, b6, b7]
    gs = [g0, g1, g2, g3, g4, g5, g6, g7]
    ss = [s0, s1, s2, s3, s4, s5, s6, s7]
    c = lax.axis_index("c")
    s = lax.axis_index("s")
    w = c * NS + s
    pltpu.sync_copy(eidx_hbm.at[pl.ds(w * NCA, NCA)], idxv)

    def zrow(i, carry):
        for kk in range(H // 16):
            b0[i, pl.ds(16 * kk, 16)] = jnp.zeros((16,), jnp.float32)
        return carry

    lax.fori_loop(0, KA, zrow, 0)
    r0 = s * RPA

    @pl.when(jnp.logical_and(c == 0, s < NS - 1))
    def _():
        pltpu.sync_copy(g_hbm.at[pl.ds(r0, RPA)], acc.at[pl.ds(r0, RPA)])

    @pl.when(jnp.logical_and(c == 0, s == NS - 1))
    def _():
        pltpu.sync_copy(g_hbm.at[pl.ds((NS - 1) * RPA, N - (NS - 1) * RPA)],
                        acc.at[pl.ds((NS - 1) * RPA, N - (NS - 1) * RPA)])
        for i in range(NJUNK // 128):
            pltpu.sync_copy(b0, acc.at[pl.ds(N + i * 128, 128)])
        pltpu.sync_copy(b0.at[pl.ds(0, NJUNK % 128)],
                        acc.at[pl.ds(N + (NJUNK // 128) * 128, NJUNK % 128)])

    @pl.when(c == 1)
    def _():
        for i in range(RPA // KA):
            pltpu.sync_copy(b0, acc.at[pl.ds(r0 + i * KA, KA)])

    plsc.subcore_barrier()

    def gf(j, buf, sem):
        pltpu.async_copy(g_hbm.at[idxv.at[j, 0]], buf, sem)

    def gw(j, buf, sem):
        pltpu.make_async_copy(g_hbm.at[idxv.at[j, 0]], buf, sem).wait()

    def sf(j, buf, sem):
        pltpu.async_copy(buf, acc.at[idxv.at[j, 1]], sem, add=True)

    def sw(j, buf, sem):
        pltpu.make_async_copy(buf, acc.at[idxv.at[j, 1]], sem).wait()

    gf(0, bufs[0], gs[0])
    gf(1, bufs[1], gs[1])
    gf(2, bufs[2], gs[2])
    gf(3, bufs[3], gs[3])
    gf(4, bufs[4], gs[4])
    gf(5, bufs[5], gs[5])

    def step(t, carry):
        for k in range(4):
            j = 8 * t + 2 * k
            a0, a1 = 2 * k, 2 * k + 1
            p0, p1 = (2 * k - 2) % 8, (2 * k - 1) % 8
            gw(j, bufs[a0], gs[a0])
            gw(j + 1, bufs[a1], gs[a1])
            sf(j, bufs[a0], ss[a0])
            sf(j + 1, bufs[a1], ss[a1])

            def waits(j=j, p0=p0, p1=p1):
                sw(j - 2, bufs[p0], ss[p0])
                sw(j - 1, bufs[p1], ss[p1])

            def fires(j=j, p0=p0, p1=p1):
                gf(j + 6, bufs[p0], gs[p0])
                gf(j + 7, bufs[p1], gs[p1])

            if k == 0:
                pl.when(t > 0)(waits)
                fires()
            else:
                waits()
                pl.when(t < NCA // 8 - 1)(fires)
        return carry

    lax.fori_loop(0, NCA // 8, step, 0)
    sw(NCA - 2, bufs[6], ss[6])
    sw(NCA - 1, bufs[7], ss[7])
    plsc.subcore_barrier()
    pltpu.sync_copy(acc.at[pl.ds(r0, RPA)], out_hbm.at[c, pl.ds(r0, RPA)])


_agg_kernel = pl.kernel(
    _agg_body,
    out_type=jax.ShapeDtypeStruct((NC, ACCN, H), jnp.float32),
    mesh=_mesh,
    compiler_params=pltpu.CompilerParams(use_tc_tiling_on_sc=False),
    scratch_types=(
        [pltpu.VMEM((NCA, 2, KA), jnp.int32)]
        + [pltpu.VMEM((KA, H), jnp.float32)] * 8
        + [pltpu.SemaphoreType.DMA] * 16
        + [pltpu.VMEM_SHARED((ACCN, H), jnp.float32)]
    ),
)



NPR = N // 2
BROW = NC * ACCN * H // 128
BOFF = ACCN * H // 128


def _tc1_body(xp_ref, w1bd_ref, degb_ref, g1_ref, dinv_ref):
    dsum = degb_ref[0, :NPR] + degb_ref[1, :NPR]
    dinv = lax.rsqrt(dsum + 1.0)
    h1p = jnp.dot(xp_ref[...], w1bd_ref[...],
                  preferred_element_type=jnp.float32)
    g1_ref[...] = h1p * dinv
    dinv_ref[...] = dinv


def _tc2_body(aggv_ref, dinv_ref, b1_ref, w2bd_ref, g2_ref):
    t = ((aggv_ref[0:NPR] + aggv_ref[BOFF:BOFF + NPR]) * dinv_ref[...]
         + b1_ref[...])
    t = jnp.maximum(t, 0.0)
    h2p = jnp.dot(t, w2bd_ref[...], preferred_element_type=jnp.float32)
    g2_ref[...] = h2p * dinv_ref[...]


def _tc3_body(aggv_ref, dinv_ref, b2_ref, bate_ref, bato_ref, gat_ref,
              wp_ref, wg_ref, bf1_ref, wf2_ref, bf2_ref, out_ref):
    h = ((aggv_ref[0:NPR] + aggv_ref[BOFF:BOFF + NPR]) * dinv_ref[...]
         + b2_ref[...])
    h = jnp.maximum(h, 0.0)
    gid = lax.broadcasted_iota(jnp.int32, (G, NPR), 0)
    maske = (gid == bate_ref[...]).astype(jnp.float32)
    masko = (gid == bato_ref[...]).astype(jnp.float32)
    counts = (jnp.sum(maske, axis=1, keepdims=True)
              + jnp.sum(masko, axis=1, keepdims=True))
    pe = jnp.dot(maske, h, preferred_element_type=jnp.float32)
    po = jnp.dot(masko, h, preferred_element_type=jnp.float32)
    pooled = pe[:, 0:H] + po[:, H:2 * H]
    pooled = pooled / jnp.maximum(counts, 1.0)
    z = (jnp.dot(pooled, wp_ref[...], preferred_element_type=jnp.float32)
         + jnp.dot(gat_ref[...], wg_ref[...], preferred_element_type=jnp.float32)
         + bf1_ref[...])
    z = jnp.maximum(z, 0.0)
    out_ref[...] = (jnp.dot(z, wf2_ref[...], preferred_element_type=jnp.float32)
                    + bf2_ref[...])


def _tc_call(body, out_shape, *args):
    return pl.pallas_call(body, out_shape=out_shape)(*args)



def kernel(x, edge_index, batch, global_attr, W1, b1, W2, b2,
           Wfc1, bfc1, Wfc2, bfc2):
    pad_i = jnp.arange(EP - E, dtype=jnp.int32)
    pad = jnp.stack([pad_i * 13 % N, N + pad_i % NJUNK])
    ei = jnp.concatenate([edge_index, pad], axis=1)
    eidx = ei.reshape(2, NBLK, KA).transpose(1, 0, 2)

    eidx0 = edge_index.reshape(2, NBLK0, KA).transpose(1, 0, 2)
    degb = _deg_kernel(eidx0)

    xp = x.reshape(NPR, 2 * D)
    zw = jnp.zeros((D, H), jnp.float32)
    w1bd = jnp.block([[W1, zw], [zw, W1]])
    g1p, dinvp = _tc_call(
        _tc1_body,
        (jax.ShapeDtypeStruct((NPR, 2 * H), jnp.float32),
         jax.ShapeDtypeStruct((NPR, 2 * H), jnp.float32)),
        xp, w1bd, degb)

    zb = jnp.zeros((H, H), jnp.float32)
    w2bd = jnp.block([[W2, zb], [zb, W2]])
    b1p = jnp.concatenate([b1, b1]).reshape(1, 2 * H)
    b2p = jnp.concatenate([b2, b2]).reshape(1, 2 * H)
    bpair = batch.reshape(NPR, 2)
    bate = bpair[:, 0].reshape(1, NPR)
    bato = bpair[:, 1].reshape(1, NPR)

    agg1 = _agg_kernel(g1p.reshape(N, H), eidx)
    g2p = _tc_call(
        _tc2_body, jax.ShapeDtypeStruct((NPR, 2 * H), jnp.float32),
        agg1.reshape(BROW, 128), dinvp, b1p, w2bd)

    agg2 = _agg_kernel(g2p.reshape(N, H), eidx)
    out = _tc_call(
        _tc3_body, jax.ShapeDtypeStruct((G, 1), jnp.float32),
        agg2.reshape(BROW, 128), dinvp, b2p, bate, bato, global_attr,
        Wfc1[:H], Wfc1[H:], bfc1.reshape(1, 64), Wfc2, bfc2.reshape(1, 1))
    return out.reshape(G)

# --- scband reference (transcript-rebuilt; emitter-appended) ---
"""Pipeline reference for scband-gnnregressor-61272003445043 (READ-ONLY COPY).

The authoritative reference and input builder live on the scoring server;
editing this copy changes nothing except your own understanding.
"""

import jax, jax.numpy as jnp
import numpy as np

N = 10000
E = 320000
D = 128
H = 64
G = 64
GF = 16


def setup_inputs(seed: int = 0) -> dict:
    key = jax.random.key(seed)
    ks = jax.random.split(key, 12)
    x = jax.random.normal(ks[0], (N, D), dtype=jnp.float32)
    edge_index = jax.random.randint(ks[1], (2, E), 0, N, dtype=jnp.int32)
    batch = jnp.sort(jax.random.randint(ks[2], (N,), 0, G, dtype=jnp.int32))
    global_attr = jax.random.normal(ks[3], (G, GF), dtype=jnp.float32)
    W1 = jax.random.normal(ks[4], (D, H), dtype=jnp.float32) * 0.05
    b1 = jnp.zeros((H,), dtype=jnp.float32)
    W2 = jax.random.normal(ks[5], (H, H), dtype=jnp.float32) * 0.05
    b2 = jnp.zeros((H,), dtype=jnp.float32)
    Wfc1 = jax.random.normal(ks[6], (H + GF, 64), dtype=jnp.float32) * 0.05
    bfc1 = jnp.zeros((64,), dtype=jnp.float32)
    Wfc2 = jax.random.normal(ks[7], (64, 1), dtype=jnp.float32) * 0.05
    bfc2 = jnp.zeros((1,), dtype=jnp.float32)
    return {"x": x, "edge_index": edge_index, "batch": batch, "global_attr": global_attr,
            "W1": W1, "b1": b1, "W2": W2, "b2": b2,
            "Wfc1": Wfc1, "bfc1": bfc1, "Wfc2": Wfc2, "bfc2": bfc2}


def reference(x, edge_index, batch, global_attr, W1, b1, W2, b2, Wfc1, bfc1, Wfc2, bfc2):
    # GCNConv (PyG semantics): add self-loops, symmetric normalization, linear, scatter-add, bias
    self_loops = jnp.arange(N, dtype=edge_index.dtype)
    src = jnp.concatenate([edge_index[0], self_loops])
    dst = jnp.concatenate([edge_index[1], self_loops])
    deg = jax.ops.segment_sum(jnp.ones_like(dst, dtype=jnp.float32), dst, num_segments=N)
    dinv = jnp.where(deg > 0, deg ** -0.5, 0.0)
    norm = dinv[src] * dinv[dst]

    def gcn(h, W, b):
        h = h @ W
        msg = h[src] * norm[:, None]
        agg = jax.ops.segment_sum(msg, dst, num_segments=N)
        return agg + b

    h = jax.nn.relu(gcn(x, W1, b1))
    h = jax.nn.relu(gcn(h, W2, b2))
    # global_mean_pool
    counts = jax.ops.segment_sum(jnp.ones((N,), jnp.float32), batch, num_segments=G)
    pooled = jax.ops.segment_sum(h, batch, num_segments=G) / jnp.clip(counts, 1.0)[:, None]
    z = jnp.concatenate([pooled, global_attr], axis=1)
    z = jax.nn.relu(z @ Wfc1 + bfc1)
    out = (z @ Wfc2 + bfc2).squeeze()
    return out

if __name__ == "__main__":
    import jax
    _d = setup_inputs()
    print(jax.jit(kernel)(*tuple(_d.values())))

</pallas_src>

<mosaic_0001>
#map = affine_map<(d0, d1) -> (0, 0, 0)>
module attributes {stable_mosaic.version = 14 : i64} {
  func.func @_deg_body(%arg0: i32, %arg1: i32, %arg2: memref<2500x2x128xi32, #tpu.memory_space<hbm>>, %arg3: memref<2x5120x128xf32, #tpu.memory_space<hbm>>, %arg4: memref<79x2x128xi32, #tpu.memory_space<vmem>>, %arg5: memref<128xf32, #tpu.memory_space<vmem>>, %arg6: memref<128xf32, #tpu.memory_space<vmem>>, %arg7: memref<640xf32, #tpu.memory_space<vmem>>, %arg8: memref<320x128xf32, #tpu.memory_space<vmem>>, %arg9: memref<10240xf32, #tpu.memory_space<vmem_shared>>, %arg10: memref<!tpu.dma_semaphore, #tpu.memory_space<semaphore_mem>>) attributes {dimension_semantics = [#tpu.dimension_semantics<core_parallel>, #tpu.dimension_semantics<subcore_parallel>], iteration_bounds = array<i64: 2, 16>, scalar_prefetch = 0 : i64, scratch_operands = 7 : i64, tpu.core_type = #tpu.core_type<sc_vector_subcore>, window_params = [{transform_indices = #map}, {transform_indices = #map}]} {
    %mul3A = arith.constant 16 : i32
    %mul3A_0 = arith.muli %arg0, %mul3A : i32
    %add3A = arith.addi %mul3A_0, %arg1 : i32
    %lt3A = arith.constant 4 : i32
    %lt3A_1 = arith.cmpi slt, %add3A, %lt3A : i32
    %jit3A = arith.constant 1 : i32
    %jit3A_2 = arith.constant 0 : i32
    %select_n3A = arith.select %lt3A_1, %jit3A, %jit3A_2 : i32
    %add3A_3 = arith.constant 78 : i32
    %add3A_4 = arith.addi %add3A_3, %select_n3A : i32
    %mul3A_5 = arith.constant 78 : i32
    %mul3A_6 = arith.muli %mul3A_5, %add3A : i32
    %min3A = arith.constant 4 : i32
    %min3A_7 = arith.minsi %add3A, %min3A : i32
    %add3A_8 = arith.addi %mul3A_6, %min3A_7 : i32
    %lt3A_9 = arith.constant 4 : i32
    %lt3A_10 = arith.cmpi slt, %add3A, %lt3A_9 : i32
    %convert_element_type3A = arith.extui %lt3A_10 : i1 to i32
    %cond3A = arith.constant 0 : i32
    %cond3A_11 = arith.cmpi ne, %convert_element_type3A, %cond3A : i32
    scf.if %cond3A_11 {
      "tpu.region"() ({
        %run_scoped3A = tpu.sem_alloc : memref<!tpu.dma_semaphore, #tpu.memory_space<semaphore_mem>>
        %dma_start3A = arith.constant 0 : i32
        %dma_start3A_117 = arith.constant 0 : i32
        %dma_start3A_118 = tpu.memref_slice %arg2[%add3A_8, %dma_start3A, %dma_start3A_117] : memref<2500x2x128xi32, #tpu.memory_space<hbm>> -> memref<79x2x128xi32, #tpu.memory_space<hbm>>
        %dma_start3A_119 = arith.constant 0 : i32
        %dma_start3A_120 = arith.constant 0 : i32
        %dma_start3A_121 = tpu.memref_slice %arg2[%add3A_8, %dma_start3A_119, %dma_start3A_120] : memref<2500x2x128xi32, #tpu.memory_space<hbm>> -> memref<79x2x128xi32, #tpu.memory_space<hbm>>
        tpu.enqueue_dma source(%dma_start3A_121 : memref<79x2x128xi32, #tpu.memory_space<hbm>>) target(%arg4 : memref<79x2x128xi32, #tpu.memory_space<vmem>>) target_semaphore(%run_scoped3A : memref<!tpu.dma_semaphore, #tpu.memory_space<semaphore_mem>>)
        %dma_wait3A = arith.constant 0 : i32
        %dma_wait3A_122 = arith.constant 0 : i32
        %dma_wait3A_123 = tpu.memref_slice %arg2[%add3A_8, %dma_wait3A, %dma_wait3A_122] : memref<2500x2x128xi32, #tpu.memory_space<hbm>> -> memref<79x2x128xi32, #tpu.memory_space<hbm>>
        %dma_wait3A_124 = arith.constant 0 : i32
        %dma_wait3A_125 = arith.constant 0 : i32
        %dma_wait3A_126 = tpu.memref_slice %arg2[%add3A_8, %dma_wait3A_124, %dma_wait3A_125] : memref<2500x2x128xi32, #tpu.memory_space<hbm>> -> memref<79x2x128xi32, #tpu.memory_space<hbm>>
        tpu.wait_dma2 semaphore(%run_scoped3A : memref<!tpu.dma_semaphore, #tpu.memory_space<semaphore_mem>>) src(%dma_wait3A_126 : memref<79x2x128xi32, #tpu.memory_space<hbm>>) dst(%arg4 : memref<79x2x128xi32, #tpu.memory_space<vmem>>)
        tpu.yield
      }) : () -> ()
    } else {
    }
    %ge3A = arith.constant 4 : i32
    %ge3A_12 = arith.cmpi sge, %add3A, %ge3A : i32
    %convert_element_type3A_13 = arith.extui %ge3A_12 : i1 to i32
    %cond3A_14 = arith.constant 0 : i32
    %cond3A_15 = arith.cmpi ne, %convert_element_type3A_13, %cond3A_14 : i32
    scf.if %cond3A_15 {
      "tpu.region"() ({
        %run_scoped3A = tpu.sem_alloc : memref<!tpu.dma_semaphore, #tpu.memory_space<semaphore_mem>>
        %dma_start3A = arith.constant 0 : i32
        %dma_start3A_117 = arith.constant 0 : i32
        %dma_start3A_118 = arith.constant 0 : i32
        %dma_start3A_119 = tpu.memref_slice %arg4[%dma_start3A, %dma_start3A_117, %dma_start3A_118] : memref<79x2x128xi32, #tpu.memory_space<vmem>> -> memref<78x2x128xi32, #tpu.memory_space<vmem>>
        %dma_start3A_120 = arith.constant 0 : i32
        %dma_start3A_121 = arith.constant 0 : i32
        %dma_start3A_122 = tpu.memref_slice %arg2[%add3A_8, %dma_start3A_120, %dma_start3A_121] : memref<2500x2x128xi32, #tpu.memory_space<hbm>> -> memref<78x2x128xi32, #tpu.memory_space<hbm>>
        %dma_start3A_123 = arith.constant 0 : i32
        %dma_start3A_124 = arith.constant 0 : i32
        %dma_start3A_125 = arith.constant 0 : i32
        %dma_start3A_126 = tpu.memref_slice %arg4[%dma_start3A_123, %dma_start3A_124, %dma_start3A_125] : memref<79x2x128xi32, #tpu.memory_space<vmem>> -> memref<78x2x128xi32, #tpu.memory_space<vmem>>
        %dma_start3A_127 = arith.constant 0 : i32
        %dma_start3A_128 = arith.constant 0 : i32
        %dma_start3A_129 = tpu.memref_slice %arg2[%add3A_8, %dma_start3A_127, %dma_start3A_128] : memref<2500x2x128xi32, #tpu.memory_space<hbm>> -> memref<78x2x128xi32, #tpu.memory_space<hbm>>
        tpu.enqueue_dma source(%dma_start3A_129 : memref<78x2x128xi32, #tpu.memory_space<hbm>>) target(%dma_start3A_126 : memref<78x2x128xi32, #tpu.memory_space<vmem>>) target_semaphore(%run_scoped3A : memref<!tpu.dma_semaphore, #tpu.memory_space<semaphore_mem>>)
        %dma_wait3A = arith.constant 0 : i32
        %dma_wait3A_130 = arith.constant 0 : i32
        %dma_wait3A_131 = arith.constant 0 : i32
        %dma_wait3A_132 = tpu.memref_slice %arg4[%dma_wait3A, %dma_wait3A_130, %dma_wait3A_131] : memref<79x2x128xi32, #tpu.memory_space<vmem>> -> memref<78x2x128xi32, #tpu.memory_space<vmem>>
        %dma_wait3A_133 = arith.constant 0 : i32
        %dma_wait3A_134 = arith.constant 0 : i32
        %dma_wait3A_135 = tpu.memref_slice %arg2[%add3A_8, %dma_wait3A_133, %dma_wait3A_134] : memref<2500x2x128xi32, #tpu.memory_space<hbm>> -> memref<78x2x128xi32, #tpu.memory_space<hbm>>
        %dma_wait3A_136 = arith.constant 0 : i32
        %dma_wait3A_137 = arith.constant 0 : i32
        %dma_wait3A_138 = arith.constant 0 : i32
        %dma_wait3A_139 = tpu.memref_slice %arg4[%dma_wait3A_136, %dma_wait3A_137, %dma_wait3A_138] : memref<79x2x128xi32, #tpu.memory_space<vmem>> -> memref<78x2x128xi32, #tpu.memory_space<vmem>>
        %dma_wait3A_140 = arith.constant 0 : i32
        %dma_wait3A_141 = arith.constant 0 : i32
        %dma_wait3A_142 = tpu.memref_slice %arg2[%add3A_8, %dma_wait3A_140, %dma_wait3A_141] : memref<2500x2x128xi32, #tpu.memory_space<hbm>> -> memref<78x2x128xi32, #tpu.memory_space<hbm>>
        tpu.wait_dma2 semaphore(%run_scoped3A : memref<!tpu.dma_semaphore, #tpu.memory_space<semaphore_mem>>) src(%dma_wait3A_142 : memref<78x2x128xi32, #tpu.memory_space<hbm>>) dst(%dma_wait3A_139 : memref<78x2x128xi32, #tpu.memory_space<vmem>>)
        tpu.yield
      }) : () -> ()
    } else {
    }
    %broadcast_in_dim3A = arith.constant 1.000000e+00 : f32
    %broadcast_in_dim3A_16 = vector.broadcast %broadcast_in_dim3A : f32 to vector<16xf32>
    %swap3A = arith.constant 0 : index
    %swap3A_17 = tpu.vector_load %arg5[%swap3A] {strides = array<i32>} : memref<128xf32, #tpu.memory_space<vmem>>, vector<16xf32>,
    tpu.vector_store %arg5[%swap3A], %broadcast_in_dim3A_16 {strides = array<i32>} : memref<128xf32, #tpu.memory_space<vmem>>, vector<16xf32>,
    %broadcast_in_dim3A_18 = arith.constant 0.000000e+00 : f32
    %broadcast_in_dim3A_19 = vector.broadcast %broadcast_in_dim3A_18 : f32 to vector<16xf32>
    %swap3A_20 = arith.constant 0 : index
    %swap3A_21 = tpu.vector_load %arg6[%swap3A_20] {strides = array<i32>} : memref<128xf32, #tpu.memory_space<vmem>>, vector<16xf32>,
    tpu.vector_store %arg6[%swap3A_20], %broadcast_in_dim3A_19 {strides = array<i32>} : memref<128xf32, #tpu.memory_space<vmem>>, vector<16xf32>,
    %broadcast_in_dim3A_22 = arith.constant 1.000000e+00 : f32
    %broadcast_in_dim3A_23 = vector.broadcast %broadcast_in_dim3A_22 : f32 to vector<16xf32>
    %swap3A_24 = arith.constant 16 : index
    %swap3A_25 = tpu.vector_load %arg5[%swap3A_24] {strides = array<i32>} : memref<128xf32, #tpu.memory_space<vmem>>, vector<16xf32>,
    tpu.vector_store %arg5[%swap3A_24], %broadcast_in_dim3A_23 {strides = array<i32>} : memref<128xf32, #tpu.memory_space<vmem>>, vector<16xf32>,
    %broadcast_in_dim3A_26 = arith.constant 0.000000e+00 : f32
    %broadcast_in_dim3A_27 = vector.broadcast %broadcast_in_dim3A_26 : f32 to vector<16xf32>
    %swap3A_28 = arith.constant 16 : index
    %swap3A_29 = tpu.vector_load %arg6[%swap3A_28] {strides = array<i32>} : memref<128xf32, #tpu.memory_space<vmem>>, vector<16xf32>,
    tpu.vector_store %arg6[%swap3A_28], %broadcast_in_dim3A_27 {strides = array<i32>} : memref<128xf32, #tpu.memory_space<vmem>>, vector<16xf32>,
    %broadcast_in_dim3A_30 = arith.constant 1.000000e+00 : f32
    %broadcast_in_dim3A_31 = vector.broadcast %broadcast_in_dim3A_30 : f32 to vector<16xf32>
    %swap3A_32 = arith.constant 32 : index
    %swap3A_33 = tpu.vector_load %arg5[%swap3A_32] {strides = array<i32>} : memref<128xf32, #tpu.memory_space<vmem>>, vector<16xf32>,
    tpu.vector_store %arg5[%swap3A_32], %broadcast_in_dim3A_31 {strides = array<i32>} : memref<128xf32, #tpu.memory_space<vmem>>, vector<16xf32>,
    %broadcast_in_dim3A_34 = arith.constant 0.000000e+00 : f32
    %broadcast_in_dim3A_35 = vector.broadcast %broadcast_in_dim3A_34 : f32 to vector<16xf32>
    %swap3A_36 = arith.constant 32 : index
    %swap3A_37 = tpu.vector_load %arg6[%swap3A_36] {strides = array<i32>} : memref<128xf32, #tpu.memory_space<vmem>>, vector<16xf32>,
    tpu.vector_store %arg6[%swap3A_36], %broadcast_in_dim3A_35 {strides = array<i32>} : memref<128xf32, #tpu.memory_space<vmem>>, vector<16xf32>,
    %broadcast_in_dim3A_38 = arith.constant 1.000000e+00 : f32
    %broadcast_in_dim3A_39 = vector.broadcast %broadcast_in_dim3A_38 : f32 to vector<16xf32>
    %swap3A_40 = arith.constant 48 : index
    %swap3A_41 = tpu.vector_load %arg5[%swap3A_40] {strides = array<i32>} : memref<128xf32, #tpu.memory_space<vmem>>, vector<16xf32>,
    tpu.vector_store %arg5[%swap3A_40], %broadcast_in_dim3A_39 {strides = array<i32>} : memref<128xf32, #tpu.memory_space<vmem>>, vector<16xf32>,
    %broadcast_in_dim3A_42 = arith.constant 0.000000e+00 : f32
    %broadcast_in_dim3A_43 = vector.broadcast %broadcast_in_dim3A_42 : f32 to vector<16xf32>
    %swap3A_44 = arith.constant 48 : index
    %swap3A_45 = tpu.vector_load %arg6[%swap3A_44] {strides = array<i32>} : memref<128xf32, #tpu.memory_space<vmem>>, vector<16xf32>,
    tpu.vector_store %arg6[%swap3A_44], %broadcast_in_dim3A_43 {strides = array<i32>} : memref<128xf32, #tpu.memory_space<vmem>>, vector<16xf32>,
    %broadcast_in_dim3A_46 = arith.constant 1.000000e+00 : f32
    %broadcast_in_dim3A_47 = vector.broadcast %broadcast_in_dim3A_46 : f32 to vector<16xf32>
    %swap3A_48 = arith.constant 64 : index
    %swap3A_49 = tpu.vector_load %arg5[%swap3A_48] {strides = array<i32>} : memref<128xf32, #tpu.memory_space<vmem>>, vector<16xf32>,
    tpu.vector_store %arg5[%swap3A_48], %broadcast_in_dim3A_47 {strides = array<i32>} : memref<128xf32, #tpu.memory_space<vmem>>, vector<16xf32>,
    %broadcast_in_dim3A_50 = arith.constant 0.000000e+00 : f32
    %broadcast_in_dim3A_51 = vector.broadcast %broadcast_in_dim3A_50 : f32 to vector<16xf32>
    %swap3A_52 = arith.constant 64 : index
    %swap3A_53 = tpu.vector_load %arg6[%swap3A_52] {strides = array<i32>} : memref<128xf32, #tpu.memory_space<vmem>>, vector<16xf32>,
    tpu.vector_store %arg6[%swap3A_52], %broadcast_in_dim3A_51 {strides = array<i32>} : memref<128xf32, #tpu.memory_space<vmem>>, vector<16xf32>,
    %broadcast_in_dim3A_54 = arith.constant 1.000000e+00 : f32
    %broadcast_in_dim3A_55 = vector.broadcast %broadcast_in_dim3A_54 : f32 to vector<16xf32>
    %swap3A_56 = arith.constant 80 : index
    %swap3A_57 = tpu.vector_load %arg5[%swap3A_56] {strides = array<i32>} : memref<128xf32, #tpu.memory_space<vmem>>, vector<16xf32>,
    tpu.vector_store %arg5[%swap3A_56], %broadcast_in_dim3A_55 {strides = array<i32>} : memref<128xf32, #tpu.memory_space<vmem>>, vector<16xf32>,
    %broadcast_in_dim3A_58 = arith.constant 0.000000e+00 : f32
    %broadcast_in_dim3A_59 = vector.broadcast %broadcast_in_dim3A_58 : f32 to vector<16xf32>
    %swap3A_60 = arith.constant 80 : index
    %swap3A_61 = tpu.vector_load %arg6[%swap3A_60] {strides = array<i32>} : memref<128xf32, #tpu.memory_space<vmem>>, vector<16xf32>,
    tpu.vector_store %arg6[%swap3A_60], %broadcast_in_dim3A_59 {strides = array<i32>} : memref<128xf32, #tpu.memory_space<vmem>>, vector<16xf32>,
    %broadcast_in_dim3A_62 = arith.constant 1.000000e+00 : f32
    %broadcast_in_dim3A_63 = vector.broadcast %broadcast_in_dim3A_62 : f32 to vector<16xf32>
    %swap3A_64 = arith.constant 96 : index
    %swap3A_65 = tpu.vector_load %arg5[%swap3A_64] {strides = array<i32>} : memref<128xf32, #tpu.memory_space<vmem>>, vector<16xf32>,
    tpu.vector_store %arg5[%swap3A_64], %broadcast_in_dim3A_63 {strides = array<i32>} : memref<128xf32, #tpu.memory_space<vmem>>, vector<16xf32>,
    %broadcast_in_dim3A_66 = arith.constant 0.000000e+00 : f32
    %broadcast_in_dim3A_67 = vector.broadcast %broadcast_in_dim3A_66 : f32 to vector<16xf32>
    %swap3A_68 = arith.constant 96 : index
    %swap3A_69 = tpu.vector_load %arg6[%swap3A_68] {strides = array<i32>} : memref<128xf32, #tpu.memory_space<vmem>>, vector<16xf32>,
    tpu.vector_store %arg6[%swap3A_68], %broadcast_in_dim3A_67 {strides = array<i32>} : memref<128xf32, #tpu.memory_space<vmem>>, vector<16xf32>,
    %broadcast_in_dim3A_70 = arith.constant 1.000000e+00 : f32
    %broadcast_in_dim3A_71 = vector.broadcast %broadcast_in_dim3A_70 : f32 to vector<16xf32>
    %swap3A_72 = arith.constant 112 : index
    %swap3A_73 = tpu.vector_load %arg5[%swap3A_72] {strides = array<i32>} : memref<128xf32, #tpu.memory_space<vmem>>, vector<16xf32>,
    tpu.vector_store %arg5[%swap3A_72], %broadcast_in_dim3A_71 {strides = array<i32>} : memref<128xf32, #tpu.memory_space<vmem>>, vector<16xf32>,
    %broadcast_in_dim3A_74 = arith.constant 0.000000e+00 : f32
    %broadcast_in_dim3A_75 = vector.broadcast %broadcast_in_dim3A_74 : f32 to vector<16xf32>
    %swap3A_76 = arith.constant 112 : index
    %swap3A_77 = tpu.vector_load %arg6[%swap3A_76] {strides = array<i32>} : memref<128xf32, #tpu.memory_space<vmem>>, vector<16xf32>,
    tpu.vector_store %arg6[%swap3A_76], %broadcast_in_dim3A_75 {strides = array<i32>} : memref<128xf32, #tpu.memory_space<vmem>>, vector<16xf32>,
    %mul3A_78 = arith.constant 640 : i32
    %mul3A_79 = arith.muli %arg1, %mul3A_78 : i32
    %add3A_80 = arith.constant 0 : i32
    %add3A_81 = arith.addi %mul3A_79, %add3A_80 : i32
    "tpu.region"() ({
      %run_scoped3A = tpu.sem_alloc : memref<!tpu.dma_semaphore, #tpu.memory_space<semaphore_mem>>
      %dma_start3A = tpu.memref_slice %arg9[%add3A_81] : memref<10240xf32, #tpu.memory_space<vmem_shared>> -> memref<128xf32, #tpu.memory_space<vmem_shared>>
      %dma_start3A_117 = tpu.memref_slice %arg9[%add3A_81] : memref<10240xf32, #tpu.memory_space<vmem_shared>> -> memref<128xf32, #tpu.memory_space<vmem_shared>>
      tpu.enqueue_dma source(%arg6 : memref<128xf32, #tpu.memory_space<vmem>>) target(%dma_start3A_117 : memref<128xf32, #tpu.memory_space<vmem_shared>>) target_semaphore(%run_scoped3A : memref<!tpu.dma_semaphore, #tpu.memory_space<semaphore_mem>>)
      %dma_wait3A = tpu.memref_slice %arg9[%add3A_81] : memref<10240xf32, #tpu.memory_space<vmem_shared>> -> memref<128xf32, #tpu.memory_space<vmem_shared>>
      %dma_wait3A_118 = tpu.memref_slice %arg9[%add3A_81] : memref<10240xf32, #tpu.memory_space<vmem_shared>> -> memref<128xf32, #tpu.memory_space<vmem_shared>>
      tpu.wait_dma2 semaphore(%run_scoped3A : memref<!tpu.dma_semaphore, #tpu.memory_space<semaphore_mem>>) src(%arg6 : memref<128xf32, #tpu.memory_space<vmem>>) dst(%dma_wait3A_118 : memref<128xf32, #tpu.memory_space<vmem_shared>>)
      tpu.yield
    }) : () -> ()
    %add3A_82 = arith.constant 128 : i32
    %add3A_83 = arith.addi %mul3A_79, %add3A_82 : i32
    "tpu.region"() ({
      %run_scoped3A = tpu.sem_alloc : memref<!tpu.dma_semaphore, #tpu.memory_space<semaphore_mem>>
      %dma_start3A = tpu.memref_slice %arg9[%add3A_83] : memref<10240xf32, #tpu.memory_space<vmem_shared>> -> memref<128xf32, #tpu.memory_space<vmem_shared>>
      %dma_start3A_117 = tpu.memref_slice %arg9[%add3A_83] : memref<10240xf32, #tpu.memory_space<vmem_shared>> -> memref<128xf32, #tpu.memory_space<vmem_shared>>
      tpu.enqueue_dma source(%arg6 : memref<128xf32, #tpu.memory_space<vmem>>) target(%dma_start3A_117 : memref<128xf32, #tpu.memory_space<vmem_shared>>) target_semaphore(%run_scoped3A : memref<!tpu.dma_semaphore, #tpu.memory_space<semaphore_mem>>)
      %dma_wait3A = tpu.memref_slice %arg9[%add3A_83] : memref<10240xf32, #tpu.memory_space<vmem_shared>> -> memref<128xf32, #tpu.memory_space<vmem_shared>>
      %dma_wait3A_118 = tpu.memref_slice %arg9[%add3A_83] : memref<10240xf32, #tpu.memory_space<vmem_shared>> -> memref<128xf32, #tpu.memory_space<vmem_shared>>
      tpu.wait_dma2 semaphore(%run_scoped3A : memref<!tpu.dma_semaphore, #tpu.memory_space<semaphore_mem>>) src(%arg6 : memref<128xf32, #tpu.memory_space<vmem>>) dst(%dma_wait3A_118 : memref<128xf32, #tpu.memory_space<vmem_shared>>)
      tpu.yield
    }) : () -> ()
    %add3A_84 = arith.constant 256 : i32
    %add3A_85 = arith.addi %mul3A_79, %add3A_84 : i32
    "tpu.region"() ({
      %run_scoped3A = tpu.sem_alloc : memref<!tpu.dma_semaphore, #tpu.memory_space<semaphore_mem>>
      %dma_start3A = tpu.memref_slice %arg9[%add3A_85] : memref<10240xf32, #tpu.memory_space<vmem_shared>> -> memref<128xf32, #tpu.memory_space<vmem_shared>>
      %dma_start3A_117 = tpu.memref_slice %arg9[%add3A_85] : memref<10240xf32, #tpu.memory_space<vmem_shared>> -> memref<128xf32, #tpu.memory_space<vmem_shared>>
      tpu.enqueue_dma source(%arg6 : memref<128xf32, #tpu.memory_space<vmem>>) target(%dma_start3A_117 : memref<128xf32, #tpu.memory_space<vmem_shared>>) target_semaphore(%run_scoped3A : memref<!tpu.dma_semaphore, #tpu.memory_space<semaphore_mem>>)
      %dma_wait3A = tpu.memref_slice %arg9[%add3A_85] : memref<10240xf32, #tpu.memory_space<vmem_shared>> -> memref<128xf32, #tpu.memory_space<vmem_shared>>
      %dma_wait3A_118 = tpu.memref_slice %arg9[%add3A_85] : memref<10240xf32, #tpu.memory_space<vmem_shared>> -> memref<128xf32, #tpu.memory_space<vmem_shared>>
      tpu.wait_dma2 semaphore(%run_scoped3A : memref<!tpu.dma_semaphore, #tpu.memory_space<semaphore_mem>>) src(%arg6 : memref<128xf32, #tpu.memory_space<vmem>>) dst(%dma_wait3A_118 : memref<128xf32, #tpu.memory_space<vmem_shared>>)
      tpu.yield
    }) : () -> ()
    %add3A_86 = arith.constant 384 : i32
    %add3A_87 = arith.addi %mul3A_79, %add3A_86 : i32
    "tpu.region"() ({
      %run_scoped3A = tpu.sem_alloc : memref<!tpu.dma_semaphore, #tpu.memory_space<semaphore_mem>>
      %dma_start3A = tpu.memref_slice %arg9[%add3A_87] : memref<10240xf32, #tpu.memory_space<vmem_shared>> -> memref<128xf32, #tpu.memory_space<vmem_shared>>
      %dma_start3A_117 = tpu.memref_slice %arg9[%add3A_87] : memref<10240xf32, #tpu.memory_space<vmem_shared>> -> memref<128xf32, #tpu.memory_space<vmem_shared>>
      tpu.enqueue_dma source(%arg6 : memref<128xf32, #tpu.memory_space<vmem>>) target(%dma_start3A_117 : memref<128xf32, #tpu.memory_space<vmem_shared>>) target_semaphore(%run_scoped3A : memref<!tpu.dma_semaphore, #tpu.memory_space<semaphore_mem>>)
      %dma_wait3A = tpu.memref_slice %arg9[%add3A_87] : memref<10240xf32, #tpu.memory_space<vmem_shared>> -> memref<128xf32, #tpu.memory_space<vmem_shared>>
      %dma_wait3A_118 = tpu.memref_slice %arg9[%add3A_87] : memref<10240xf32, #tpu.memory_space<vmem_shared>> -> memref<128xf32, #tpu.memory_space<vmem_shared>>
      tpu.wait_dma2 semaphore(%run_scoped3A : memref<!tpu.dma_semaphore, #tpu.memory_space<semaphore_mem>>) src(%arg6 : memref<128xf32, #tpu.memory_space<vmem>>) dst(%dma_wait3A_118 : memref<128xf32, #tpu.memory_space<vmem_shared>>)
      tpu.yield
    }) : () -> ()
    %add3A_88 = arith.constant 512 : i32
    %add3A_89 = arith.addi %mul3A_79, %add3A_88 : i32
    "tpu.region"() ({
      %run_scoped3A = tpu.sem_alloc : memref<!tpu.dma_semaphore, #tpu.memory_space<semaphore_mem>>
      %dma_start3A = tpu.memref_slice %arg9[%add3A_89] : memref<10240xf32, #tpu.memory_space<vmem_shared>> -> memref<128xf32, #tpu.memory_space<vmem_shared>>
      %dma_start3A_117 = tpu.memref_slice %arg9[%add3A_89] : memref<10240xf32, #tpu.memory_space<vmem_shared>> -> memref<128xf32, #tpu.memory_space<vmem_shared>>
      tpu.enqueue_dma source(%arg6 : memref<128xf32, #tpu.memory_space<vmem>>) target(%dma_start3A_117 : memref<128xf32, #tpu.memory_space<vmem_shared>>) target_semaphore(%run_scoped3A : memref<!tpu.dma_semaphore, #tpu.memory_space<semaphore_mem>>)
      %dma_wait3A = tpu.memref_slice %arg9[%add3A_89] : memref<10240xf32, #tpu.memory_space<vmem_shared>> -> memref<128xf32, #tpu.memory_space<vmem_shared>>
      %dma_wait3A_118 = tpu.memref_slice %arg9[%add3A_89] : memref<10240xf32, #tpu.memory_space<vmem_shared>> -> memref<128xf32, #tpu.memory_space<vmem_shared>>
      tpu.wait_dma2 semaphore(%run_scoped3A : memref<!tpu.dma_semaphore, #tpu.memory_space<semaphore_mem>>) src(%arg6 : memref<128xf32, #tpu.memory_space<vmem>>) dst(%dma_wait3A_118 : memref<128xf32, #tpu.memory_space<vmem_shared>>)
      tpu.yield
    }) : () -> ()
    %barrier3A = arith.constant 0 : index
    tpu.barrier barrier_id(%barrier3A)
    %while3A = arith.constant 0 : i32
    %while3A_90 = arith.constant 0 : i32
    %while3A_91 = arith.subi %add3A_4, %while3A_90 : i32
    %while3A_92 = arith.addi %while3A_90, %while3A_91 : i32
    %while3A_93 = arith.constant 1 : i32
    %while3A_94 = arith.divsi %while3A_91, %while3A_93 : i32
    %while3A_95 = arith.muli %while3A_94, %while3A_93 : i32
    %while3A_96 = arith.addi %while3A_90, %while3A_95 : i32
    %while3A_97 = arith.constant 1 : i32
    scf.for %while3A_117 = %while3A_90 to %while3A_96 step %while3A_97  : i32 {
      %dma_start3A = arith.constant 1 : i32
      %dma_start3A_118 = arith.constant 0 : i32
      %dma_start3A_119 = tpu.memref_slice %arg4[%while3A_117, %dma_start3A, %dma_start3A_118] : memref<79x2x128xi32, #tpu.memory_space<vmem>> -> memref<1x1x128xi32, #tpu.memory_space<vmem>>
      %dma_start3A_120 = tpu.memref_squeeze %dma_start3A_119 : memref<1x1x128xi32, #tpu.memory_space<vmem>> -> memref<128xi32, #tpu.memory_space<vmem>>
      %dma_start3A_121 = arith.constant 0 : i32
      %dma_start3A_122 = tpu.memref_slice %arg9[%dma_start3A_121] : memref<10240xf32, #tpu.memory_space<vmem_shared>> -> memref<10240xf32, #tpu.memory_space<vmem_shared>>
      tpu.enqueue_indirect_dma source(%arg5 : memref<128xf32, #tpu.memory_space<vmem>>) target(%dma_start3A_122 : memref<10240xf32, #tpu.memory_space<vmem_shared>>) offsets(%dma_start3A_120 : memref<128xi32, #tpu.memory_space<vmem>>) semaphore(%arg10 : memref<!tpu.dma_semaphore, #tpu.memory_space<semaphore_mem>>) {add = true}
    }
    %while3A_98 = arith.constant 1 : i32
    scf.for %while3A_117 = %while3A_96 to %while3A_92 step %while3A_98  : i32 {
      %dma_start3A = arith.constant 1 : i32
      %dma_start3A_118 = arith.constant 0 : i32
      %dma_start3A_119 = tpu.memref_slice %arg4[%while3A_117, %dma_start3A, %dma_start3A_118] : memref<79x2x128xi32, #tpu.memory_space<vmem>> -> memref<1x1x128xi32, #tpu.memory_space<vmem>>
      %dma_start3A_120 = tpu.memref_squeeze %dma_start3A_119 : memref<1x1x128xi32, #tpu.memory_space<vmem>> -> memref<128xi32, #tpu.memory_space<vmem>>
      %dma_start3A_121 = arith.constant 0 : i32
      %dma_start3A_122 = tpu.memref_slice %arg9[%dma_start3A_121] : memref<10240xf32, #tpu.memory_space<vmem_shared>> -> memref<10240xf32, #tpu.memory_space<vmem_shared>>
      tpu.enqueue_indirect_dma source(%arg5 : memref<128xf32, #tpu.memory_space<vmem>>) target(%dma_start3A_122 : memref<10240xf32, #tpu.memory_space<vmem_shared>>) offsets(%dma_start3A_120 : memref<128xi32, #tpu.memory_space<vmem>>) semaphore(%arg10 : memref<!tpu.dma_semaphore, #tpu.memory_space<semaphore_mem>>) {add = true}
    }
    %while3A_99 = arith.constant 0 : i32
    %while3A_100 = arith.constant 0 : i32
    %while3A_101 = arith.subi %add3A_4, %while3A_100 : i32
    %while3A_102 = arith.addi %while3A_100, %while3A_101 : i32
    %while3A_103 = arith.constant 1 : i32
    %while3A_104 = arith.divsi %while3A_101, %while3A_103 : i32
    %while3A_105 = arith.muli %while3A_104, %while3A_103 : i32
    %while3A_106 = arith.addi %while3A_100, %while3A_105 : i32
    %while3A_107 = arith.constant 1 : i32
    scf.for %while3A_117 = %while3A_100 to %while3A_106 step %while3A_107  : i32 {
      %dma_wait3A = arith.constant 1 : i32
      %dma_wait3A_118 = arith.constant 0 : i32
      %dma_wait3A_119 = tpu.memref_slice %arg4[%while3A_117, %dma_wait3A, %dma_wait3A_118] : memref<79x2x128xi32, #tpu.memory_space<vmem>> -> memref<1x1x128xi32, #tpu.memory_space<vmem>>
      %dma_wait3A_120 = tpu.memref_squeeze %dma_wait3A_119 : memref<1x1x128xi32, #tpu.memory_space<vmem>> -> memref<128xi32, #tpu.memory_space<vmem>>
      %dma_wait3A_121 = arith.constant 0 : i32
      %dma_wait3A_122 = tpu.memref_slice %arg9[%dma_wait3A_121] : memref<10240xf32, #tpu.memory_space<vmem_shared>> -> memref<10240xf32, #tpu.memory_space<vmem_shared>>
      tpu.wait_indirect_dma semaphore(%arg10 : memref<!tpu.dma_semaphore, #tpu.memory_space<semaphore_mem>>) src(%arg5 : memref<128xf32, #tpu.memory_space<vmem>>) dst(%dma_wait3A_122 : memref<10240xf32, #tpu.memory_space<vmem_shared>>)
    }
    %while3A_108 = arith.constant 1 : i32
    scf.for %while3A_117 = %while3A_106 to %while3A_102 step %while3A_108  : i32 {
      %dma_wait3A = arith.constant 1 : i32
      %dma_wait3A_118 = arith.constant 0 : i32
      %dma_wait3A_119 = tpu.memref_slice %arg4[%while3A_117, %dma_wait3A, %dma_wait3A_118] : memref<79x2x128xi32, #tpu.memory_space<vmem>> -> memref<1x1x128xi32, #tpu.memory_space<vmem>>
      %dma_wait3A_120 = tpu.memref_squeeze %dma_wait3A_119 : memref<1x1x128xi32, #tpu.memory_space<vmem>> -> memref<128xi32, #tpu.memory_space<vmem>>
      %dma_wait3A_121 = arith.constant 0 : i32
      %dma_wait3A_122 = tpu.memref_slice %arg9[%dma_wait3A_121] : memref<10240xf32, #tpu.memory_space<vmem_shared>> -> memref<10240xf32, #tpu.memory_space<vmem_shared>>
      tpu.wait_indirect_dma semaphore(%arg10 : memref<!tpu.dma_semaphore, #tpu.memory_space<semaphore_mem>>) src(%arg5 : memref<128xf32, #tpu.memory_space<vmem>>) dst(%dma_wait3A_122 : memref<10240xf32, #tpu.memory_space<vmem_shared>>)
    }
    %barrier3A_109 = arith.constant 0 : index
    tpu.barrier barrier_id(%barrier3A_109)
    "tpu.region"() ({
      %run_scoped3A = tpu.sem_alloc : memref<!tpu.dma_semaphore, #tpu.memory_space<semaphore_mem>>
      %dma_start3A = tpu.memref_slice %arg9[%mul3A_79] : memref<10240xf32, #tpu.memory_space<vmem_shared>> -> memref<640xf32, #tpu.memory_space<vmem_shared>>
      %dma_start3A_117 = tpu.memref_slice %arg9[%mul3A_79] : memref<10240xf32, #tpu.memory_space<vmem_shared>> -> memref<640xf32, #tpu.memory_space<vmem_shared>>
      tpu.enqueue_dma source(%dma_start3A_117 : memref<640xf32, #tpu.memory_space<vmem_shared>>) target(%arg7 : memref<640xf32, #tpu.memory_space<vmem>>) target_semaphore(%run_scoped3A : memref<!tpu.dma_semaphore, #tpu.memory_space<semaphore_mem>>)
      %dma_wait3A = tpu.memref_slice %arg9[%mul3A_79] : memref<10240xf32, #tpu.memory_space<vmem_shared>> -> memref<640xf32, #tpu.memory_space<vmem_shared>>
      %dma_wait3A_118 = tpu.memref_slice %arg9[%mul3A_79] : memref<10240xf32, #tpu.memory_space<vmem_shared>> -> memref<640xf32, #tpu.memory_space<vmem_shared>>
      tpu.wait_dma2 semaphore(%run_scoped3A : memref<!tpu.dma_semaphore, #tpu.memory_space<semaphore_mem>>) src(%dma_wait3A_118 : memref<640xf32, #tpu.memory_space<vmem_shared>>) dst(%arg7 : memref<640xf32, #tpu.memory_space<vmem>>)
      tpu.yield
    }) : () -> ()
    %scan3A = arith.constant 0 : i32
    %scan3A_110 = arith.constant 0 : i32
    %scan3A_111 = arith.constant 320 : i32
    %scan3A_112 = arith.addi %scan3A_110, %scan3A_111 : i32
    %scan3A_113 = arith.constant 1 : i32
    scf.for %scan3A_117 = %scan3A_110 to %scan3A_112 step %scan3A_113  : i32 {
      %mul3A_118 = arith.constant 2 : i32
      %mul3A_119 = arith.muli %mul3A_118, %scan3A_117 : i32
      %broadcast_in_dim3A_120 = vector.broadcast %mul3A_119 : i32 to vector<16xi32>
      %gather3A = tpu.vector_load_idx %arg7[%broadcast_in_dim3A_120] : memref<640xf32, #tpu.memory_space<vmem>>[vector<16xi32>], vector<16xf32>,
      %mul3A_121 = arith.constant 2 : i32
      %mul3A_122 = arith.muli %mul3A_121, %scan3A_117 : i32
      %add3A_123 = arith.constant 1 : i32
      %add3A_124 = arith.addi %mul3A_122, %add3A_123 : i32
      %broadcast_in_dim3A_125 = vector.broadcast %add3A_124 : i32 to vector<16xi32>
      %gather3A_126 = tpu.vector_load_idx %arg7[%broadcast_in_dim3A_125] : memref<640xf32, #tpu.memory_space<vmem>>[vector<16xi32>], vector<16xf32>,
      %swap3A_127 = arith.index_cast %scan3A_117 : i32 to index
      %swap3A_128 = arith.constant 0 : index
      %swap3A_129 = tpu.vector_load %arg8[%swap3A_127, %swap3A_128] {strides = array<i32>} : memref<320x128xf32, #tpu.memory_space<vmem>>, vector<16xf32>,
      tpu.vector_store %arg8[%swap3A_127, %swap3A_128], %gather3A {strides = array<i32>} : memref<320x128xf32, #tpu.memory_space<vmem>>, vector<16xf32>,
      %swap3A_130 = arith.index_cast %scan3A_117 : i32 to index
      %swap3A_131 = arith.constant 16 : index
      %swap3A_132 = tpu.vector_load %arg8[%swap3A_130, %swap3A_131] {strides = array<i32>} : memref<320x128xf32, #tpu.memory_space<vmem>>, vector<16xf32>,
      tpu.vector_store %arg8[%swap3A_130, %swap3A_131], %gather3A {strides = array<i32>} : memref<320x128xf32, #tpu.memory_space<vmem>>, vector<16xf32>,
      %swap3A_133 = arith.index_cast %scan3A_117 : i32 to index
      %swap3A_134 = arith.constant 32 : index
      %swap3A_135 = tpu.vector_load %arg8[%swap3A_133, %swap3A_134] {strides = array<i32>} : memref<320x128xf32, #tpu.memory_space<vmem>>, vector<16xf32>,
      tpu.vector_store %arg8[%swap3A_133, %swap3A_134], %gather3A {strides = array<i32>} : memref<320x128xf32, #tpu.memory_space<vmem>>, vector<16xf32>,
      %swap3A_136 = arith.index_cast %scan3A_117 : i32 to index
      %swap3A_137 = arith.constant 48 : index
      %swap3A_138 = tpu.vector_load %arg8[%swap3A_136, %swap3A_137] {strides = array<i32>} : memref<320x128xf32, #tpu.memory_space<vmem>>, vector<16xf32>,
      tpu.vector_store %arg8[%swap3A_136, %swap3A_137], %gather3A {strides = array<i32>} : memref<320x128xf32, #tpu.memory_space<vmem>>, vector<16xf32>,
      %swap3A_139 = arith.index_cast %scan3A_117 : i32 to index
      %swap3A_140 = arith.constant 64 : index
      %swap3A_141 = tpu.vector_load %arg8[%swap3A_139, %swap3A_140] {strides = array<i32>} : memref<320x128xf32, #tpu.memory_space<vmem>>, vector<16xf32>,
      tpu.vector_store %arg8[%swap3A_139, %swap3A_140], %gather3A_126 {strides = array<i32>} : memref<320x128xf32, #tpu.memory_space<vmem>>, vector<16xf32>,
      %swap3A_142 = arith.index_cast %scan3A_117 : i32 to index
      %swap3A_143 = arith.constant 80 : index
      %swap3A_144 = tpu.vector_load %arg8[%swap3A_142, %swap3A_143] {strides = array<i32>} : memref<320x128xf32, #tpu.memory_space<vmem>>, vector<16xf32>,
      tpu.vector_store %arg8[%swap3A_142, %swap3A_143], %gather3A_126 {strides = array<i32>} : memref<320x128xf32, #tpu.memory_space<vmem>>, vector<16xf32>,
      %swap3A_145 = arith.index_cast %scan3A_117 : i32 to index
      %swap3A_146 = arith.constant 96 : index
      %swap3A_147 = tpu.vector_load %arg8[%swap3A_145, %swap3A_146] {strides = array<i32>} : memref<320x128xf32, #tpu.memory_space<vmem>>, vector<16xf32>,
      tpu.vector_store %arg8[%swap3A_145, %swap3A_146], %gather3A_126 {strides = array<i32>} : memref<320x128xf32, #tpu.memory_space<vmem>>, vector<16xf32>,
      %swap3A_148 = arith.index_cast %scan3A_117 : i32 to index
      %swap3A_149 = arith.constant 112 : index
      %swap3A_150 = tpu.vector_load %arg8[%swap3A_148, %swap3A_149] {strides = array<i32>} : memref<320x128xf32, #tpu.memory_space<vmem>>, vector<16xf32>,
      tpu.vector_store %arg8[%swap3A_148, %swap3A_149], %gather3A_126 {strides = array<i32>} : memref<320x128xf32, #tpu.memory_space<vmem>>, vector<16xf32>,
    }
    %scan3A_114 = arith.constant 320 : i32
    %mul3A_115 = arith.constant 320 : i32
    %mul3A_116 = arith.muli %arg1, %mul3A_115 : i32
    "tpu.region"() ({
      %run_scoped3A = tpu.sem_alloc : memref<!tpu.dma_semaphore, #tpu.memory_space<semaphore_mem>>
      %dma_start3A = arith.constant 0 : i32
      %dma_start3A_117 = tpu.memref_slice %arg3[%arg0, %mul3A_116, %dma_start3A] : memref<2x5120x128xf32, #tpu.memory_space<hbm>> -> memref<1x320x128xf32, #tpu.memory_space<hbm>>
      %dma_start3A_118 = tpu.memref_squeeze %dma_start3A_117 : memref<1x320x128xf32, #tpu.memory_space<hbm>> -> memref<320x128xf32, #tpu.memory_space<hbm>>
      %dma_start3A_119 = arith.constant 0 : i32
      %dma_start3A_120 = tpu.memref_slice %arg3[%arg0, %mul3A_116, %dma_start3A_119] : memref<2x5120x128xf32, #tpu.memory_space<hbm>> -> memref<1x320x128xf32, #tpu.memory_space<hbm>>
      %dma_start3A_121 = tpu.memref_squeeze %dma_start3A_120 : memref<1x320x128xf32, #tpu.memory_space<hbm>> -> memref<320x128xf32, #tpu.memory_space<hbm>>
      tpu.enqueue_dma source(%arg8 : memref<320x128xf32, #tpu.memory_space<vmem>>) target(%dma_start3A_121 : memref<320x128xf32, #tpu.memory_space<hbm>>) target_semaphore(%run_scoped3A : memref<!tpu.dma_semaphore, #tpu.memory_space<semaphore_mem>>)
      %dma_wait3A = arith.constant 0 : i32
      %dma_wait3A_122 = tpu.memref_slice %arg3[%arg0, %mul3A_116, %dma_wait3A] : memref<2x5120x128xf32, #tpu.memory_space<hbm>> -> memref<1x320x128xf32, #tpu.memory_space<hbm>>
      %dma_wait3A_123 = tpu.memref_squeeze %dma_wait3A_122 : memref<1x320x128xf32, #tpu.memory_space<hbm>> -> memref<320x128xf32, #tpu.memory_space<hbm>>
      %dma_wait3A_124 = arith.constant 0 : i32
      %dma_wait3A_125 = tpu.memref_slice %arg3[%arg0, %mul3A_116, %dma_wait3A_124] : memref<2x5120x128xf32, #tpu.memory_space<hbm>> -> memref<1x320x128xf32, #tpu.memory_space<hbm>>
      %dma_wait3A_126 = tpu.memref_squeeze %dma_wait3A_125 : memref<1x320x128xf32, #tpu.memory_space<hbm>> -> memref<320x128xf32, #tpu.memory_space<hbm>>
      tpu.wait_dma2 semaphore(%run_scoped3A : memref<!tpu.dma_semaphore, #tpu.memory_space<semaphore_mem>>) src(%arg8 : memref<320x128xf32, #tpu.memory_space<vmem>>) dst(%dma_wait3A_126 : memref<320x128xf32, #tpu.memory_space<hbm>>)
      tpu.yield
    }) : () -> ()
    return
  }
}

#map = affine_map<(d0, d1) -> (0, 0)>
#map1 = affine_map<(d0, d1) -> (0, 0, 0)>
module attributes {stable_mosaic.version = 14 : i64} {
  func.func @_agg_body(%arg0: i32, %arg1: i32, %arg2: memref<10000x64xf32, #tpu.memory_space<hbm>>, %arg3: memref<2560x2x128xi32, #tpu.memory_space<hbm>>, %arg4: memref<2x10240x64xf32, #tpu.memory_space<hbm>>, %arg5: memref<80x2x128xi32, #tpu.memory_space<vmem>>, %arg6: memref<128x64xf32, #tpu.memory_space<vmem>>, %arg7: memref<128x64xf32, #tpu.memory_space<vmem>>, %arg8: memref<128x64xf32, #tpu.memory_space<vmem>>, %arg9: memref<128x64xf32, #tpu.memory_space<vmem>>, %arg10: memref<128x64xf32, #tpu.memory_space<vmem>>, %arg11: memref<128x64xf32, #tpu.memory_space<vmem>>, %arg12: memref<128x64xf32, #tpu.memory_space<vmem>>, %arg13: memref<128x64xf32, #tpu.memory_space<vmem>>, %arg14: memref<!tpu.dma_semaphore, #tpu.memory_space<semaphore_mem>>, %arg15: memref<!tpu.dma_semaphore, #tpu.memory_space<semaphore_mem>>, %arg16: memref<!tpu.dma_semaphore, #tpu.memory_space<semaphore_mem>>, %arg17: memref<!tpu.dma_semaphore, #tpu.memory_space<semaphore_mem>>, %arg18: memref<!tpu.dma_semaphore, #tpu.memory_space<semaphore_mem>>, %arg19: memref<!tpu.dma_semaphore, #tpu.memory_space<semaphore_mem>>, %arg20: memref<!tpu.dma_semaphore, #tpu.memory_space<semaphore_mem>>, %arg21: memref<!tpu.dma_semaphore, #tpu.memory_space<semaphore_mem>>, %arg22: memref<!tpu.dma_semaphore, #tpu.memory_space<semaphore_mem>>, %arg23: memref<!tpu.dma_semaphore, #tpu.memory_space<semaphore_mem>>, %arg24: memref<!tpu.dma_semaphore, #tpu.memory_space<semaphore_mem>>, %arg25: memref<!tpu.dma_semaphore, #tpu.memory_space<semaphore_mem>>, %arg26: memref<!tpu.dma_semaphore, #tpu.memory_space<semaphore_mem>>, %arg27: memref<!tpu.dma_semaphore, #tpu.memory_space<semaphore_mem>>, %arg28: memref<!tpu.dma_semaphore, #tpu.memory_space<semaphore_mem>>, %arg29: memref<!tpu.dma_semaphore, #tpu.memory_space<semaphore_mem>>, %arg30: memref<10240x64xf32, #tpu.memory_space<vmem_shared>>) attributes {dimension_semantics = [#tpu.dimension_semantics<core_parallel>, #tpu.dimension_semantics<subcore_parallel>], iteration_bounds = array<i64: 2, 16>, scalar_prefetch = 0 : i64, scratch_operands = 26 : i64, tpu.core_type = #tpu.core_type<sc_vector_subcore>, window_params = [{transform_indices = #map}, {transform_indices = #map1}, {transform_indices = #map1}]} {
    %mul3A = arith.constant 16 : i32
    %mul3A_0 = arith.muli %arg0, %mul3A : i32
    %add3A = arith.addi %mul3A_0, %arg1 : i32
    %mul3A_1 = arith.constant 80 : i32
    %mul3A_2 = arith.muli %add3A, %mul3A_1 : i32
    "tpu.region"() ({
      %run_scoped3A = tpu.sem_alloc : memref<!tpu.dma_semaphore, #tpu.memory_space<semaphore_mem>>
      %dma_start3A_95 = arith.constant 0 : i32
      %dma_start3A_96 = arith.constant 0 : i32
      %dma_start3A_97 = tpu.memref_slice %arg3[%mul3A_2, %dma_start3A_95, %dma_start3A_96] : memref<2560x2x128xi32, #tpu.memory_space<hbm>> -> memref<80x2x128xi32, #tpu.memory_space<hbm>>
      %dma_start3A_98 = arith.constant 0 : i32
      %dma_start3A_99 = arith.constant 0 : i32
      %dma_start3A_100 = tpu.memref_slice %arg3[%mul3A_2, %dma_start3A_98, %dma_start3A_99] : memref<2560x2x128xi32, #tpu.memory_space<hbm>> -> memref<80x2x128xi32, #tpu.memory_space<hbm>>
      tpu.enqueue_dma source(%dma_start3A_100 : memref<80x2x128xi32, #tpu.memory_space<hbm>>) target(%arg5 : memref<80x2x128xi32, #tpu.memory_space<vmem>>) target_semaphore(%run_scoped3A : memref<!tpu.dma_semaphore, #tpu.memory_space<semaphore_mem>>)
      %dma_wait3A_101 = arith.constant 0 : i32
      %dma_wait3A_102 = arith.constant 0 : i32
      %dma_wait3A_103 = tpu.memref_slice %arg3[%mul3A_2, %dma_wait3A_101, %dma_wait3A_102] : memref<2560x2x128xi32, #tpu.memory_space<hbm>> -> memref<80x2x128xi32, #tpu.memory_space<hbm>>
      %dma_wait3A_104 = arith.constant 0 : i32
      %dma_wait3A_105 = arith.constant 0 : i32
      %dma_wait3A_106 = tpu.memref_slice %arg3[%mul3A_2, %dma_wait3A_104, %dma_wait3A_105] : memref<2560x2x128xi32, #tpu.memory_space<hbm>> -> memref<80x2x128xi32, #tpu.memory_space<hbm>>
      tpu.wait_dma2 semaphore(%run_scoped3A : memref<!tpu.dma_semaphore, #tpu.memory_space<semaphore_mem>>) src(%dma_wait3A_106 : memref<80x2x128xi32, #tpu.memory_space<hbm>>) dst(%arg5 : memref<80x2x128xi32, #tpu.memory_space<vmem>>)
      tpu.yield
    }) : () -> ()
    %scan3A = arith.constant 0 : i32
    %scan3A_3 = arith.constant 0 : i32
    %scan3A_4 = arith.constant 128 : i32
    %scan3A_5 = arith.addi %scan3A_3, %scan3A_4 : i32
    %scan3A_6 = arith.constant 1 : i32
    scf.for %scan3A_95 = %scan3A_3 to %scan3A_5 step %scan3A_6  : i32 {
      %broadcast_in_dim3A = arith.constant 0.000000e+00 : f32
      %broadcast_in_dim3A_96 = vector.broadcast %broadcast_in_dim3A : f32 to vector<16xf32>
      %swap3A = arith.index_cast %scan3A_95 : i32 to index
      %swap3A_97 = arith.constant 0 : index
      %swap3A_98 = tpu.vector_load %arg6[%swap3A, %swap3A_97] {strides = array<i32>} : memref<128x64xf32, #tpu.memory_space<vmem>>, vector<1x16xf32>,
      %swap3A_99 = vector.shape_cast %swap3A_98 : vector<1x16xf32> to vector<16xf32>
      %swap3A_100 = vector.shape_cast %broadcast_in_dim3A_96 : vector<16xf32> to vector<1x16xf32>
      tpu.vector_store %arg6[%swap3A, %swap3A_97], %swap3A_100 {strides = array<i32>} : memref<128x64xf32, #tpu.memory_space<vmem>>, vector<1x16xf32>,
      %broadcast_in_dim3A_101 = arith.constant 0.000000e+00 : f32
      %broadcast_in_dim3A_102 = vector.broadcast %broadcast_in_dim3A_101 : f32 to vector<16xf32>
      %swap3A_103 = arith.index_cast %scan3A_95 : i32 to index
      %swap3A_104 = arith.constant 16 : index
      %swap3A_105 = tpu.vector_load %arg6[%swap3A_103, %swap3A_104] {strides = array<i32>} : memref<128x64xf32, #tpu.memory_space<vmem>>, vector<1x16xf32>,
      %swap3A_106 = vector.shape_cast %swap3A_105 : vector<1x16xf32> to vector<16xf32>
      %swap3A_107 = vector.shape_cast %broadcast_in_dim3A_102 : vector<16xf32> to vector<1x16xf32>
      tpu.vector_store %arg6[%swap3A_103, %swap3A_104], %swap3A_107 {strides = array<i32>} : memref<128x64xf32, #tpu.memory_space<vmem>>, vector<1x16xf32>,
      %broadcast_in_dim3A_108 = arith.constant 0.000000e+00 : f32
      %broadcast_in_dim3A_109 = vector.broadcast %broadcast_in_dim3A_108 : f32 to vector<16xf32>
      %swap3A_110 = arith.index_cast %scan3A_95 : i32 to index
      %swap3A_111 = arith.constant 32 : index
      %swap3A_112 = tpu.vector_load %arg6[%swap3A_110, %swap3A_111] {strides = array<i32>} : memref<128x64xf32, #tpu.memory_space<vmem>>, vector<1x16xf32>,
      %swap3A_113 = vector.shape_cast %swap3A_112 : vector<1x16xf32> to vector<16xf32>
      %swap3A_114 = vector.shape_cast %broadcast_in_dim3A_109 : vector<16xf32> to vector<1x16xf32>
      tpu.vector_store %arg6[%swap3A_110, %swap3A_111], %swap3A_114 {strides = array<i32>} : memref<128x64xf32, #tpu.memory_space<vmem>>, vector<1x16xf32>,
      %broadcast_in_dim3A_115 = arith.constant 0.000000e+00 : f32
      %broadcast_in_dim3A_116 = vector.broadcast %broadcast_in_dim3A_115 : f32 to vector<16xf32>
      %swap3A_117 = arith.index_cast %scan3A_95 : i32 to index
      %swap3A_118 = arith.constant 48 : index
      %swap3A_119 = tpu.vector_load %arg6[%swap3A_117, %swap3A_118] {strides = array<i32>} : memref<128x64xf32, #tpu.memory_space<vmem>>, vector<1x16xf32>,
      %swap3A_120 = vector.shape_cast %swap3A_119 : vector<1x16xf32> to vector<16xf32>
      %swap3A_121 = vector.shape_cast %broadcast_in_dim3A_116 : vector<16xf32> to vector<1x16xf32>
      tpu.vector_store %arg6[%swap3A_117, %swap3A_118], %swap3A_121 {strides = array<i32>} : memref<128x64xf32, #tpu.memory_space<vmem>>, vector<1x16xf32>,
    }
    %scan3A_7 = arith.constant 128 : i32
    %mul3A_8 = arith.constant 640 : i32
    %mul3A_9 = arith.muli %arg1, %mul3A_8 : i32
    %eq3A = arith.constant 0 : i32
    %eq3A_10 = arith.cmpi eq, %arg0, %eq3A : i32
    %lt3A = arith.constant 15 : i32
    %lt3A_11 = arith.cmpi slt, %arg1, %lt3A : i32
    %and3A = arith.andi %eq3A_10, %lt3A_11 : i1
    %convert_element_type3A = arith.extui %and3A : i1 to i32
    %cond3A = arith.constant 0 : i32
    %cond3A_12 = arith.cmpi ne, %convert_element_type3A, %cond3A : i32
    scf.if %cond3A_12 {
      "tpu.region"() ({
        %run_scoped3A = tpu.sem_alloc : memref<!tpu.dma_semaphore, #tpu.memory_space<semaphore_mem>>
        %dma_start3A_95 = arith.constant 0 : i32
        %dma_start3A_96 = tpu.memref_slice %arg30[%mul3A_9, %dma_start3A_95] : memref<10240x64xf32, #tpu.memory_space<vmem_shared>> -> memref<640x64xf32, #tpu.memory_space<vmem_shared>>
        %dma_start3A_97 = arith.constant 0 : i32
        %dma_start3A_98 = tpu.memref_slice %arg2[%mul3A_9, %dma_start3A_97] : memref<10000x64xf32, #tpu.memory_space<hbm>> -> memref<640x64xf32, #tpu.memory_space<hbm>>
        tpu.enqueue_dma source(%dma_start3A_98 : memref<640x64xf32, #tpu.memory_space<hbm>>) target(%dma_start3A_96 : memref<640x64xf32, #tpu.memory_space<vmem_shared>>) target_semaphore(%run_scoped3A : memref<!tpu.dma_semaphore, #tpu.memory_space<semaphore_mem>>)
        %dma_wait3A_99 = arith.constant 0 : i32
        %dma_wait3A_100 = tpu.memref_slice %arg30[%mul3A_9, %dma_wait3A_99] : memref<10240x64xf32, #tpu.memory_space<vmem_shared>> -> memref<640x64xf32, #tpu.memory_space<vmem_shared>>
        %dma_wait3A_101 = arith.constant 0 : i32
        %dma_wait3A_102 = tpu.memref_slice %arg2[%mul3A_9, %dma_wait3A_101] : memref<10000x64xf32, #tpu.memory_space<hbm>> -> memref<640x64xf32, #tpu.memory_space<hbm>>
        tpu.wait_dma2 semaphore(%run_scoped3A : memref<!tpu.dma_semaphore, #tpu.memory_space<semaphore_mem>>) src(%dma_wait3A_102 : memref<640x64xf32, #tpu.memory_space<hbm>>) dst(%dma_wait3A_100 : memref<640x64xf32, #tpu.memory_space<vmem_shared>>)
        tpu.yield
      }) : () -> ()
    } else {
    }
    %eq3A_13 = arith.constant 0 : i32
    %eq3A_14 = arith.cmpi eq, %arg0, %eq3A_13 : i32
    %eq3A_15 = arith.constant 15 : i32
    %eq3A_16 = arith.cmpi eq, %arg1, %eq3A_15 : i32
    %and3A_17 = arith.andi %eq3A_14, %eq3A_16 : i1
    %convert_element_type3A_18 = arith.extui %and3A_17 : i1 to i32
    %cond3A_19 = arith.constant 0 : i32
    %cond3A_20 = arith.cmpi ne, %convert_element_type3A_18, %cond3A_19 : i32
    scf.if %cond3A_20 {
      "tpu.region"() ({
        %run_scoped3A = tpu.sem_alloc : memref<!tpu.dma_semaphore, #tpu.memory_space<semaphore_mem>>
        %dma_start3A_95 = arith.constant 9600 : i32
        %dma_start3A_96 = arith.constant 0 : i32
        %dma_start3A_97 = tpu.memref_slice %arg30[%dma_start3A_95, %dma_start3A_96] : memref<10240x64xf32, #tpu.memory_space<vmem_shared>> -> memref<400x64xf32, #tpu.memory_space<vmem_shared>>
        %dma_start3A_98 = arith.constant 9600 : i32
        %dma_start3A_99 = arith.constant 0 : i32
        %dma_start3A_100 = tpu.memref_slice %arg2[%dma_start3A_98, %dma_start3A_99] : memref<10000x64xf32, #tpu.memory_space<hbm>> -> memref<400x64xf32, #tpu.memory_space<hbm>>
        tpu.enqueue_dma source(%dma_start3A_100 : memref<400x64xf32, #tpu.memory_space<hbm>>) target(%dma_start3A_97 : memref<400x64xf32, #tpu.memory_space<vmem_shared>>) target_semaphore(%run_scoped3A : memref<!tpu.dma_semaphore, #tpu.memory_space<semaphore_mem>>)
        %dma_wait3A_101 = arith.constant 9600 : i32
        %dma_wait3A_102 = arith.constant 0 : i32
        %dma_wait3A_103 = tpu.memref_slice %arg30[%dma_wait3A_101, %dma_wait3A_102] : memref<10240x64xf32, #tpu.memory_space<vmem_shared>> -> memref<400x64xf32, #tpu.memory_space<vmem_shared>>
        %dma_wait3A_104 = arith.constant 9600 : i32
        %dma_wait3A_105 = arith.constant 0 : i32
        %dma_wait3A_106 = tpu.memref_slice %arg2[%dma_wait3A_104, %dma_wait3A_105] : memref<10000x64xf32, #tpu.memory_space<hbm>> -> memref<400x64xf32, #tpu.memory_space<hbm>>
        tpu.wait_dma2 semaphore(%run_scoped3A : memref<!tpu.dma_semaphore, #tpu.memory_space<semaphore_mem>>) src(%dma_wait3A_106 : memref<400x64xf32, #tpu.memory_space<hbm>>) dst(%dma_wait3A_103 : memref<400x64xf32, #tpu.memory_space<vmem_shared>>)
        tpu.yield
      }) : () -> ()
      "tpu.region"() ({
        %run_scoped3A = tpu.sem_alloc : memref<!tpu.dma_semaphore, #tpu.memory_space<semaphore_mem>>
        %dma_start3A_95 = arith.constant 10000 : i32
        %dma_start3A_96 = arith.constant 0 : i32
        %dma_start3A_97 = tpu.memref_slice %arg30[%dma_start3A_95, %dma_start3A_96] : memref<10240x64xf32, #tpu.memory_space<vmem_shared>> -> memref<128x64xf32, #tpu.memory_space<vmem_shared>>
        %dma_start3A_98 = arith.constant 10000 : i32
        %dma_start3A_99 = arith.constant 0 : i32
        %dma_start3A_100 = tpu.memref_slice %arg30[%dma_start3A_98, %dma_start3A_99] : memref<10240x64xf32, #tpu.memory_space<vmem_shared>> -> memref<128x64xf32, #tpu.memory_space<vmem_shared>>
        tpu.enqueue_dma source(%arg6 : memref<128x64xf32, #tpu.memory_space<vmem>>) target(%dma_start3A_100 : memref<128x64xf32, #tpu.memory_space<vmem_shared>>) target_semaphore(%run_scoped3A : memref<!tpu.dma_semaphore, #tpu.memory_space<semaphore_mem>>)
        %dma_wait3A_101 = arith.constant 10000 : i32
        %dma_wait3A_102 = arith.constant 0 : i32
        %dma_wait3A_103 = tpu.memref_slice %arg30[%dma_wait3A_101, %dma_wait3A_102] : memref<10240x64xf32, #tpu.memory_space<vmem_shared>> -> memref<128x64xf32, #tpu.memory_space<vmem_shared>>
        %dma_wait3A_104 = arith.constant 10000 : i32
        %dma_wait3A_105 = arith.constant 0 : i32
        %dma_wait3A_106 = tpu.memref_slice %arg30[%dma_wait3A_104, %dma_wait3A_105] : memref<10240x64xf32, #tpu.memory_space<vmem_shared>> -> memref<128x64xf32, #tpu.memory_space<vmem_shared>>
        tpu.wait_dma2 semaphore(%run_scoped3A : memref<!tpu.dma_semaphore, #tpu.memory_space<semaphore_mem>>) src(%arg6 : memref<128x64xf32, #tpu.memory_space<vmem>>) dst(%dma_wait3A_106 : memref<128x64xf32, #tpu.memory_space<vmem_shared>>)
        tpu.yield
      }) : () -> ()
      "tpu.region"() ({
        %run_scoped3A = tpu.sem_alloc : memref<!tpu.dma_semaphore, #tpu.memory_space<semaphore_mem>>
        %dma_start3A_95 = arith.constant 0 : i32
        %dma_start3A_96 = arith.constant 0 : i32
        %dma_start3A_97 = tpu.memref_slice %arg6[%dma_start3A_95, %dma_start3A_96] : memref<128x64xf32, #tpu.memory_space<vmem>> -> memref<112x64xf32, #tpu.memory_space<vmem>>
        %dma_start3A_98 = arith.constant 10128 : i32
        %dma_start3A_99 = arith.constant 0 : i32
        %dma_start3A_100 = tpu.memref_slice %arg30[%dma_start3A_98, %dma_start3A_99] : memref<10240x64xf32, #tpu.memory_space<vmem_shared>> -> memref<112x64xf32, #tpu.memory_space<vmem_shared>>
        %dma_start3A_101 = arith.constant 10128 : i32
        %dma_start3A_102 = arith.constant 0 : i32
        %dma_start3A_103 = tpu.memref_slice %arg30[%dma_start3A_101, %dma_start3A_102] : memref<10240x64xf32, #tpu.memory_space<vmem_shared>> -> memref<112x64xf32, #tpu.memory_space<vmem_shared>>
        %dma_start3A_104 = arith.constant 0 : i32
        %dma_start3A_105 = arith.constant 0 : i32
        %dma_start3A_106 = tpu.memref_slice %arg6[%dma_start3A_104, %dma_start3A_105] : memref<128x64xf32, #tpu.memory_space<vmem>> -> memref<112x64xf32, #tpu.memory_space<vmem>>
        tpu.enqueue_dma source(%dma_start3A_106 : memref<112x64xf32, #tpu.memory_space<vmem>>) target(%dma_start3A_103 : memref<112x64xf32, #tpu.memory_space<vmem_shared>>) target_semaphore(%run_scoped3A : memref<!tpu.dma_semaphore, #tpu.memory_space<semaphore_mem>>)
        %dma_wait3A_107 = arith.constant 0 : i32
        %dma_wait3A_108 = arith.constant 0 : i32
        %dma_wait3A_109 = tpu.memref_slice %arg6[%dma_wait3A_107, %dma_wait3A_108] : memref<128x64xf32, #tpu.memory_space<vmem>> -> memref<112x64xf32, #tpu.memory_space<vmem>>
        %dma_wait3A_110 = arith.constant 10128 : i32
        %dma_wait3A_111 = arith.constant 0 : i32
        %dma_wait3A_112 = tpu.memref_slice %arg30[%dma_wait3A_110, %dma_wait3A_111] : memref<10240x64xf32, #tpu.memory_space<vmem_shared>> -> memref<112x64xf32, #tpu.memory_space<vmem_shared>>
        %dma_wait3A_113 = arith.constant 10128 : i32
        %dma_wait3A_114 = arith.constant 0 : i32
        %dma_wait3A_115 = tpu.memref_slice %arg30[%dma_wait3A_113, %dma_wait3A_114] : memref<10240x64xf32, #tpu.memory_space<vmem_shared>> -> memref<112x64xf32, #tpu.memory_space<vmem_shared>>
        %dma_wait3A_116 = arith.constant 0 : i32
        %dma_wait3A_117 = arith.constant 0 : i32
        %dma_wait3A_118 = tpu.memref_slice %arg6[%dma_wait3A_116, %dma_wait3A_117] : memref<128x64xf32, #tpu.memory_space<vmem>> -> memref<112x64xf32, #tpu.memory_space<vmem>>
        tpu.wait_dma2 semaphore(%run_scoped3A : memref<!tpu.dma_semaphore, #tpu.memory_space<semaphore_mem>>) src(%dma_wait3A_118 : memref<112x64xf32, #tpu.memory_space<vmem>>) dst(%dma_wait3A_115 : memref<112x64xf32, #tpu.memory_space<vmem_shared>>)
        tpu.yield
      }) : () -> ()
    } else {
    }
    %eq3A_21 = arith.constant 1 : i32
    %eq3A_22 = arith.cmpi eq, %arg0, %eq3A_21 : i32
    %convert_element_type3A_23 = arith.extui %eq3A_22 : i1 to i32
    %cond3A_24 = arith.constant 0 : i32
    %cond3A_25 = arith.cmpi ne, %convert_element_type3A_23, %cond3A_24 : i32
    scf.if %cond3A_25 {
      %add3A_95 = arith.constant 0 : i32
      %add3A_96 = arith.addi %mul3A_9, %add3A_95 : i32
      "tpu.region"() ({
        %run_scoped3A = tpu.sem_alloc : memref<!tpu.dma_semaphore, #tpu.memory_space<semaphore_mem>>
        %dma_start3A_105 = arith.constant 0 : i32
        %dma_start3A_106 = tpu.memref_slice %arg30[%add3A_96, %dma_start3A_105] : memref<10240x64xf32, #tpu.memory_space<vmem_shared>> -> memref<128x64xf32, #tpu.memory_space<vmem_shared>>
        %dma_start3A_107 = arith.constant 0 : i32
        %dma_start3A_108 = tpu.memref_slice %arg30[%add3A_96, %dma_start3A_107] : memref<10240x64xf32, #tpu.memory_space<vmem_shared>> -> memref<128x64xf32, #tpu.memory_space<vmem_shared>>
        tpu.enqueue_dma source(%arg6 : memref<128x64xf32, #tpu.memory_space<vmem>>) target(%dma_start3A_108 : memref<128x64xf32, #tpu.memory_space<vmem_shared>>) target_semaphore(%run_scoped3A : memref<!tpu.dma_semaphore, #tpu.memory_space<semaphore_mem>>)
        %dma_wait3A_109 = arith.constant 0 : i32
        %dma_wait3A_110 = tpu.memref_slice %arg30[%add3A_96, %dma_wait3A_109] : memref<10240x64xf32, #tpu.memory_space<vmem_shared>> -> memref<128x64xf32, #tpu.memory_space<vmem_shared>>
        %dma_wait3A_111 = arith.constant 0 : i32
        %dma_wait3A_112 = tpu.memref_slice %arg30[%add3A_96, %dma_wait3A_111] : memref<10240x64xf32, #tpu.memory_space<vmem_shared>> -> memref<128x64xf32, #tpu.memory_space<vmem_shared>>
        tpu.wait_dma2 semaphore(%run_scoped3A : memref<!tpu.dma_semaphore, #tpu.memory_space<semaphore_mem>>) src(%arg6 : memref<128x64xf32, #tpu.memory_space<vmem>>) dst(%dma_wait3A_112 : memref<128x64xf32, #tpu.memory_space<vmem_shared>>)
        tpu.yield
      }) : () -> ()
      %add3A_97 = arith.constant 128 : i32
      %add3A_98 = arith.addi %mul3A_9, %add3A_97 : i32
      "tpu.region"() ({
        %run_scoped3A = tpu.sem_alloc : memref<!tpu.dma_semaphore, #tpu.memory_space<semaphore_mem>>
        %dma_start3A_105 = arith.constant 0 : i32
        %dma_start3A_106 = tpu.memref_slice %arg30[%add3A_98, %dma_start3A_105] : memref<10240x64xf32, #tpu.memory_space<vmem_shared>> -> memref<128x64xf32, #tpu.memory_space<vmem_shared>>
        %dma_start3A_107 = arith.constant 0 : i32
        %dma_start3A_108 = tpu.memref_slice %arg30[%add3A_98, %dma_start3A_107] : memref<10240x64xf32, #tpu.memory_space<vmem_shared>> -> memref<128x64xf32, #tpu.memory_space<vmem_shared>>
        tpu.enqueue_dma source(%arg6 : memref<128x64xf32, #tpu.memory_space<vmem>>) target(%dma_start3A_108 : memref<128x64xf32, #tpu.memory_space<vmem_shared>>) target_semaphore(%run_scoped3A : memref<!tpu.dma_semaphore, #tpu.memory_space<semaphore_mem>>)
        %dma_wait3A_109 = arith.constant 0 : i32
        %dma_wait3A_110 = tpu.memref_slice %arg30[%add3A_98, %dma_wait3A_109] : memref<10240x64xf32, #tpu.memory_space<vmem_shared>> -> memref<128x64xf32, #tpu.memory_space<vmem_shared>>
        %dma_wait3A_111 = arith.constant 0 : i32
        %dma_wait3A_112 = tpu.memref_slice %arg30[%add3A_98, %dma_wait3A_111] : memref<10240x64xf32, #tpu.memory_space<vmem_shared>> -> memref<128x64xf32, #tpu.memory_space<vmem_shared>>
        tpu.wait_dma2 semaphore(%run_scoped3A : memref<!tpu.dma_semaphore, #tpu.memory_space<semaphore_mem>>) src(%arg6 : memref<128x64xf32, #tpu.memory_space<vmem>>) dst(%dma_wait3A_112 : memref<128x64xf32, #tpu.memory_space<vmem_shared>>)
        tpu.yield
      }) : () -> ()
      %add3A_99 = arith.constant 256 : i32
      %add3A_100 = arith.addi %mul3A_9, %add3A_99 : i32
      "tpu.region"() ({
        %run_scoped3A = tpu.sem_alloc : memref<!tpu.dma_semaphore, #tpu.memory_space<semaphore_mem>>
        %dma_start3A_105 = arith.constant 0 : i32
        %dma_start3A_106 = tpu.memref_slice %arg30[%add3A_100, %dma_start3A_105] : memref<10240x64xf32, #tpu.memory_space<vmem_shared>> -> memref<128x64xf32, #tpu.memory_space<vmem_shared>>
        %dma_start3A_107 = arith.constant 0 : i32
        %dma_start3A_108 = tpu.memref_slice %arg30[%add3A_100, %dma_start3A_107] : memref<10240x64xf32, #tpu.memory_space<vmem_shared>> -> memref<128x64xf32, #tpu.memory_space<vmem_shared>>
        tpu.enqueue_dma source(%arg6 : memref<128x64xf32, #tpu.memory_space<vmem>>) target(%dma_start3A_108 : memref<128x64xf32, #tpu.memory_space<vmem_shared>>) target_semaphore(%run_scoped3A : memref<!tpu.dma_semaphore, #tpu.memory_space<semaphore_mem>>)
        %dma_wait3A_109 = arith.constant 0 : i32
        %dma_wait3A_110 = tpu.memref_slice %arg30[%add3A_100, %dma_wait3A_109] : memref<10240x64xf32, #tpu.memory_space<vmem_shared>> -> memref<128x64xf32, #tpu.memory_space<vmem_shared>>
        %dma_wait3A_111 = arith.constant 0 : i32
        %dma_wait3A_112 = tpu.memref_slice %arg30[%add3A_100, %dma_wait3A_111] : memref<10240x64xf32, #tpu.memory_space<vmem_shared>> -> memref<128x64xf32, #tpu.memory_space<vmem_shared>>
        tpu.wait_dma2 semaphore(%run_scoped3A : memref<!tpu.dma_semaphore, #tpu.memory_space<semaphore_mem>>) src(%arg6 : memref<128x64xf32, #tpu.memory_space<vmem>>) dst(%dma_wait3A_112 : memref<128x64xf32, #tpu.memory_space<vmem_shared>>)
        tpu.yield
      }) : () -> ()
      %add3A_101 = arith.constant 384 : i32
      %add3A_102 = arith.addi %mul3A_9, %add3A_101 : i32
      "tpu.region"() ({
        %run_scoped3A = tpu.sem_alloc : memref<!tpu.dma_semaphore, #tpu.memory_space<semaphore_mem>>
        %dma_start3A_105 = arith.constant 0 : i32
        %dma_start3A_106 = tpu.memref_slice %arg30[%add3A_102, %dma_start3A_105] : memref<10240x64xf32, #tpu.memory_space<vmem_shared>> -> memref<128x64xf32, #tpu.memory_space<vmem_shared>>
        %dma_start3A_107 = arith.constant 0 : i32
        %dma_start3A_108 = tpu.memref_slice %arg30[%add3A_102, %dma_start3A_107] : memref<10240x64xf32, #tpu.memory_space<vmem_shared>> -> memref<128x64xf32, #tpu.memory_space<vmem_shared>>
        tpu.enqueue_dma source(%arg6 : memref<128x64xf32, #tpu.memory_space<vmem>>) target(%dma_start3A_108 : memref<128x64xf32, #tpu.memory_space<vmem_shared>>) target_semaphore(%run_scoped3A : memref<!tpu.dma_semaphore, #tpu.memory_space<semaphore_mem>>)
        %dma_wait3A_109 = arith.constant 0 : i32
        %dma_wait3A_110 = tpu.memref_slice %arg30[%add3A_102, %dma_wait3A_109] : memref<10240x64xf32, #tpu.memory_space<vmem_shared>> -> memref<128x64xf32, #tpu.memory_space<vmem_shared>>
        %dma_wait3A_111 = arith.constant 0 : i32
        %dma_wait3A_112 = tpu.memref_slice %arg30[%add3A_102, %dma_wait3A_111] : memref<10240x64xf32, #tpu.memory_space<vmem_shared>> -> memref<128x64xf32, #tpu.memory_space<vmem_shared>>
        tpu.wait_dma2 semaphore(%run_scoped3A : memref<!tpu.dma_semaphore, #tpu.memory_space<semaphore_mem>>) src(%arg6 : memref<128x64xf32, #tpu.memory_space<vmem>>) dst(%dma_wait3A_112 : memref<128x64xf32, #tpu.memory_space<vmem_shared>>)
        tpu.yield
      }) : () -> ()
      %add3A_103 = arith.constant 512 : i32
      %add3A_104 = arith.addi %mul3A_9, %add3A_103 : i32
      "tpu.region"() ({
        %run_scoped3A = tpu.sem_alloc : memref<!tpu.dma_semaphore, #tpu.memory_space<semaphore_mem>>
        %dma_start3A_105 = arith.constant 0 : i32
        %dma_start3A_106 = tpu.memref_slice %arg30[%add3A_104, %dma_start3A_105] : memref<10240x64xf32, #tpu.memory_space<vmem_shared>> -> memref<128x64xf32, #tpu.memory_space<vmem_shared>>
        %dma_start3A_107 = arith.constant 0 : i32
        %dma_start3A_108 = tpu.memref_slice %arg30[%add3A_104, %dma_start3A_107] : memref<10240x64xf32, #tpu.memory_space<vmem_shared>> -> memref<128x64xf32, #tpu.memory_space<vmem_shared>>
        tpu.enqueue_dma source(%arg6 : memref<128x64xf32, #tpu.memory_space<vmem>>) target(%dma_start3A_108 : memref<128x64xf32, #tpu.memory_space<vmem_shared>>) target_semaphore(%run_scoped3A : memref<!tpu.dma_semaphore, #tpu.memory_space<semaphore_mem>>)
        %dma_wait3A_109 = arith.constant 0 : i32
        %dma_wait3A_110 = tpu.memref_slice %arg30[%add3A_104, %dma_wait3A_109] : memref<10240x64xf32, #tpu.memory_space<vmem_shared>> -> memref<128x64xf32, #tpu.memory_space<vmem_shared>>
        %dma_wait3A_111 = arith.constant 0 : i32
        %dma_wait3A_112 = tpu.memref_slice %arg30[%add3A_104, %dma_wait3A_111] : memref<10240x64xf32, #tpu.memory_space<vmem_shared>> -> memref<128x64xf32, #tpu.memory_space<vmem_shared>>
        tpu.wait_dma2 semaphore(%run_scoped3A : memref<!tpu.dma_semaphore, #tpu.memory_space<semaphore_mem>>) src(%arg6 : memref<128x64xf32, #tpu.memory_space<vmem>>) dst(%dma_wait3A_112 : memref<128x64xf32, #tpu.memory_space<vmem_shared>>)
        tpu.yield
      }) : () -> ()
    } else {
    }
    %barrier3A = arith.constant 0 : index
    tpu.barrier barrier_id(%barrier3A)
    %dma_start3A = arith.constant 0 : i32
    %dma_start3A_26 = arith.constant 0 : i32
    %dma_start3A_27 = arith.constant 0 : i32
    %dma_start3A_28 = tpu.memref_slice %arg5[%dma_start3A, %dma_start3A_26, %dma_start3A_27] : memref<80x2x128xi32, #tpu.memory_space<vmem>> -> memref<1x1x128xi32, #tpu.memory_space<vmem>>
    %dma_start3A_29 = tpu.memref_squeeze %dma_start3A_28 : memref<1x1x128xi32, #tpu.memory_space<vmem>> -> memref<128xi32, #tpu.memory_space<vmem>>
    %dma_start3A_30 = arith.constant 0 : i32
    %dma_start3A_31 = arith.constant 0 : i32
    %dma_start3A_32 = tpu.memref_slice %arg2[%dma_start3A_30, %dma_start3A_31] : memref<10000x64xf32, #tpu.memory_space<hbm>> -> memref<10000x64xf32, #tpu.memory_space<hbm>>
    tpu.enqueue_indirect_dma source(%dma_start3A_32 : memref<10000x64xf32, #tpu.memory_space<hbm>>) target(%arg6 : memref<128x64xf32, #tpu.memory_space<vmem>>) offsets(%dma_start3A_29 : memref<128xi32, #tpu.memory_space<vmem>>) semaphore(%arg14 : memref<!tpu.dma_semaphore, #tpu.memory_space<semaphore_mem>>)
    %dma_start3A_33 = arith.constant 1 : i32
    %dma_start3A_34 = arith.constant 0 : i32
    %dma_start3A_35 = arith.constant 0 : i32
    %dma_start3A_36 = tpu.memref_slice %arg5[%dma_start3A_33, %dma_start3A_34, %dma_start3A_35] : memref<80x2x128xi32, #tpu.memory_space<vmem>> -> memref<1x1x128xi32, #tpu.memory_space<vmem>>
    %dma_start3A_37 = tpu.memref_squeeze %dma_start3A_36 : memref<1x1x128xi32, #tpu.memory_space<vmem>> -> memref<128xi32, #tpu.memory_space<vmem>>
    %dma_start3A_38 = arith.constant 0 : i32
    %dma_start3A_39 = arith.constant 0 : i32
    %dma_start3A_40 = tpu.memref_slice %arg2[%dma_start3A_38, %dma_start3A_39] : memref<10000x64xf32, #tpu.memory_space<hbm>> -> memref<10000x64xf32, #tpu.memory_space<hbm>>
    tpu.enqueue_indirect_dma source(%dma_start3A_40 : memref<10000x64xf32, #tpu.memory_space<hbm>>) target(%arg7 : memref<128x64xf32, #tpu.memory_space<vmem>>) offsets(%dma_start3A_37 : memref<128xi32, #tpu.memory_space<vmem>>) semaphore(%arg15 : memref<!tpu.dma_semaphore, #tpu.memory_space<semaphore_mem>>)
    %dma_start3A_41 = arith.constant 2 : i32
    %dma_start3A_42 = arith.constant 0 : i32
    %dma_start3A_43 = arith.constant 0 : i32
    %dma_start3A_44 = tpu.memref_slice %arg5[%dma_start3A_41, %dma_start3A_42, %dma_start3A_43] : memref<80x2x128xi32, #tpu.memory_space<vmem>> -> memref<1x1x128xi32, #tpu.memory_space<vmem>>
    %dma_start3A_45 = tpu.memref_squeeze %dma_start3A_44 : memref<1x1x128xi32, #tpu.memory_space<vmem>> -> memref<128xi32, #tpu.memory_space<vmem>>
    %dma_start3A_46 = arith.constant 0 : i32
    %dma_start3A_47 = arith.constant 0 : i32
    %dma_start3A_48 = tpu.memref_slice %arg2[%dma_start3A_46, %dma_start3A_47] : memref<10000x64xf32, #tpu.memory_space<hbm>> -> memref<10000x64xf32, #tpu.memory_space<hbm>>
    tpu.enqueue_indirect_dma source(%dma_start3A_48 : memref<10000x64xf32, #tpu.memory_space<hbm>>) target(%arg8 : memref<128x64xf32, #tpu.memory_space<vmem>>) offsets(%dma_start3A_45 : memref<128xi32, #tpu.memory_space<vmem>>) semaphore(%arg16 : memref<!tpu.dma_semaphore, #tpu.memory_space<semaphore_mem>>)
    %dma_start3A_49 = arith.constant 3 : i32
    %dma_start3A_50 = arith.constant 0 : i32
    %dma_start3A_51 = arith.constant 0 : i32
    %dma_start3A_52 = tpu.memref_slice %arg5[%dma_start3A_49, %dma_start3A_50, %dma_start3A_51] : memref<80x2x128xi32, #tpu.memory_space<vmem>> -> memref<1x1x128xi32, #tpu.memory_space<vmem>>
    %dma_start3A_53 = tpu.memref_squeeze %dma_start3A_52 : memref<1x1x128xi32, #tpu.memory_space<vmem>> -> memref<128xi32, #tpu.memory_space<vmem>>
    %dma_start3A_54 = arith.constant 0 : i32
    %dma_start3A_55 = arith.constant 0 : i32
    %dma_start3A_56 = tpu.memref_slice %arg2[%dma_start3A_54, %dma_start3A_55] : memref<10000x64xf32, #tpu.memory_space<hbm>> -> memref<10000x64xf32, #tpu.memory_space<hbm>>
    tpu.enqueue_indirect_dma source(%dma_start3A_56 : memref<10000x64xf32, #tpu.memory_space<hbm>>) target(%arg9 : memref<128x64xf32, #tpu.memory_space<vmem>>) offsets(%dma_start3A_53 : memref<128xi32, #tpu.memory_space<vmem>>) semaphore(%arg17 : memref<!tpu.dma_semaphore, #tpu.memory_space<semaphore_mem>>)
    %dma_start3A_57 = arith.constant 4 : i32
    %dma_start3A_58 = arith.constant 0 : i32
    %dma_start3A_59 = arith.constant 0 : i32
    %dma_start3A_60 = tpu.memref_slice %arg5[%dma_start3A_57, %dma_start3A_58, %dma_start3A_59] : memref<80x2x128xi32, #tpu.memory_space<vmem>> -> memref<1x1x128xi32, #tpu.memory_space<vmem>>
    %dma_start3A_61 = tpu.memref_squeeze %dma_start3A_60 : memref<1x1x128xi32, #tpu.memory_space<vmem>> -> memref<128xi32, #tpu.memory_space<vmem>>
    %dma_start3A_62 = arith.constant 0 : i32
    %dma_start3A_63 = arith.constant 0 : i32
    %dma_start3A_64 = tpu.memref_slice %arg2[%dma_start3A_62, %dma_start3A_63] : memref<10000x64xf32, #tpu.memory_space<hbm>> -> memref<10000x64xf32, #tpu.memory_space<hbm>>
    tpu.enqueue_indirect_dma source(%dma_start3A_64 : memref<10000x64xf32, #tpu.memory_space<hbm>>) target(%arg10 : memref<128x64xf32, #tpu.memory_space<vmem>>) offsets(%dma_start3A_61 : memref<128xi32, #tpu.memory_space<vmem>>) semaphore(%arg18 : memref<!tpu.dma_semaphore, #tpu.memory_space<semaphore_mem>>)
    %dma_start3A_65 = arith.constant 5 : i32
    %dma_start3A_66 = arith.constant 0 : i32
    %dma_start3A_67 = arith.constant 0 : i32
    %dma_start3A_68 = tpu.memref_slice %arg5[%dma_start3A_65, %dma_start3A_66, %dma_start3A_67] : memref<80x2x128xi32, #tpu.memory_space<vmem>> -> memref<1x1x128xi32, #tpu.memory_space<vmem>>
    %dma_start3A_69 = tpu.memref_squeeze %dma_start3A_68 : memref<1x1x128xi32, #tpu.memory_space<vmem>> -> memref<128xi32, #tpu.memory_space<vmem>>
    %dma_start3A_70 = arith.constant 0 : i32
    %dma_start3A_71 = arith.constant 0 : i32
    %dma_start3A_72 = tpu.memref_slice %arg2[%dma_start3A_70, %dma_start3A_71] : memref<10000x64xf32, #tpu.memory_space<hbm>> -> memref<10000x64xf32, #tpu.memory_space<hbm>>
    tpu.enqueue_indirect_dma source(%dma_start3A_72 : memref<10000x64xf32, #tpu.memory_space<hbm>>) target(%arg11 : memref<128x64xf32, #tpu.memory_space<vmem>>) offsets(%dma_start3A_69 : memref<128xi32, #tpu.memory_space<vmem>>) semaphore(%arg19 : memref<!tpu.dma_semaphore, #tpu.memory_space<semaphore_mem>>)
    %scan3A_73 = arith.constant 0 : i32
    %scan3A_74 = arith.constant 0 : i32
    %scan3A_75 = arith.constant 10 : i32
    %scan3A_76 = arith.addi %scan3A_74, %scan3A_75 : i32
    %scan3A_77 = arith.constant 1 : i32
    scf.for %scan3A_95 = %scan3A_74 to %scan3A_76 step %scan3A_77  : i32 {
      %mul3A_96 = arith.constant 8 : i32
      %mul3A_97 = arith.muli %mul3A_96, %scan3A_95 : i32
      %add3A_98 = arith.constant 0 : i32
      %add3A_99 = arith.addi %mul3A_97, %add3A_98 : i32
      %dma_wait3A_100 = arith.constant 0 : i32
      %dma_wait3A_101 = arith.constant 0 : i32
      %dma_wait3A_102 = tpu.memref_slice %arg5[%add3A_99, %dma_wait3A_100, %dma_wait3A_101] : memref<80x2x128xi32, #tpu.memory_space<vmem>> -> memref<1x1x128xi32, #tpu.memory_space<vmem>>
      %dma_wait3A_103 = tpu.memref_squeeze %dma_wait3A_102 : memref<1x1x128xi32, #tpu.memory_space<vmem>> -> memref<128xi32, #tpu.memory_space<vmem>>
      %dma_wait3A_104 = arith.constant 0 : i32
      %dma_wait3A_105 = arith.constant 0 : i32
      %dma_wait3A_106 = tpu.memref_slice %arg2[%dma_wait3A_104, %dma_wait3A_105] : memref<10000x64xf32, #tpu.memory_space<hbm>> -> memref<10000x64xf32, #tpu.memory_space<hbm>>
      tpu.wait_indirect_dma semaphore(%arg14 : memref<!tpu.dma_semaphore, #tpu.memory_space<semaphore_mem>>) src(%dma_wait3A_106 : memref<10000x64xf32, #tpu.memory_space<hbm>>) dst(%arg6 : memref<128x64xf32, #tpu.memory_space<vmem>>)
      %add3A_107 = arith.constant 1 : i32
      %add3A_108 = arith.addi %add3A_99, %add3A_107 : i32
      %dma_wait3A_109 = arith.constant 0 : i32
      %dma_wait3A_110 = arith.constant 0 : i32
      %dma_wait3A_111 = tpu.memref_slice %arg5[%add3A_108, %dma_wait3A_109, %dma_wait3A_110] : memref<80x2x128xi32, #tpu.memory_space<vmem>> -> memref<1x1x128xi32, #tpu.memory_space<vmem>>
      %dma_wait3A_112 = tpu.memref_squeeze %dma_wait3A_111 : memref<1x1x128xi32, #tpu.memory_space<vmem>> -> memref<128xi32, #tpu.memory_space<vmem>>
      %dma_wait3A_113 = arith.constant 0 : i32
      %dma_wait3A_114 = arith.constant 0 : i32
      %dma_wait3A_115 = tpu.memref_slice %arg2[%dma_wait3A_113, %dma_wait3A_114] : memref<10000x64xf32, #tpu.memory_space<hbm>> -> memref<10000x64xf32, #tpu.memory_space<hbm>>
      tpu.wait_indirect_dma semaphore(%arg15 : memref<!tpu.dma_semaphore, #tpu.memory_space<semaphore_mem>>) src(%dma_wait3A_115 : memref<10000x64xf32, #tpu.memory_space<hbm>>) dst(%arg7 : memref<128x64xf32, #tpu.memory_space<vmem>>)
      %dma_start3A_116 = arith.constant 1 : i32
      %dma_start3A_117 = arith.constant 0 : i32
      %dma_start3A_118 = tpu.memref_slice %arg5[%add3A_99, %dma_start3A_116, %dma_start3A_117] : memref<80x2x128xi32, #tpu.memory_space<vmem>> -> memref<1x1x128xi32, #tpu.memory_space<vmem>>
      %dma_start3A_119 = tpu.memref_squeeze %dma_start3A_118 : memref<1x1x128xi32, #tpu.memory_space<vmem>> -> memref<128xi32, #tpu.memory_space<vmem>>
      %dma_start3A_120 = arith.constant 0 : i32
      %dma_start3A_121 = arith.constant 0 : i32
      %dma_start3A_122 = tpu.memref_slice %arg30[%dma_start3A_120, %dma_start3A_121] : memref<10240x64xf32, #tpu.memory_space<vmem_shared>> -> memref<10240x64xf32, #tpu.memory_space<vmem_shared>>
      tpu.enqueue_indirect_dma source(%arg6 : memref<128x64xf32, #tpu.memory_space<vmem>>) target(%dma_start3A_122 : memref<10240x64xf32, #tpu.memory_space<vmem_shared>>) offsets(%dma_start3A_119 : memref<128xi32, #tpu.memory_space<vmem>>) semaphore(%arg22 : memref<!tpu.dma_semaphore, #tpu.memory_space<semaphore_mem>>) {add = true}
      %add3A_123 = arith.constant 1 : i32
      %add3A_124 = arith.addi %add3A_99, %add3A_123 : i32
      %dma_start3A_125 = arith.constant 1 : i32
      %dma_start3A_126 = arith.constant 0 : i32
      %dma_start3A_127 = tpu.memref_slice %arg5[%add3A_124, %dma_start3A_125, %dma_start3A_126] : memref<80x2x128xi32, #tpu.memory_space<vmem>> -> memref<1x1x128xi32, #tpu.memory_space<vmem>>
      %dma_start3A_128 = tpu.memref_squeeze %dma_start3A_127 : memref<1x1x128xi32, #tpu.memory_space<vmem>> -> memref<128xi32, #tpu.memory_space<vmem>>
      %dma_start3A_129 = arith.constant 0 : i32
      %dma_start3A_130 = arith.constant 0 : i32
      %dma_start3A_131 = tpu.memref_slice %arg30[%dma_start3A_129, %dma_start3A_130] : memref<10240x64xf32, #tpu.memory_space<vmem_shared>> -> memref<10240x64xf32, #tpu.memory_space<vmem_shared>>
      tpu.enqueue_indirect_dma source(%arg7 : memref<128x64xf32, #tpu.memory_space<vmem>>) target(%dma_start3A_131 : memref<10240x64xf32, #tpu.memory_space<vmem_shared>>) offsets(%dma_start3A_128 : memref<128xi32, #tpu.memory_space<vmem>>) semaphore(%arg23 : memref<!tpu.dma_semaphore, #tpu.memory_space<semaphore_mem>>) {add = true}
      %gt3A = arith.constant 0 : i32
      %gt3A_132 = arith.cmpi sgt, %scan3A_95, %gt3A : i32
      %convert_element_type3A_133 = arith.extui %gt3A_132 : i1 to i32
      %cond3A_134 = arith.constant 0 : i32
      %cond3A_135 = arith.cmpi ne, %convert_element_type3A_133, %cond3A_134 : i32
      scf.if %cond3A_135 {
        %sub3A_330 = arith.constant 2 : i32
        %sub3A_331 = arith.subi %add3A_99, %sub3A_330 : i32
        %dma_wait3A_332 = arith.constant 1 : i32
        %dma_wait3A_333 = arith.constant 0 : i32
        %dma_wait3A_334 = tpu.memref_slice %arg5[%sub3A_331, %dma_wait3A_332, %dma_wait3A_333] : memref<80x2x128xi32, #tpu.memory_space<vmem>> -> memref<1x1x128xi32, #tpu.memory_space<vmem>>
        %dma_wait3A_335 = tpu.memref_squeeze %dma_wait3A_334 : memref<1x1x128xi32, #tpu.memory_space<vmem>> -> memref<128xi32, #tpu.memory_space<vmem>>
        %dma_wait3A_336 = arith.constant 0 : i32
        %dma_wait3A_337 = arith.constant 0 : i32
        %dma_wait3A_338 = tpu.memref_slice %arg30[%dma_wait3A_336, %dma_wait3A_337] : memref<10240x64xf32, #tpu.memory_space<vmem_shared>> -> memref<10240x64xf32, #tpu.memory_space<vmem_shared>>
        tpu.wait_indirect_dma semaphore(%arg28 : memref<!tpu.dma_semaphore, #tpu.memory_space<semaphore_mem>>) src(%arg12 : memref<128x64xf32, #tpu.memory_space<vmem>>) dst(%dma_wait3A_338 : memref<10240x64xf32, #tpu.memory_space<vmem_shared>>)
        %sub3A_339 = arith.constant 1 : i32
        %sub3A_340 = arith.subi %add3A_99, %sub3A_339 : i32
        %dma_wait3A_341 = arith.constant 1 : i32
        %dma_wait3A_342 = arith.constant 0 : i32
        %dma_wait3A_343 = tpu.memref_slice %arg5[%sub3A_340, %dma_wait3A_341, %dma_wait3A_342] : memref<80x2x128xi32, #tpu.memory_space<vmem>> -> memref<1x1x128xi32, #tpu.memory_space<vmem>>
        %dma_wait3A_344 = tpu.memref_squeeze %dma_wait3A_343 : memref<1x1x128xi32, #tpu.memory_space<vmem>> -> memref<128xi32, #tpu.memory_space<vmem>>
        %dma_wait3A_345 = arith.constant 0 : i32
        %dma_wait3A_346 = arith.constant 0 : i32
        %dma_wait3A_347 = tpu.memref_slice %arg30[%dma_wait3A_345, %dma_wait3A_346] : memref<10240x64xf32, #tpu.memory_space<vmem_shared>> -> memref<10240x64xf32, #tpu.memory_space<vmem_shared>>
        tpu.wait_indirect_dma semaphore(%arg29 : memref<!tpu.dma_semaphore, #tpu.memory_space<semaphore_mem>>) src(%arg13 : memref<128x64xf32, #tpu.memory_space<vmem>>) dst(%dma_wait3A_347 : memref<10240x64xf32, #tpu.memory_space<vmem_shared>>)
      } else {
      }
      %add3A_136 = arith.constant 6 : i32
      %add3A_137 = arith.addi %add3A_99, %add3A_136 : i32
      %dma_start3A_138 = arith.constant 0 : i32
      %dma_start3A_139 = arith.constant 0 : i32
      %dma_start3A_140 = tpu.memref_slice %arg5[%add3A_137, %dma_start3A_138, %dma_start3A_139] : memref<80x2x128xi32, #tpu.memory_space<vmem>> -> memref<1x1x128xi32, #tpu.memory_space<vmem>>
      %dma_start3A_141 = tpu.memref_squeeze %dma_start3A_140 : memref<1x1x128xi32, #tpu.memory_space<vmem>> -> memref<128xi32, #tpu.memory_space<vmem>>
      %dma_start3A_142 = arith.constant 0 : i32
      %dma_start3A_143 = arith.constant 0 : i32
      %dma_start3A_144 = tpu.memref_slice %arg2[%dma_start3A_142, %dma_start3A_143] : memref<10000x64xf32, #tpu.memory_space<hbm>> -> memref<10000x64xf32, #tpu.memory_space<hbm>>
      tpu.enqueue_indirect_dma source(%dma_start3A_144 : memref<10000x64xf32, #tpu.memory_space<hbm>>) target(%arg12 : memref<128x64xf32, #tpu.memory_space<vmem>>) offsets(%dma_start3A_141 : memref<128xi32, #tpu.memory_space<vmem>>) semaphore(%arg20 : memref<!tpu.dma_semaphore, #tpu.memory_space<semaphore_mem>>)
      %add3A_145 = arith.constant 7 : i32
      %add3A_146 = arith.addi %add3A_99, %add3A_145 : i32
      %dma_start3A_147 = arith.constant 0 : i32
      %dma_start3A_148 = arith.constant 0 : i32
      %dma_start3A_149 = tpu.memref_slice %arg5[%add3A_146, %dma_start3A_147, %dma_start3A_148] : memref<80x2x128xi32, #tpu.memory_space<vmem>> -> memref<1x1x128xi32, #tpu.memory_space<vmem>>
      %dma_start3A_150 = tpu.memref_squeeze %dma_start3A_149 : memref<1x1x128xi32, #tpu.memory_space<vmem>> -> memref<128xi32, #tpu.memory_space<vmem>>
      %dma_start3A_151 = arith.constant 0 : i32
      %dma_start3A_152 = arith.constant 0 : i32
      %dma_start3A_153 = tpu.memref_slice %arg2[%dma_start3A_151, %dma_start3A_152] : memref<10000x64xf32, #tpu.memory_space<hbm>> -> memref<10000x64xf32, #tpu.memory_space<hbm>>
      tpu.enqueue_indirect_dma source(%dma_start3A_153 : memref<10000x64xf32, #tpu.memory_space<hbm>>) target(%arg13 : memref<128x64xf32, #tpu.memory_space<vmem>>) offsets(%dma_start3A_150 : memref<128xi32, #tpu.memory_space<vmem>>) semaphore(%arg21 : memref<!tpu.dma_semaphore, #tpu.memory_space<semaphore_mem>>)
      %mul3A_154 = arith.constant 8 : i32
      %mul3A_155 = arith.muli %mul3A_154, %scan3A_95 : i32
      %add3A_156 = arith.constant 2 : i32
      %add3A_157 = arith.addi %mul3A_155, %add3A_156 : i32
      %dma_wait3A_158 = arith.constant 0 : i32
      %dma_wait3A_159 = arith.constant 0 : i32
      %dma_wait3A_160 = tpu.memref_slice %arg5[%add3A_157, %dma_wait3A_158, %dma_wait3A_159] : memref<80x2x128xi32, #tpu.memory_space<vmem>> -> memref<1x1x128xi32, #tpu.memory_space<vmem>>
      %dma_wait3A_161 = tpu.memref_squeeze %dma_wait3A_160 : memref<1x1x128xi32, #tpu.memory_space<vmem>> -> memref<128xi32, #tpu.memory_space<vmem>>
      %dma_wait3A_162 = arith.constant 0 : i32
      %dma_wait3A_163 = arith.constant 0 : i32
      %dma_wait3A_164 = tpu.memref_slice %arg2[%dma_wait3A_162, %dma_wait3A_163] : memref<10000x64xf32, #tpu.memory_space<hbm>> -> memref<10000x64xf32, #tpu.memory_space<hbm>>
      tpu.wait_indirect_dma semaphore(%arg16 : memref<!tpu.dma_semaphore, #tpu.memory_space<semaphore_mem>>) src(%dma_wait3A_164 : memref<10000x64xf32, #tpu.memory_space<hbm>>) dst(%arg8 : memref<128x64xf32, #tpu.memory_space<vmem>>)
      %add3A_165 = arith.constant 1 : i32
      %add3A_166 = arith.addi %add3A_157, %add3A_165 : i32
      %dma_wait3A_167 = arith.constant 0 : i32
      %dma_wait3A_168 = arith.constant 0 : i32
      %dma_wait3A_169 = tpu.memref_slice %arg5[%add3A_166, %dma_wait3A_167, %dma_wait3A_168] : memref<80x2x128xi32, #tpu.memory_space<vmem>> -> memref<1x1x128xi32, #tpu.memory_space<vmem>>
      %dma_wait3A_170 = tpu.memref_squeeze %dma_wait3A_169 : memref<1x1x128xi32, #tpu.memory_space<vmem>> -> memref<128xi32, #tpu.memory_space<vmem>>
      %dma_wait3A_171 = arith.constant 0 : i32
      %dma_wait3A_172 = arith.constant 0 : i32
      %dma_wait3A_173 = tpu.memref_slice %arg2[%dma_wait3A_171, %dma_wait3A_172] : memref<10000x64xf32, #tpu.memory_space<hbm>> -> memref<10000x64xf32, #tpu.memory_space<hbm>>
      tpu.wait_indirect_dma semaphore(%arg17 : memref<!tpu.dma_semaphore, #tpu.memory_space<semaphore_mem>>) src(%dma_wait3A_173 : memref<10000x64xf32, #tpu.memory_space<hbm>>) dst(%arg9 : memref<128x64xf32, #tpu.memory_space<vmem>>)
      %dma_start3A_174 = arith.constant 1 : i32
      %dma_start3A_175 = arith.constant 0 : i32
      %dma_start3A_176 = tpu.memref_slice %arg5[%add3A_157, %dma_start3A_174, %dma_start3A_175] : memref<80x2x128xi32, #tpu.memory_space<vmem>> -> memref<1x1x128xi32, #tpu.memory_space<vmem>>
      %dma_start3A_177 = tpu.memref_squeeze %dma_start3A_176 : memref<1x1x128xi32, #tpu.memory_space<vmem>> -> memref<128xi32, #tpu.memory_space<vmem>>
      %dma_start3A_178 = arith.constant 0 : i32
      %dma_start3A_179 = arith.constant 0 : i32
      %dma_start3A_180 = tpu.memref_slice %arg30[%dma_start3A_178, %dma_start3A_179] : memref<10240x64xf32, #tpu.memory_space<vmem_shared>> -> memref<10240x64xf32, #tpu.memory_space<vmem_shared>>
      tpu.enqueue_indirect_dma source(%arg8 : memref<128x64xf32, #tpu.memory_space<vmem>>) target(%dma_start3A_180 : memref<10240x64xf32, #tpu.memory_space<vmem_shared>>) offsets(%dma_start3A_177 : memref<128xi32, #tpu.memory_space<vmem>>) semaphore(%arg24 : memref<!tpu.dma_semaphore, #tpu.memory_space<semaphore_mem>>) {add = true}
      %add3A_181 = arith.constant 1 : i32
      %add3A_182 = arith.addi %add3A_157, %add3A_181 : i32
      %dma_start3A_183 = arith.constant 1 : i32
      %dma_start3A_184 = arith.constant 0 : i32
      %dma_start3A_185 = tpu.memref_slice %arg5[%add3A_182, %dma_start3A_183, %dma_start3A_184] : memref<80x2x128xi32, #tpu.memory_space<vmem>> -> memref<1x1x128xi32, #tpu.memory_space<vmem>>
      %dma_start3A_186 = tpu.memref_squeeze %dma_start3A_185 : memref<1x1x128xi32, #tpu.memory_space<vmem>> -> memref<128xi32, #tpu.memory_space<vmem>>
      %dma_start3A_187 = arith.constant 0 : i32
      %dma_start3A_188 = arith.constant 0 : i32
      %dma_start3A_189 = tpu.memref_slice %arg30[%dma_start3A_187, %dma_start3A_188] : memref<10240x64xf32, #tpu.memory_space<vmem_shared>> -> memref<10240x64xf32, #tpu.memory_space<vmem_shared>>
      tpu.enqueue_indirect_dma source(%arg9 : memref<128x64xf32, #tpu.memory_space<vmem>>) target(%dma_start3A_189 : memref<10240x64xf32, #tpu.memory_space<vmem_shared>>) offsets(%dma_start3A_186 : memref<128xi32, #tpu.memory_space<vmem>>) semaphore(%arg25 : memref<!tpu.dma_semaphore, #tpu.memory_space<semaphore_mem>>) {add = true}
      %sub3A = arith.constant 2 : i32
      %sub3A_190 = arith.subi %add3A_157, %sub3A : i32
      %dma_wait3A_191 = arith.constant 1 : i32
      %dma_wait3A_192 = arith.constant 0 : i32
      %dma_wait3A_193 = tpu.memref_slice %arg5[%sub3A_190, %dma_wait3A_191, %dma_wait3A_192] : memref<80x2x128xi32, #tpu.memory_space<vmem>> -> memref<1x1x128xi32, #tpu.memory_space<vmem>>
      %dma_wait3A_194 = tpu.memref_squeeze %dma_wait3A_193 : memref<1x1x128xi32, #tpu.memory_space<vmem>> -> memref<128xi32, #tpu.memory_space<vmem>>
      %dma_wait3A_195 = arith.constant 0 : i32
      %dma_wait3A_196 = arith.constant 0 : i32
      %dma_wait3A_197 = tpu.memref_slice %arg30[%dma_wait3A_195, %dma_wait3A_196] : memref<10240x64xf32, #tpu.memory_space<vmem_shared>> -> memref<10240x64xf32, #tpu.memory_space<vmem_shared>>
      tpu.wait_indirect_dma semaphore(%arg22 : memref<!tpu.dma_semaphore, #tpu.memory_space<semaphore_mem>>) src(%arg6 : memref<128x64xf32, #tpu.memory_space<vmem>>) dst(%dma_wait3A_197 : memref<10240x64xf32, #tpu.memory_space<vmem_shared>>)
      %sub3A_198 = arith.constant 1 : i32
      %sub3A_199 = arith.subi %add3A_157, %sub3A_198 : i32
      %dma_wait3A_200 = arith.constant 1 : i32
      %dma_wait3A_201 = arith.constant 0 : i32
      %dma_wait3A_202 = tpu.memref_slice %arg5[%sub3A_199, %dma_wait3A_200, %dma_wait3A_201] : memref<80x2x128xi32, #tpu.memory_space<vmem>> -> memref<1x1x128xi32, #tpu.memory_space<vmem>>
      %dma_wait3A_203 = tpu.memref_squeeze %dma_wait3A_202 : memref<1x1x128xi32, #tpu.memory_space<vmem>> -> memref<128xi32, #tpu.memory_space<vmem>>
      %dma_wait3A_204 = arith.constant 0 : i32
      %dma_wait3A_205 = arith.constant 0 : i32
      %dma_wait3A_206 = tpu.memref_slice %arg30[%dma_wait3A_204, %dma_wait3A_205] : memref<10240x64xf32, #tpu.memory_space<vmem_shared>> -> memref<10240x64xf32, #tpu.memory_space<vmem_shared>>
      tpu.wait_indirect_dma semaphore(%arg23 : memref<!tpu.dma_semaphore, #tpu.memory_space<semaphore_mem>>) src(%arg7 : memref<128x64xf32, #tpu.memory_space<vmem>>) dst(%dma_wait3A_206 : memref<10240x64xf32, #tpu.memory_space<vmem_shared>>)
      %lt3A_207 = arith.constant 9 : i32
      %lt3A_208 = arith.cmpi slt, %scan3A_95, %lt3A_207 : i32
      %convert_element_type3A_209 = arith.extui %lt3A_208 : i1 to i32
      %cond3A_210 = arith.constant 0 : i32
      %cond3A_211 = arith.cmpi ne, %convert_element_type3A_209, %cond3A_210 : i32
      scf.if %cond3A_211 {
        %add3A_330 = arith.constant 6 : i32
        %add3A_331 = arith.addi %add3A_157, %add3A_330 : i32
        %dma_start3A_332 = arith.constant 0 : i32
        %dma_start3A_333 = arith.constant 0 : i32
        %dma_start3A_334 = tpu.memref_slice %arg5[%add3A_331, %dma_start3A_332, %dma_start3A_333] : memref<80x2x128xi32, #tpu.memory_space<vmem>> -> memref<1x1x128xi32, #tpu.memory_space<vmem>>
        %dma_start3A_335 = tpu.memref_squeeze %dma_start3A_334 : memref<1x1x128xi32, #tpu.memory_space<vmem>> -> memref<128xi32, #tpu.memory_space<vmem>>
        %dma_start3A_336 = arith.constant 0 : i32
        %dma_start3A_337 = arith.constant 0 : i32
        %dma_start3A_338 = tpu.memref_slice %arg2[%dma_start3A_336, %dma_start3A_337] : memref<10000x64xf32, #tpu.memory_space<hbm>> -> memref<10000x64xf32, #tpu.memory_space<hbm>>
        tpu.enqueue_indirect_dma source(%dma_start3A_338 : memref<10000x64xf32, #tpu.memory_space<hbm>>) target(%arg6 : memref<128x64xf32, #tpu.memory_space<vmem>>) offsets(%dma_start3A_335 : memref<128xi32, #tpu.memory_space<vmem>>) semaphore(%arg14 : memref<!tpu.dma_semaphore, #tpu.memory_space<semaphore_mem>>)
        %add3A_339 = arith.constant 7 : i32
        %add3A_340 = arith.addi %add3A_157, %add3A_339 : i32
        %dma_start3A_341 = arith.constant 0 : i32
        %dma_start3A_342 = arith.constant 0 : i32
        %dma_start3A_343 = tpu.memref_slice %arg5[%add3A_340, %dma_start3A_341, %dma_start3A_342] : memref<80x2x128xi32, #tpu.memory_space<vmem>> -> memref<1x1x128xi32, #tpu.memory_space<vmem>>
        %dma_start3A_344 = tpu.memref_squeeze %dma_start3A_343 : memref<1x1x128xi32, #tpu.memory_space<vmem>> -> memref<128xi32, #tpu.memory_space<vmem>>
        %dma_start3A_345 = arith.constant 0 : i32
        %dma_start3A_346 = arith.constant 0 : i32
        %dma_start3A_347 = tpu.memref_slice %arg2[%dma_start3A_345, %dma_start3A_346] : memref<10000x64xf32, #tpu.memory_space<hbm>> -> memref<10000x64xf32, #tpu.memory_space<hbm>>
        tpu.enqueue_indirect_dma source(%dma_start3A_347 : memref<10000x64xf32, #tpu.memory_space<hbm>>) target(%arg7 : memref<128x64xf32, #tpu.memory_space<vmem>>) offsets(%dma_start3A_344 : memref<128xi32, #tpu.memory_space<vmem>>) semaphore(%arg15 : memref<!tpu.dma_semaphore, #tpu.memory_space<semaphore_mem>>)
      } else {
      }
      %mul3A_212 = arith.constant 8 : i32
      %mul3A_213 = arith.muli %mul3A_212, %scan3A_95 : i32
      %add3A_214 = arith.constant 4 : i32
      %add3A_215 = arith.addi %mul3A_213, %add3A_214 : i32
      %dma_wait3A_216 = arith.constant 0 : i32
      %dma_wait3A_217 = arith.constant 0 : i32
      %dma_wait3A_218 = tpu.memref_slice %arg5[%add3A_215, %dma_wait3A_216, %dma_wait3A_217] : memref<80x2x128xi32, #tpu.memory_space<vmem>> -> memref<1x1x128xi32, #tpu.memory_space<vmem>>
      %dma_wait3A_219 = tpu.memref_squeeze %dma_wait3A_218 : memref<1x1x128xi32, #tpu.memory_space<vmem>> -> memref<128xi32, #tpu.memory_space<vmem>>
      %dma_wait3A_220 = arith.constant 0 : i32
      %dma_wait3A_221 = arith.constant 0 : i32
      %dma_wait3A_222 = tpu.memref_slice %arg2[%dma_wait3A_220, %dma_wait3A_221] : memref<10000x64xf32, #tpu.memory_space<hbm>> -> memref<10000x64xf32, #tpu.memory_space<hbm>>
      tpu.wait_indirect_dma semaphore(%arg18 : memref<!tpu.dma_semaphore, #tpu.memory_space<semaphore_mem>>) src(%dma_wait3A_222 : memref<10000x64xf32, #tpu.memory_space<hbm>>) dst(%arg10 : memref<128x64xf32, #tpu.memory_space<vmem>>)
      %add3A_223 = arith.constant 1 : i32
      %add3A_224 = arith.addi %add3A_215, %add3A_223 : i32
      %dma_wait3A_225 = arith.constant 0 : i32
      %dma_wait3A_226 = arith.constant 0 : i32
      %dma_wait3A_227 = tpu.memref_slice %arg5[%add3A_224, %dma_wait3A_225, %dma_wait3A_226] : memref<80x2x128xi32, #tpu.memory_space<vmem>> -> memref<1x1x128xi32, #tpu.memory_space<vmem>>
      %dma_wait3A_228 = tpu.memref_squeeze %dma_wait3A_227 : memref<1x1x128xi32, #tpu.memory_space<vmem>> -> memref<128xi32, #tpu.memory_space<vmem>>
      %dma_wait3A_229 = arith.constant 0 : i32
      %dma_wait3A_230 = arith.constant 0 : i32
      %dma_wait3A_231 = tpu.memref_slice %arg2[%dma_wait3A_229, %dma_wait3A_230] : memref<10000x64xf32, #tpu.memory_space<hbm>> -> memref<10000x64xf32, #tpu.memory_space<hbm>>
      tpu.wait_indirect_dma semaphore(%arg19 : memref<!tpu.dma_semaphore, #tpu.memory_space<semaphore_mem>>) src(%dma_wait3A_231 : memref<10000x64xf32, #tpu.memory_space<hbm>>) dst(%arg11 : memref<128x64xf32, #tpu.memory_space<vmem>>)
      %dma_start3A_232 = arith.constant 1 : i32
      %dma_start3A_233 = arith.constant 0 : i32
      %dma_start3A_234 = tpu.memref_slice %arg5[%add3A_215, %dma_start3A_232, %dma_start3A_233] : memref<80x2x128xi32, #tpu.memory_space<vmem>> -> memref<1x1x128xi32, #tpu.memory_space<vmem>>
      %dma_start3A_235 = tpu.memref_squeeze %dma_start3A_234 : memref<1x1x128xi32, #tpu.memory_space<vmem>> -> memref<128xi32, #tpu.memory_space<vmem>>
      %dma_start3A_236 = arith.constant 0 : i32
      %dma_start3A_237 = arith.constant 0 : i32
      %dma_start3A_238 = tpu.memref_slice %arg30[%dma_start3A_236, %dma_start3A_237] : memref<10240x64xf32, #tpu.memory_space<vmem_shared>> -> memref<10240x64xf32, #tpu.memory_space<vmem_shared>>
      tpu.enqueue_indirect_dma source(%arg10 : memref<128x64xf32, #tpu.memory_space<vmem>>) target(%dma_start3A_238 : memref<10240x64xf32, #tpu.memory_space<vmem_shared>>) offsets(%dma_start3A_235 : memref<128xi32, #tpu.memory_space<vmem>>) semaphore(%arg26 : memref<!tpu.dma_semaphore, #tpu.memory_space<semaphore_mem>>) {add = true}
      %add3A_239 = arith.constant 1 : i32
      %add3A_240 = arith.addi %add3A_215, %add3A_239 : i32
      %dma_start3A_241 = arith.constant 1 : i32
      %dma_start3A_242 = arith.constant 0 : i32
      %dma_start3A_243 = tpu.memref_slice %arg5[%add3A_240, %dma_start3A_241, %dma_start3A_242] : memref<80x2x128xi32, #tpu.memory_space<vmem>> -> memref<1x1x128xi32, #tpu.memory_space<vmem>>
      %dma_start3A_244 = tpu.memref_squeeze %dma_start3A_243 : memref<1x1x128xi32, #tpu.memory_space<vmem>> -> memref<128xi32, #tpu.memory_space<vmem>>
      %dma_start3A_245 = arith.constant 0 : i32
      %dma_start3A_246 = arith.constant 0 : i32
      %dma_start3A_247 = tpu.memref_slice %arg30[%dma_start3A_245, %dma_start3A_246] : memref<10240x64xf32, #tpu.memory_space<vmem_shared>> -> memref<10240x64xf32, #tpu.memory_space<vmem_shared>>
      tpu.enqueue_indirect_dma source(%arg11 : memref<128x64xf32, #tpu.memory_space<vmem>>) target(%dma_start3A_247 : memref<10240x64xf32, #tpu.memory_space<vmem_shared>>) offsets(%dma_start3A_244 : memref<128xi32, #tpu.memory_space<vmem>>) semaphore(%arg27 : memref<!tpu.dma_semaphore, #tpu.memory_space<semaphore_mem>>) {add = true}
      %sub3A_248 = arith.constant 2 : i32
      %sub3A_249 = arith.subi %add3A_215, %sub3A_248 : i32
      %dma_wait3A_250 = arith.constant 1 : i32
      %dma_wait3A_251 = arith.constant 0 : i32
      %dma_wait3A_252 = tpu.memref_slice %arg5[%sub3A_249, %dma_wait3A_250, %dma_wait3A_251] : memref<80x2x128xi32, #tpu.memory_space<vmem>> -> memref<1x1x128xi32, #tpu.memory_space<vmem>>
      %dma_wait3A_253 = tpu.memref_squeeze %dma_wait3A_252 : memref<1x1x128xi32, #tpu.memory_space<vmem>> -> memref<128xi32, #tpu.memory_space<vmem>>
      %dma_wait3A_254 = arith.constant 0 : i32
      %dma_wait3A_255 = arith.constant 0 : i32
      %dma_wait3A_256 = tpu.memref_slice %arg30[%dma_wait3A_254, %dma_wait3A_255] : memref<10240x64xf32, #tpu.memory_space<vmem_shared>> -> memref<10240x64xf32, #tpu.memory_space<vmem_shared>>
      tpu.wait_indirect_dma semaphore(%arg24 : memref<!tpu.dma_semaphore, #tpu.memory_space<semaphore_mem>>) src(%arg8 : memref<128x64xf32, #tpu.memory_space<vmem>>) dst(%dma_wait3A_256 : memref<10240x64xf32, #tpu.memory_space<vmem_shared>>)
      %sub3A_257 = arith.constant 1 : i32
      %sub3A_258 = arith.subi %add3A_215, %sub3A_257 : i32
      %dma_wait3A_259 = arith.constant 1 : i32
      %dma_wait3A_260 = arith.constant 0 : i32
      %dma_wait3A_261 = tpu.memref_slice %arg5[%sub3A_258, %dma_wait3A_259, %dma_wait3A_260] : memref<80x2x128xi32, #tpu.memory_space<vmem>> -> memref<1x1x128xi32, #tpu.memory_space<vmem>>
      %dma_wait3A_262 = tpu.memref_squeeze %dma_wait3A_261 : memref<1x1x128xi32, #tpu.memory_space<vmem>> -> memref<128xi32, #tpu.memory_space<vmem>>
      %dma_wait3A_263 = arith.constant 0 : i32
      %dma_wait3A_264 = arith.constant 0 : i32
      %dma_wait3A_265 = tpu.memref_slice %arg30[%dma_wait3A_263, %dma_wait3A_264] : memref<10240x64xf32, #tpu.memory_space<vmem_shared>> -> memref<10240x64xf32, #tpu.memory_space<vmem_shared>>
      tpu.wait_indirect_dma semaphore(%arg25 : memref<!tpu.dma_semaphore, #tpu.memory_space<semaphore_mem>>) src(%arg9 : memref<128x64xf32, #tpu.memory_space<vmem>>) dst(%dma_wait3A_265 : memref<10240x64xf32, #tpu.memory_space<vmem_shared>>)
      %lt3A_266 = arith.constant 9 : i32
      %lt3A_267 = arith.cmpi slt, %scan3A_95, %lt3A_266 : i32
      %convert_element_type3A_268 = arith.extui %lt3A_267 : i1 to i32
      %cond3A_269 = arith.constant 0 : i32
      %cond3A_270 = arith.cmpi ne, %convert_element_type3A_268, %cond3A_269 : i32
      scf.if %cond3A_270 {
        %add3A_330 = arith.constant 6 : i32
        %add3A_331 = arith.addi %add3A_215, %add3A_330 : i32
        %dma_start3A_332 = arith.constant 0 : i32
        %dma_start3A_333 = arith.constant 0 : i32
        %dma_start3A_334 = tpu.memref_slice %arg5[%add3A_331, %dma_start3A_332, %dma_start3A_333] : memref<80x2x128xi32, #tpu.memory_space<vmem>> -> memref<1x1x128xi32, #tpu.memory_space<vmem>>
        %dma_start3A_335 = tpu.memref_squeeze %dma_start3A_334 : memref<1x1x128xi32, #tpu.memory_space<vmem>> -> memref<128xi32, #tpu.memory_space<vmem>>
        %dma_start3A_336 = arith.constant 0 : i32
        %dma_start3A_337 = arith.constant 0 : i32
        %dma_start3A_338 = tpu.memref_slice %arg2[%dma_start3A_336, %dma_start3A_337] : memref<10000x64xf32, #tpu.memory_space<hbm>> -> memref<10000x64xf32, #tpu.memory_space<hbm>>
        tpu.enqueue_indirect_dma source(%dma_start3A_338 : memref<10000x64xf32, #tpu.memory_space<hbm>>) target(%arg8 : memref<128x64xf32, #tpu.memory_space<vmem>>) offsets(%dma_start3A_335 : memref<128xi32, #tpu.memory_space<vmem>>) semaphore(%arg16 : memref<!tpu.dma_semaphore, #tpu.memory_space<semaphore_mem>>)
        %add3A_339 = arith.constant 7 : i32
        %add3A_340 = arith.addi %add3A_215, %add3A_339 : i32
        %dma_start3A_341 = arith.constant 0 : i32
        %dma_start3A_342 = arith.constant 0 : i32
        %dma_start3A_343 = tpu.memref_slice %arg5[%add3A_340, %dma_start3A_341, %dma_start3A_342] : memref<80x2x128xi32, #tpu.memory_space<vmem>> -> memref<1x1x128xi32, #tpu.memory_space<vmem>>
        %dma_start3A_344 = tpu.memref_squeeze %dma_start3A_343 : memref<1x1x128xi32, #tpu.memory_space<vmem>> -> memref<128xi32, #tpu.memory_space<vmem>>
        %dma_start3A_345 = arith.constant 0 : i32
        %dma_start3A_346 = arith.constant 0 : i32
        %dma_start3A_347 = tpu.memref_slice %arg2[%dma_start3A_345, %dma_start3A_346] : memref<10000x64xf32, #tpu.memory_space<hbm>> -> memref<10000x64xf32, #tpu.memory_space<hbm>>
        tpu.enqueue_indirect_dma source(%dma_start3A_347 : memref<10000x64xf32, #tpu.memory_space<hbm>>) target(%arg9 : memref<128x64xf32, #tpu.memory_space<vmem>>) offsets(%dma_start3A_344 : memref<128xi32, #tpu.memory_space<vmem>>) semaphore(%arg17 : memref<!tpu.dma_semaphore, #tpu.memory_space<semaphore_mem>>)
      } else {
      }
      %mul3A_271 = arith.constant 8 : i32
      %mul3A_272 = arith.muli %mul3A_271, %scan3A_95 : i32
      %add3A_273 = arith.constant 6 : i32
      %add3A_274 = arith.addi %mul3A_272, %add3A_273 : i32
      %dma_wait3A_275 = arith.constant 0 : i32
      %dma_wait3A_276 = arith.constant 0 : i32
      %dma_wait3A_277 = tpu.memref_slice %arg5[%add3A_274, %dma_wait3A_275, %dma_wait3A_276] : memref<80x2x128xi32, #tpu.memory_space<vmem>> -> memref<1x1x128xi32, #tpu.memory_space<vmem>>
      %dma_wait3A_278 = tpu.memref_squeeze %dma_wait3A_277 : memref<1x1x128xi32, #tpu.memory_space<vmem>> -> memref<128xi32, #tpu.memory_space<vmem>>
      %dma_wait3A_279 = arith.constant 0 : i32
      %dma_wait3A_280 = arith.constant 0 : i32
      %dma_wait3A_281 = tpu.memref_slice %arg2[%dma_wait3A_279, %dma_wait3A_280] : memref<10000x64xf32, #tpu.memory_space<hbm>> -> memref<10000x64xf32, #tpu.memory_space<hbm>>
      tpu.wait_indirect_dma semaphore(%arg20 : memref<!tpu.dma_semaphore, #tpu.memory_space<semaphore_mem>>) src(%dma_wait3A_281 : memref<10000x64xf32, #tpu.memory_space<hbm>>) dst(%arg12 : memref<128x64xf32, #tpu.memory_space<vmem>>)
      %add3A_282 = arith.constant 1 : i32
      %add3A_283 = arith.addi %add3A_274, %add3A_282 : i32
      %dma_wait3A_284 = arith.constant 0 : i32
      %dma_wait3A_285 = arith.constant 0 : i32
      %dma_wait3A_286 = tpu.memref_slice %arg5[%add3A_283, %dma_wait3A_284, %dma_wait3A_285] : memref<80x2x128xi32, #tpu.memory_space<vmem>> -> memref<1x1x128xi32, #tpu.memory_space<vmem>>
      %dma_wait3A_287 = tpu.memref_squeeze %dma_wait3A_286 : memref<1x1x128xi32, #tpu.memory_space<vmem>> -> memref<128xi32, #tpu.memory_space<vmem>>
      %dma_wait3A_288 = arith.constant 0 : i32
      %dma_wait3A_289 = arith.constant 0 : i32
      %dma_wait3A_290 = tpu.memref_slice %arg2[%dma_wait3A_288, %dma_wait3A_289] : memref<10000x64xf32, #tpu.memory_space<hbm>> -> memref<10000x64xf32, #tpu.memory_space<hbm>>
      tpu.wait_indirect_dma semaphore(%arg21 : memref<!tpu.dma_semaphore, #tpu.memory_space<semaphore_mem>>) src(%dma_wait3A_290 : memref<10000x64xf32, #tpu.memory_space<hbm>>) dst(%arg13 : memref<128x64xf32, #tpu.memory_space<vmem>>)
      %dma_start3A_291 = arith.constant 1 : i32
      %dma_start3A_292 = arith.constant 0 : i32
      %dma_start3A_293 = tpu.memref_slice %arg5[%add3A_274, %dma_start3A_291, %dma_start3A_292] : memref<80x2x128xi32, #tpu.memory_space<vmem>> -> memref<1x1x128xi32, #tpu.memory_space<vmem>>
      %dma_start3A_294 = tpu.memref_squeeze %dma_start3A_293 : memref<1x1x128xi32, #tpu.memory_space<vmem>> -> memref<128xi32, #tpu.memory_space<vmem>>
      %dma_start3A_295 = arith.constant 0 : i32
      %dma_start3A_296 = arith.constant 0 : i32
      %dma_start3A_297 = tpu.memref_slice %arg30[%dma_start3A_295, %dma_start3A_296] : memref<10240x64xf32, #tpu.memory_space<vmem_shared>> -> memref<10240x64xf32, #tpu.memory_space<vmem_shared>>
      tpu.enqueue_indirect_dma source(%arg12 : memref<128x64xf32, #tpu.memory_space<vmem>>) target(%dma_start3A_297 : memref<10240x64xf32, #tpu.memory_space<vmem_shared>>) offsets(%dma_start3A_294 : memref<128xi32, #tpu.memory_space<vmem>>) semaphore(%arg28 : memref<!tpu.dma_semaphore, #tpu.memory_space<semaphore_mem>>) {add = true}
      %add3A_298 = arith.constant 1 : i32
      %add3A_299 = arith.addi %add3A_274, %add3A_298 : i32
      %dma_start3A_300 = arith.constant 1 : i32
      %dma_start3A_301 = arith.constant 0 : i32
      %dma_start3A_302 = tpu.memref_slice %arg5[%add3A_299, %dma_start3A_300, %dma_start3A_301] : memref<80x2x128xi32, #tpu.memory_space<vmem>> -> memref<1x1x128xi32, #tpu.memory_space<vmem>>
      %dma_start3A_303 = tpu.memref_squeeze %dma_start3A_302 : memref<1x1x128xi32, #tpu.memory_space<vmem>> -> memref<128xi32, #tpu.memory_space<vmem>>
      %dma_start3A_304 = arith.constant 0 : i32
      %dma_start3A_305 = arith.constant 0 : i32
      %dma_start3A_306 = tpu.memref_slice %arg30[%dma_start3A_304, %dma_start3A_305] : memref<10240x64xf32, #tpu.memory_space<vmem_shared>> -> memref<10240x64xf32, #tpu.memory_space<vmem_shared>>
      tpu.enqueue_indirect_dma source(%arg13 : memref<128x64xf32, #tpu.memory_space<vmem>>) target(%dma_start3A_306 : memref<10240x64xf32, #tpu.memory_space<vmem_shared>>) offsets(%dma_start3A_303 : memref<128xi32, #tpu.memory_space<vmem>>) semaphore(%arg29 : memref<!tpu.dma_semaphore, #tpu.memory_space<semaphore_mem>>) {add = true}
      %sub3A_307 = arith.constant 2 : i32
      %sub3A_308 = arith.subi %add3A_274, %sub3A_307 : i32
      %dma_wait3A_309 = arith.constant 1 : i32
      %dma_wait3A_310 = arith.constant 0 : i32
      %dma_wait3A_311 = tpu.memref_slice %arg5[%sub3A_308, %dma_wait3A_309, %dma_wait3A_310] : memref<80x2x128xi32, #tpu.memory_space<vmem>> -> memref<1x1x128xi32, #tpu.memory_space<vmem>>
      %dma_wait3A_312 = tpu.memref_squeeze %dma_wait3A_311 : memref<1x1x128xi32, #tpu.memory_space<vmem>> -> memref<128xi32, #tpu.memory_space<vmem>>
      %dma_wait3A_313 = arith.constant 0 : i32
      %dma_wait3A_314 = arith.constant 0 : i32
      %dma_wait3A_315 = tpu.memref_slice %arg30[%dma_wait3A_313, %dma_wait3A_314] : memref<10240x64xf32, #tpu.memory_space<vmem_shared>> -> memref<10240x64xf32, #tpu.memory_space<vmem_shared>>
      tpu.wait_indirect_dma semaphore(%arg26 : memref<!tpu.dma_semaphore, #tpu.memory_space<semaphore_mem>>) src(%arg10 : memref<128x64xf32, #tpu.memory_space<vmem>>) dst(%dma_wait3A_315 : memref<10240x64xf32, #tpu.memory_space<vmem_shared>>)
      %sub3A_316 = arith.constant 1 : i32
      %sub3A_317 = arith.subi %add3A_274, %sub3A_316 : i32
      %dma_wait3A_318 = arith.constant 1 : i32
      %dma_wait3A_319 = arith.constant 0 : i32
      %dma_wait3A_320 = tpu.memref_slice %arg5[%sub3A_317, %dma_wait3A_318, %dma_wait3A_319] : memref<80x2x128xi32, #tpu.memory_space<vmem>> -> memref<1x1x128xi32, #tpu.memory_space<vmem>>
      %dma_wait3A_321 = tpu.memref_squeeze %dma_wait3A_320 : memref<1x1x128xi32, #tpu.memory_space<vmem>> -> memref<128xi32, #tpu.memory_space<vmem>>
      %dma_wait3A_322 = arith.constant 0 : i32
      %dma_wait3A_323 = arith.constant 0 : i32
      %dma_wait3A_324 = tpu.memref_slice %arg30[%dma_wait3A_322, %dma_wait3A_323] : memref<10240x64xf32, #tpu.memory_space<vmem_shared>> -> memref<10240x64xf32, #tpu.memory_space<vmem_shared>>
      tpu.wait_indirect_dma semaphore(%arg27 : memref<!tpu.dma_semaphore, #tpu.memory_space<semaphore_mem>>) src(%arg11 : memref<128x64xf32, #tpu.memory_space<vmem>>) dst(%dma_wait3A_324 : memref<10240x64xf32, #tpu.memory_space<vmem_shared>>)
      %lt3A_325 = arith.constant 9 : i32
      %lt3A_326 = arith.cmpi slt, %scan3A_95, %lt3A_325 : i32
      %convert_element_type3A_327 = arith.extui %lt3A_326 : i1 to i32
      %cond3A_328 = arith.constant 0 : i32
      %cond3A_329 = arith.cmpi ne, %convert_element_type3A_327, %cond3A_328 : i32
      scf.if %cond3A_329 {
        %add3A_330 = arith.constant 6 : i32
        %add3A_331 = arith.addi %add3A_274, %add3A_330 : i32
        %dma_start3A_332 = arith.constant 0 : i32
        %dma_start3A_333 = arith.constant 0 : i32
        %dma_start3A_334 = tpu.memref_slice %arg5[%add3A_331, %dma_start3A_332, %dma_start3A_333] : memref<80x2x128xi32, #tpu.memory_space<vmem>> -> memref<1x1x128xi32, #tpu.memory_space<vmem>>
        %dma_start3A_335 = tpu.memref_squeeze %dma_start3A_334 : memref<1x1x128xi32, #tpu.memory_space<vmem>> -> memref<128xi32, #tpu.memory_space<vmem>>
        %dma_start3A_336 = arith.constant 0 : i32
        %dma_start3A_337 = arith.constant 0 : i32
        %dma_start3A_338 = tpu.memref_slice %arg2[%dma_start3A_336, %dma_start3A_337] : memref<10000x64xf32, #tpu.memory_space<hbm>> -> memref<10000x64xf32, #tpu.memory_space<hbm>>
        tpu.enqueue_indirect_dma source(%dma_start3A_338 : memref<10000x64xf32, #tpu.memory_space<hbm>>) target(%arg10 : memref<128x64xf32, #tpu.memory_space<vmem>>) offsets(%dma_start3A_335 : memref<128xi32, #tpu.memory_space<vmem>>) semaphore(%arg18 : memref<!tpu.dma_semaphore, #tpu.memory_space<semaphore_mem>>)
        %add3A_339 = arith.constant 7 : i32
        %add3A_340 = arith.addi %add3A_274, %add3A_339 : i32
        %dma_start3A_341 = arith.constant 0 : i32
        %dma_start3A_342 = arith.constant 0 : i32
        %dma_start3A_343 = tpu.memref_slice %arg5[%add3A_340, %dma_start3A_341, %dma_start3A_342] : memref<80x2x128xi32, #tpu.memory_space<vmem>> -> memref<1x1x128xi32, #tpu.memory_space<vmem>>
        %dma_start3A_344 = tpu.memref_squeeze %dma_start3A_343 : memref<1x1x128xi32, #tpu.memory_space<vmem>> -> memref<128xi32, #tpu.memory_space<vmem>>
        %dma_start3A_345 = arith.constant 0 : i32
        %dma_start3A_346 = arith.constant 0 : i32
        %dma_start3A_347 = tpu.memref_slice %arg2[%dma_start3A_345, %dma_start3A_346] : memref<10000x64xf32, #tpu.memory_space<hbm>> -> memref<10000x64xf32, #tpu.memory_space<hbm>>
        tpu.enqueue_indirect_dma source(%dma_start3A_347 : memref<10000x64xf32, #tpu.memory_space<hbm>>) target(%arg11 : memref<128x64xf32, #tpu.memory_space<vmem>>) offsets(%dma_start3A_344 : memref<128xi32, #tpu.memory_space<vmem>>) semaphore(%arg19 : memref<!tpu.dma_semaphore, #tpu.memory_space<semaphore_mem>>)
      } else {
      }
    }
    %scan3A_78 = arith.constant 10 : i32
    %dma_wait3A = arith.constant 78 : i32
    %dma_wait3A_79 = arith.constant 1 : i32
    %dma_wait3A_80 = arith.constant 0 : i32
    %dma_wait3A_81 = tpu.memref_slice %arg5[%dma_wait3A, %dma_wait3A_79, %dma_wait3A_80] : memref<80x2x128xi32, #tpu.memory_space<vmem>> -> memref<1x1x128xi32, #tpu.memory_space<vmem>>
    %dma_wait3A_82 = tpu.memref_squeeze %dma_wait3A_81 : memref<1x1x128xi32, #tpu.memory_space<vmem>> -> memref<128xi32, #tpu.memory_space<vmem>>
    %dma_wait3A_83 = arith.constant 0 : i32
    %dma_wait3A_84 = arith.constant 0 : i32
    %dma_wait3A_85 = tpu.memref_slice %arg30[%dma_wait3A_83, %dma_wait3A_84] : memref<10240x64xf32, #tpu.memory_space<vmem_shared>> -> memref<10240x64xf32, #tpu.memory_space<vmem_shared>>
    tpu.wait_indirect_dma semaphore(%arg28 : memref<!tpu.dma_semaphore, #tpu.memory_space<semaphore_mem>>) src(%arg12 : memref<128x64xf32, #tpu.memory_space<vmem>>) dst(%dma_wait3A_85 : memref<10240x64xf32, #tpu.memory_space<vmem_shared>>)
    %dma_wait3A_86 = arith.constant 79 : i32
    %dma_wait3A_87 = arith.constant 1 : i32
    %dma_wait3A_88 = arith.constant 0 : i32
    %dma_wait3A_89 = tpu.memref_slice %arg5[%dma_wait3A_86, %dma_wait3A_87, %dma_wait3A_88] : memref<80x2x128xi32, #tpu.memory_space<vmem>> -> memref<1x1x128xi32, #tpu.memory_space<vmem>>
    %dma_wait3A_90 = tpu.memref_squeeze %dma_wait3A_89 : memref<1x1x128xi32, #tpu.memory_space<vmem>> -> memref<128xi32, #tpu.memory_space<vmem>>
    %dma_wait3A_91 = arith.constant 0 : i32
    %dma_wait3A_92 = arith.constant 0 : i32
    %dma_wait3A_93 = tpu.memref_slice %arg30[%dma_wait3A_91, %dma_wait3A_92] : memref<10240x64xf32, #tpu.memory_space<vmem_shared>> -> memref<10240x64xf32, #tpu.memory_space<vmem_shared>>
    tpu.wait_indirect_dma semaphore(%arg29 : memref<!tpu.dma_semaphore, #tpu.memory_space<semaphore_mem>>) src(%arg13 : memref<128x64xf32, #tpu.memory_space<vmem>>) dst(%dma_wait3A_93 : memref<10240x64xf32, #tpu.memory_space<vmem_shared>>)
    %barrier3A_94 = arith.constant 0 : index
    tpu.barrier barrier_id(%barrier3A_94)
    "tpu.region"() ({
      %run_scoped3A = tpu.sem_alloc : memref<!tpu.dma_semaphore, #tpu.memory_space<semaphore_mem>>
      %dma_start3A_95 = arith.constant 0 : i32
      %dma_start3A_96 = tpu.memref_slice %arg4[%arg0, %mul3A_9, %dma_start3A_95] : memref<2x10240x64xf32, #tpu.memory_space<hbm>> -> memref<1x640x64xf32, #tpu.memory_space<hbm>>
      %dma_start3A_97 = tpu.memref_squeeze %dma_start3A_96 : memref<1x640x64xf32, #tpu.memory_space<hbm>> -> memref<640x64xf32, #tpu.memory_space<hbm>>
      %dma_start3A_98 = arith.constant 0 : i32
      %dma_start3A_99 = tpu.memref_slice %arg30[%mul3A_9, %dma_start3A_98] : memref<10240x64xf32, #tpu.memory_space<vmem_shared>> -> memref<640x64xf32, #tpu.memory_space<vmem_shared>>
      tpu.enqueue_dma source(%dma_start3A_99 : memref<640x64xf32, #tpu.memory_space<vmem_shared>>) target(%dma_start3A_97 : memref<640x64xf32, #tpu.memory_space<hbm>>) target_semaphore(%run_scoped3A : memref<!tpu.dma_semaphore, #tpu.memory_space<semaphore_mem>>)
      %dma_wait3A_100 = arith.constant 0 : i32
      %dma_wait3A_101 = tpu.memref_slice %arg4[%arg0, %mul3A_9, %dma_wait3A_100] : memref<2x10240x64xf32, #tpu.memory_space<hbm>> -> memref<1x640x64xf32, #tpu.memory_space<hbm>>
      %dma_wait3A_102 = tpu.memref_squeeze %dma_wait3A_101 : memref<1x640x64xf32, #tpu.memory_space<hbm>> -> memref<640x64xf32, #tpu.memory_space<hbm>>
      %dma_wait3A_103 = arith.constant 0 : i32
      %dma_wait3A_104 = tpu.memref_slice %arg30[%mul3A_9, %dma_wait3A_103] : memref<10240x64xf32, #tpu.memory_space<vmem_shared>> -> memref<640x64xf32, #tpu.memory_space<vmem_shared>>
      tpu.wait_dma2 semaphore(%run_scoped3A : memref<!tpu.dma_semaphore, #tpu.memory_space<semaphore_mem>>) src(%dma_wait3A_104 : memref<640x64xf32, #tpu.memory_space<vmem_shared>>) dst(%dma_wait3A_102 : memref<640x64xf32, #tpu.memory_space<hbm>>)
      tpu.yield
    }) : () -> ()
    return
  }
}

#map = affine_map<(d0, d1) -> (0, 0)>
#map1 = affine_map<(d0, d1) -> (0, 0, 0)>
module attributes {stable_mosaic.version = 14 : i64} {
  func.func @_agg_body(%arg0: i32, %arg1: i32, %arg2: memref<10000x64xf32, #tpu.memory_space<hbm>>, %arg3: memref<2560x2x128xi32, #tpu.memory_space<hbm>>, %arg4: memref<2x10240x64xf32, #tpu.memory_space<hbm>>, %arg5: memref<80x2x128xi32, #tpu.memory_space<vmem>>, %arg6: memref<128x64xf32, #tpu.memory_space<vmem>>, %arg7: memref<128x64xf32, #tpu.memory_space<vmem>>, %arg8: memref<128x64xf32, #tpu.memory_space<vmem>>, %arg9: memref<128x64xf32, #tpu.memory_space<vmem>>, %arg10: memref<128x64xf32, #tpu.memory_space<vmem>>, %arg11: memref<128x64xf32, #tpu.memory_space<vmem>>, %arg12: memref<128x64xf32, #tpu.memory_space<vmem>>, %arg13: memref<128x64xf32, #tpu.memory_space<vmem>>, %arg14: memref<!tpu.dma_semaphore, #tpu.memory_space<semaphore_mem>>, %arg15: memref<!tpu.dma_semaphore, #tpu.memory_space<semaphore_mem>>, %arg16: memref<!tpu.dma_semaphore, #tpu.memory_space<semaphore_mem>>, %arg17: memref<!tpu.dma_semaphore, #tpu.memory_space<semaphore_mem>>, %arg18: memref<!tpu.dma_semaphore, #tpu.memory_space<semaphore_mem>>, %arg19: memref<!tpu.dma_semaphore, #tpu.memory_space<semaphore_mem>>, %arg20: memref<!tpu.dma_semaphore, #tpu.memory_space<semaphore_mem>>, %arg21: memref<!tpu.dma_semaphore, #tpu.memory_space<semaphore_mem>>, %arg22: memref<!tpu.dma_semaphore, #tpu.memory_space<semaphore_mem>>, %arg23: memref<!tpu.dma_semaphore, #tpu.memory_space<semaphore_mem>>, %arg24: memref<!tpu.dma_semaphore, #tpu.memory_space<semaphore_mem>>, %arg25: memref<!tpu.dma_semaphore, #tpu.memory_space<semaphore_mem>>, %arg26: memref<!tpu.dma_semaphore, #tpu.memory_space<semaphore_mem>>, %arg27: memref<!tpu.dma_semaphore, #tpu.memory_space<semaphore_mem>>, %arg28: memref<!tpu.dma_semaphore, #tpu.memory_space<semaphore_mem>>, %arg29: memref<!tpu.dma_semaphore, #tpu.memory_space<semaphore_mem>>, %arg30: memref<10240x64xf32, #tpu.memory_space<vmem_shared>>) attributes {dimension_semantics = [#tpu.dimension_semantics<core_parallel>, #tpu.dimension_semantics<subcore_parallel>], iteration_bounds = array<i64: 2, 16>, scalar_prefetch = 0 : i64, scratch_operands = 26 : i64, tpu.core_type = #tpu.core_type<sc_vector_subcore>, window_params = [{transform_indices = #map}, {transform_indices = #map1}, {transform_indices = #map1}]} {
    %mul3A = arith.constant 16 : i32
    %mul3A_0 = arith.muli %arg0, %mul3A : i32
    %add3A = arith.addi %mul3A_0, %arg1 : i32
    %mul3A_1 = arith.constant 80 : i32
    %mul3A_2 = arith.muli %add3A, %mul3A_1 : i32
    "tpu.region"() ({
      %run_scoped3A = tpu.sem_alloc : memref<!tpu.dma_semaphore, #tpu.memory_space<semaphore_mem>>
      %dma_start3A_95 = arith.constant 0 : i32
      %dma_start3A_96 = arith.constant 0 : i32
      %dma_start3A_97 = tpu.memref_slice %arg3[%mul3A_2, %dma_start3A_95, %dma_start3A_96] : memref<2560x2x128xi32, #tpu.memory_space<hbm>> -> memref<80x2x128xi32, #tpu.memory_space<hbm>>
      %dma_start3A_98 = arith.constant 0 : i32
      %dma_start3A_99 = arith.constant 0 : i32
      %dma_start3A_100 = tpu.memref_slice %arg3[%mul3A_2, %dma_start3A_98, %dma_start3A_99] : memref<2560x2x128xi32, #tpu.memory_space<hbm>> -> memref<80x2x128xi32, #tpu.memory_space<hbm>>
      tpu.enqueue_dma source(%dma_start3A_100 : memref<80x2x128xi32, #tpu.memory_space<hbm>>) target(%arg5 : memref<80x2x128xi32, #tpu.memory_space<vmem>>) target_semaphore(%run_scoped3A : memref<!tpu.dma_semaphore, #tpu.memory_space<semaphore_mem>>)
      %dma_wait3A_101 = arith.constant 0 : i32
      %dma_wait3A_102 = arith.constant 0 : i32
      %dma_wait3A_103 = tpu.memref_slice %arg3[%mul3A_2, %dma_wait3A_101, %dma_wait3A_102] : memref<2560x2x128xi32, #tpu.memory_space<hbm>> -> memref<80x2x128xi32, #tpu.memory_space<hbm>>
      %dma_wait3A_104 = arith.constant 0 : i32
      %dma_wait3A_105 = arith.constant 0 : i32
      %dma_wait3A_106 = tpu.memref_slice %arg3[%mul3A_2, %dma_wait3A_104, %dma_wait3A_105] : memref<2560x2x128xi32, #tpu.memory_space<hbm>> -> memref<80x2x128xi32, #tpu.memory_space<hbm>>
      tpu.wait_dma2 semaphore(%run_scoped3A : memref<!tpu.dma_semaphore, #tpu.memory_space<semaphore_mem>>) src(%dma_wait3A_106 : memref<80x2x128xi32, #tpu.memory_space<hbm>>) dst(%arg5 : memref<80x2x128xi32, #tpu.memory_space<vmem>>)
      tpu.yield
    }) : () -> ()
    %scan3A = arith.constant 0 : i32
    %scan3A_3 = arith.constant 0 : i32
    %scan3A_4 = arith.constant 128 : i32
    %scan3A_5 = arith.addi %scan3A_3, %scan3A_4 : i32
    %scan3A_6 = arith.constant 1 : i32
    scf.for %scan3A_95 = %scan3A_3 to %scan3A_5 step %scan3A_6  : i32 {
      %broadcast_in_dim3A = arith.constant 0.000000e+00 : f32
      %broadcast_in_dim3A_96 = vector.broadcast %broadcast_in_dim3A : f32 to vector<16xf32>
      %swap3A = arith.index_cast %scan3A_95 : i32 to index
      %swap3A_97 = arith.constant 0 : index
      %swap3A_98 = tpu.vector_load %arg6[%swap3A, %swap3A_97] {strides = array<i32>} : memref<128x64xf32, #tpu.memory_space<vmem>>, vector<1x16xf32>,
      %swap3A_99 = vector.shape_cast %swap3A_98 : vector<1x16xf32> to vector<16xf32>
      %swap3A_100 = vector.shape_cast %broadcast_in_dim3A_96 : vector<16xf32> to vector<1x16xf32>
      tpu.vector_store %arg6[%swap3A, %swap3A_97], %swap3A_100 {strides = array<i32>} : memref<128x64xf32, #tpu.memory_space<vmem>>, vector<1x16xf32>,
      %broadcast_in_dim3A_101 = arith.constant 0.000000e+00 : f32
      %broadcast_in_dim3A_102 = vector.broadcast %broadcast_in_dim3A_101 : f32 to vector<16xf32>
      %swap3A_103 = arith.index_cast %scan3A_95 : i32 to index
      %swap3A_104 = arith.constant 16 : index
      %swap3A_105 = tpu.vector_load %arg6[%swap3A_103, %swap3A_104] {strides = array<i32>} : memref<128x64xf32, #tpu.memory_space<vmem>>, vector<1x16xf32>,
      %swap3A_106 = vector.shape_cast %swap3A_105 : vector<1x16xf32> to vector<16xf32>
      %swap3A_107 = vector.shape_cast %broadcast_in_dim3A_102 : vector<16xf32> to vector<1x16xf32>
      tpu.vector_store %arg6[%swap3A_103, %swap3A_104], %swap3A_107 {strides = array<i32>} : memref<128x64xf32, #tpu.memory_space<vmem>>, vector<1x16xf32>,
      %broadcast_in_dim3A_108 = arith.constant 0.000000e+00 : f32
      %broadcast_in_dim3A_109 = vector.broadcast %broadcast_in_dim3A_108 : f32 to vector<16xf32>
      %swap3A_110 = arith.index_cast %scan3A_95 : i32 to index
      %swap3A_111 = arith.constant 32 : index
      %swap3A_112 = tpu.vector_load %arg6[%swap3A_110, %swap3A_111] {strides = array<i32>} : memref<128x64xf32, #tpu.memory_space<vmem>>, vector<1x16xf32>,
      %swap3A_113 = vector.shape_cast %swap3A_112 : vector<1x16xf32> to vector<16xf32>
      %swap3A_114 = vector.shape_cast %broadcast_in_dim3A_109 : vector<16xf32> to vector<1x16xf32>
      tpu.vector_store %arg6[%swap3A_110, %swap3A_111], %swap3A_114 {strides = array<i32>} : memref<128x64xf32, #tpu.memory_space<vmem>>, vector<1x16xf32>,
      %broadcast_in_dim3A_115 = arith.constant 0.000000e+00 : f32
      %broadcast_in_dim3A_116 = vector.broadcast %broadcast_in_dim3A_115 : f32 to vector<16xf32>
      %swap3A_117 = arith.index_cast %scan3A_95 : i32 to index
      %swap3A_118 = arith.constant 48 : index
      %swap3A_119 = tpu.vector_load %arg6[%swap3A_117, %swap3A_118] {strides = array<i32>} : memref<128x64xf32, #tpu.memory_space<vmem>>, vector<1x16xf32>,
      %swap3A_120 = vector.shape_cast %swap3A_119 : vector<1x16xf32> to vector<16xf32>
      %swap3A_121 = vector.shape_cast %broadcast_in_dim3A_116 : vector<16xf32> to vector<1x16xf32>
      tpu.vector_store %arg6[%swap3A_117, %swap3A_118], %swap3A_121 {strides = array<i32>} : memref<128x64xf32, #tpu.memory_space<vmem>>, vector<1x16xf32>,
    }
    %scan3A_7 = arith.constant 128 : i32
    %mul3A_8 = arith.constant 640 : i32
    %mul3A_9 = arith.muli %arg1, %mul3A_8 : i32
    %eq3A = arith.constant 0 : i32
    %eq3A_10 = arith.cmpi eq, %arg0, %eq3A : i32
    %lt3A = arith.constant 15 : i32
    %lt3A_11 = arith.cmpi slt, %arg1, %lt3A : i32
    %and3A = arith.andi %eq3A_10, %lt3A_11 : i1
    %convert_element_type3A = arith.extui %and3A : i1 to i32
    %cond3A = arith.constant 0 : i32
    %cond3A_12 = arith.cmpi ne, %convert_element_type3A, %cond3A : i32
    scf.if %cond3A_12 {
      "tpu.region"() ({
        %run_scoped3A = tpu.sem_alloc : memref<!tpu.dma_semaphore, #tpu.memory_space<semaphore_mem>>
        %dma_start3A_95 = arith.constant 0 : i32
        %dma_start3A_96 = tpu.memref_slice %arg30[%mul3A_9, %dma_start3A_95] : memref<10240x64xf32, #tpu.memory_space<vmem_shared>> -> memref<640x64xf32, #tpu.memory_space<vmem_shared>>
        %dma_start3A_97 = arith.constant 0 : i32
        %dma_start3A_98 = tpu.memref_slice %arg2[%mul3A_9, %dma_start3A_97] : memref<10000x64xf32, #tpu.memory_space<hbm>> -> memref<640x64xf32, #tpu.memory_space<hbm>>
        tpu.enqueue_dma source(%dma_start3A_98 : memref<640x64xf32, #tpu.memory_space<hbm>>) target(%dma_start3A_96 : memref<640x64xf32, #tpu.memory_space<vmem_shared>>) target_semaphore(%run_scoped3A : memref<!tpu.dma_semaphore, #tpu.memory_space<semaphore_mem>>)
        %dma_wait3A_99 = arith.constant 0 : i32
        %dma_wait3A_100 = tpu.memref_slice %arg30[%mul3A_9, %dma_wait3A_99] : memref<10240x64xf32, #tpu.memory_space<vmem_shared>> -> memref<640x64xf32, #tpu.memory_space<vmem_shared>>
        %dma_wait3A_101 = arith.constant 0 : i32
        %dma_wait3A_102 = tpu.memref_slice %arg2[%mul3A_9, %dma_wait3A_101] : memref<10000x64xf32, #tpu.memory_space<hbm>> -> memref<640x64xf32, #tpu.memory_space<hbm>>
        tpu.wait_dma2 semaphore(%run_scoped3A : memref<!tpu.dma_semaphore, #tpu.memory_space<semaphore_mem>>) src(%dma_wait3A_102 : memref<640x64xf32, #tpu.memory_space<hbm>>) dst(%dma_wait3A_100 : memref<640x64xf32, #tpu.memory_space<vmem_shared>>)
        tpu.yield
      }) : () -> ()
    } else {
    }
    %eq3A_13 = arith.constant 0 : i32
    %eq3A_14 = arith.cmpi eq, %arg0, %eq3A_13 : i32
    %eq3A_15 = arith.constant 15 : i32
    %eq3A_16 = arith.cmpi eq, %arg1, %eq3A_15 : i32
    %and3A_17 = arith.andi %eq3A_14, %eq3A_16 : i1
    %convert_element_type3A_18 = arith.extui %and3A_17 : i1 to i32
    %cond3A_19 = arith.constant 0 : i32
    %cond3A_20 = arith.cmpi ne, %convert_element_type3A_18, %cond3A_19 : i32
    scf.if %cond3A_20 {
      "tpu.region"() ({
        %run_scoped3A = tpu.sem_alloc : memref<!tpu.dma_semaphore, #tpu.memory_space<semaphore_mem>>
        %dma_start3A_95 = arith.constant 9600 : i32
        %dma_start3A_96 = arith.constant 0 : i32
        %dma_start3A_97 = tpu.memref_slice %arg30[%dma_start3A_95, %dma_start3A_96] : memref<10240x64xf32, #tpu.memory_space<vmem_shared>> -> memref<400x64xf32, #tpu.memory_space<vmem_shared>>
        %dma_start3A_98 = arith.constant 9600 : i32
        %dma_start3A_99 = arith.constant 0 : i32
        %dma_start3A_100 = tpu.memref_slice %arg2[%dma_start3A_98, %dma_start3A_99] : memref<10000x64xf32, #tpu.memory_space<hbm>> -> memref<400x64xf32, #tpu.memory_space<hbm>>
        tpu.enqueue_dma source(%dma_start3A_100 : memref<400x64xf32, #tpu.memory_space<hbm>>) target(%dma_start3A_97 : memref<400x64xf32, #tpu.memory_space<vmem_shared>>) target_semaphore(%run_scoped3A : memref<!tpu.dma_semaphore, #tpu.memory_space<semaphore_mem>>)
        %dma_wait3A_101 = arith.constant 9600 : i32
        %dma_wait3A_102 = arith.constant 0 : i32
        %dma_wait3A_103 = tpu.memref_slice %arg30[%dma_wait3A_101, %dma_wait3A_102] : memref<10240x64xf32, #tpu.memory_space<vmem_shared>> -> memref<400x64xf32, #tpu.memory_space<vmem_shared>>
        %dma_wait3A_104 = arith.constant 9600 : i32
        %dma_wait3A_105 = arith.constant 0 : i32
        %dma_wait3A_106 = tpu.memref_slice %arg2[%dma_wait3A_104, %dma_wait3A_105] : memref<10000x64xf32, #tpu.memory_space<hbm>> -> memref<400x64xf32, #tpu.memory_space<hbm>>
        tpu.wait_dma2 semaphore(%run_scoped3A : memref<!tpu.dma_semaphore, #tpu.memory_space<semaphore_mem>>) src(%dma_wait3A_106 : memref<400x64xf32, #tpu.memory_space<hbm>>) dst(%dma_wait3A_103 : memref<400x64xf32, #tpu.memory_space<vmem_shared>>)
        tpu.yield
      }) : () -> ()
      "tpu.region"() ({
        %run_scoped3A = tpu.sem_alloc : memref<!tpu.dma_semaphore, #tpu.memory_space<semaphore_mem>>
        %dma_start3A_95 = arith.constant 10000 : i32
        %dma_start3A_96 = arith.constant 0 : i32
        %dma_start3A_97 = tpu.memref_slice %arg30[%dma_start3A_95, %dma_start3A_96] : memref<10240x64xf32, #tpu.memory_space<vmem_shared>> -> memref<128x64xf32, #tpu.memory_space<vmem_shared>>
        %dma_start3A_98 = arith.constant 10000 : i32
        %dma_start3A_99 = arith.constant 0 : i32
        %dma_start3A_100 = tpu.memref_slice %arg30[%dma_start3A_98, %dma_start3A_99] : memref<10240x64xf32, #tpu.memory_space<vmem_shared>> -> memref<128x64xf32, #tpu.memory_space<vmem_shared>>
        tpu.enqueue_dma source(%arg6 : memref<128x64xf32, #tpu.memory_space<vmem>>) target(%dma_start3A_100 : memref<128x64xf32, #tpu.memory_space<vmem_shared>>) target_semaphore(%run_scoped3A : memref<!tpu.dma_semaphore, #tpu.memory_space<semaphore_mem>>)
        %dma_wait3A_101 = arith.constant 10000 : i32
        %dma_wait3A_102 = arith.constant 0 : i32
        %dma_wait3A_103 = tpu.memref_slice %arg30[%dma_wait3A_101, %dma_wait3A_102] : memref<10240x64xf32, #tpu.memory_space<vmem_shared>> -> memref<128x64xf32, #tpu.memory_space<vmem_shared>>
        %dma_wait3A_104 = arith.constant 10000 : i32
        %dma_wait3A_105 = arith.constant 0 : i32
        %dma_wait3A_106 = tpu.memref_slice %arg30[%dma_wait3A_104, %dma_wait3A_105] : memref<10240x64xf32, #tpu.memory_space<vmem_shared>> -> memref<128x64xf32, #tpu.memory_space<vmem_shared>>
        tpu.wait_dma2 semaphore(%run_scoped3A : memref<!tpu.dma_semaphore, #tpu.memory_space<semaphore_mem>>) src(%arg6 : memref<128x64xf32, #tpu.memory_space<vmem>>) dst(%dma_wait3A_106 : memref<128x64xf32, #tpu.memory_space<vmem_shared>>)
        tpu.yield
      }) : () -> ()
      "tpu.region"() ({
        %run_scoped3A = tpu.sem_alloc : memref<!tpu.dma_semaphore, #tpu.memory_space<semaphore_mem>>
        %dma_start3A_95 = arith.constant 0 : i32
        %dma_start3A_96 = arith.constant 0 : i32
        %dma_start3A_97 = tpu.memref_slice %arg6[%dma_start3A_95, %dma_start3A_96] : memref<128x64xf32, #tpu.memory_space<vmem>> -> memref<112x64xf32, #tpu.memory_space<vmem>>
        %dma_start3A_98 = arith.constant 10128 : i32
        %dma_start3A_99 = arith.constant 0 : i32
        %dma_start3A_100 = tpu.memref_slice %arg30[%dma_start3A_98, %dma_start3A_99] : memref<10240x64xf32, #tpu.memory_space<vmem_shared>> -> memref<112x64xf32, #tpu.memory_space<vmem_shared>>
        %dma_start3A_101 = arith.constant 10128 : i32
        %dma_start3A_102 = arith.constant 0 : i32
        %dma_start3A_103 = tpu.memref_slice %arg30[%dma_start3A_101, %dma_start3A_102] : memref<10240x64xf32, #tpu.memory_space<vmem_shared>> -> memref<112x64xf32, #tpu.memory_space<vmem_shared>>
        %dma_start3A_104 = arith.constant 0 : i32
        %dma_start3A_105 = arith.constant 0 : i32
        %dma_start3A_106 = tpu.memref_slice %arg6[%dma_start3A_104, %dma_start3A_105] : memref<128x64xf32, #tpu.memory_space<vmem>> -> memref<112x64xf32, #tpu.memory_space<vmem>>
        tpu.enqueue_dma source(%dma_start3A_106 : memref<112x64xf32, #tpu.memory_space<vmem>>) target(%dma_start3A_103 : memref<112x64xf32, #tpu.memory_space<vmem_shared>>) target_semaphore(%run_scoped3A : memref<!tpu.dma_semaphore, #tpu.memory_space<semaphore_mem>>)
        %dma_wait3A_107 = arith.constant 0 : i32
        %dma_wait3A_108 = arith.constant 0 : i32
        %dma_wait3A_109 = tpu.memref_slice %arg6[%dma_wait3A_107, %dma_wait3A_108] : memref<128x64xf32, #tpu.memory_space<vmem>> -> memref<112x64xf32, #tpu.memory_space<vmem>>
        %dma_wait3A_110 = arith.constant 10128 : i32
        %dma_wait3A_111 = arith.constant 0 : i32
        %dma_wait3A_112 = tpu.memref_slice %arg30[%dma_wait3A_110, %dma_wait3A_111] : memref<10240x64xf32, #tpu.memory_space<vmem_shared>> -> memref<112x64xf32, #tpu.memory_space<vmem_shared>>
        %dma_wait3A_113 = arith.constant 10128 : i32
        %dma_wait3A_114 = arith.constant 0 : i32
        %dma_wait3A_115 = tpu.memref_slice %arg30[%dma_wait3A_113, %dma_wait3A_114] : memref<10240x64xf32, #tpu.memory_space<vmem_shared>> -> memref<112x64xf32, #tpu.memory_space<vmem_shared>>
        %dma_wait3A_116 = arith.constant 0 : i32
        %dma_wait3A_117 = arith.constant 0 : i32
        %dma_wait3A_118 = tpu.memref_slice %arg6[%dma_wait3A_116, %dma_wait3A_117] : memref<128x64xf32, #tpu.memory_space<vmem>> -> memref<112x64xf32, #tpu.memory_space<vmem>>
        tpu.wait_dma2 semaphore(%run_scoped3A : memref<!tpu.dma_semaphore, #tpu.memory_space<semaphore_mem>>) src(%dma_wait3A_118 : memref<112x64xf32, #tpu.memory_space<vmem>>) dst(%dma_wait3A_115 : memref<112x64xf32, #tpu.memory_space<vmem_shared>>)
        tpu.yield
      }) : () -> ()
    } else {
    }
    %eq3A_21 = arith.constant 1 : i32
    %eq3A_22 = arith.cmpi eq, %arg0, %eq3A_21 : i32
    %convert_element_type3A_23 = arith.extui %eq3A_22 : i1 to i32
    %cond3A_24 = arith.constant 0 : i32
    %cond3A_25 = arith.cmpi ne, %convert_element_type3A_23, %cond3A_24 : i32
    scf.if %cond3A_25 {
      %add3A_95 = arith.constant 0 : i32
      %add3A_96 = arith.addi %mul3A_9, %add3A_95 : i32
      "tpu.region"() ({
        %run_scoped3A = tpu.sem_alloc : memref<!tpu.dma_semaphore, #tpu.memory_space<semaphore_mem>>
        %dma_start3A_105 = arith.constant 0 : i32
        %dma_start3A_106 = tpu.memref_slice %arg30[%add3A_96, %dma_start3A_105] : memref<10240x64xf32, #tpu.memory_space<vmem_shared>> -> memref<128x64xf32, #tpu.memory_space<vmem_shared>>
        %dma_start3A_107 = arith.constant 0 : i32
        %dma_start3A_108 = tpu.memref_slice %arg30[%add3A_96, %dma_start3A_107] : memref<10240x64xf32, #tpu.memory_space<vmem_shared>> -> memref<128x64xf32, #tpu.memory_space<vmem_shared>>
        tpu.enqueue_dma source(%arg6 : memref<128x64xf32, #tpu.memory_space<vmem>>) target(%dma_start3A_108 : memref<128x64xf32, #tpu.memory_space<vmem_shared>>) target_semaphore(%run_scoped3A : memref<!tpu.dma_semaphore, #tpu.memory_space<semaphore_mem>>)
        %dma_wait3A_109 = arith.constant 0 : i32
        %dma_wait3A_110 = tpu.memref_slice %arg30[%add3A_96, %dma_wait3A_109] : memref<10240x64xf32, #tpu.memory_space<vmem_shared>> -> memref<128x64xf32, #tpu.memory_space<vmem_shared>>
        %dma_wait3A_111 = arith.constant 0 : i32
        %dma_wait3A_112 = tpu.memref_slice %arg30[%add3A_96, %dma_wait3A_111] : memref<10240x64xf32, #tpu.memory_space<vmem_shared>> -> memref<128x64xf32, #tpu.memory_space<vmem_shared>>
        tpu.wait_dma2 semaphore(%run_scoped3A : memref<!tpu.dma_semaphore, #tpu.memory_space<semaphore_mem>>) src(%arg6 : memref<128x64xf32, #tpu.memory_space<vmem>>) dst(%dma_wait3A_112 : memref<128x64xf32, #tpu.memory_space<vmem_shared>>)
        tpu.yield
      }) : () -> ()
      %add3A_97 = arith.constant 128 : i32
      %add3A_98 = arith.addi %mul3A_9, %add3A_97 : i32
      "tpu.region"() ({
        %run_scoped3A = tpu.sem_alloc : memref<!tpu.dma_semaphore, #tpu.memory_space<semaphore_mem>>
        %dma_start3A_105 = arith.constant 0 : i32
        %dma_start3A_106 = tpu.memref_slice %arg30[%add3A_98, %dma_start3A_105] : memref<10240x64xf32, #tpu.memory_space<vmem_shared>> -> memref<128x64xf32, #tpu.memory_space<vmem_shared>>
        %dma_start3A_107 = arith.constant 0 : i32
        %dma_start3A_108 = tpu.memref_slice %arg30[%add3A_98, %dma_start3A_107] : memref<10240x64xf32, #tpu.memory_space<vmem_shared>> -> memref<128x64xf32, #tpu.memory_space<vmem_shared>>
        tpu.enqueue_dma source(%arg6 : memref<128x64xf32, #tpu.memory_space<vmem>>) target(%dma_start3A_108 : memref<128x64xf32, #tpu.memory_space<vmem_shared>>) target_semaphore(%run_scoped3A : memref<!tpu.dma_semaphore, #tpu.memory_space<semaphore_mem>>)
        %dma_wait3A_109 = arith.constant 0 : i32
        %dma_wait3A_110 = tpu.memref_slice %arg30[%add3A_98, %dma_wait3A_109] : memref<10240x64xf32, #tpu.memory_space<vmem_shared>> -> memref<128x64xf32, #tpu.memory_space<vmem_shared>>
        %dma_wait3A_111 = arith.constant 0 : i32
        %dma_wait3A_112 = tpu.memref_slice %arg30[%add3A_98, %dma_wait3A_111] : memref<10240x64xf32, #tpu.memory_space<vmem_shared>> -> memref<128x64xf32, #tpu.memory_space<vmem_shared>>
        tpu.wait_dma2 semaphore(%run_scoped3A : memref<!tpu.dma_semaphore, #tpu.memory_space<semaphore_mem>>) src(%arg6 : memref<128x64xf32, #tpu.memory_space<vmem>>) dst(%dma_wait3A_112 : memref<128x64xf32, #tpu.memory_space<vmem_shared>>)
        tpu.yield
      }) : () -> ()
      %add3A_99 = arith.constant 256 : i32
      %add3A_100 = arith.addi %mul3A_9, %add3A_99 : i32
      "tpu.region"() ({
        %run_scoped3A = tpu.sem_alloc : memref<!tpu.dma_semaphore, #tpu.memory_space<semaphore_mem>>
        %dma_start3A_105 = arith.constant 0 : i32
        %dma_start3A_106 = tpu.memref_slice %arg30[%add3A_100, %dma_start3A_105] : memref<10240x64xf32, #tpu.memory_space<vmem_shared>> -> memref<128x64xf32, #tpu.memory_space<vmem_shared>>
        %dma_start3A_107 = arith.constant 0 : i32
        %dma_start3A_108 = tpu.memref_slice %arg30[%add3A_100, %dma_start3A_107] : memref<10240x64xf32, #tpu.memory_space<vmem_shared>> -> memref<128x64xf32, #tpu.memory_space<vmem_shared>>
        tpu.enqueue_dma source(%arg6 : memref<128x64xf32, #tpu.memory_space<vmem>>) target(%dma_start3A_108 : memref<128x64xf32, #tpu.memory_space<vmem_shared>>) target_semaphore(%run_scoped3A : memref<!tpu.dma_semaphore, #tpu.memory_space<semaphore_mem>>)
        %dma_wait3A_109 = arith.constant 0 : i32
        %dma_wait3A_110 = tpu.memref_slice %arg30[%add3A_100, %dma_wait3A_109] : memref<10240x64xf32, #tpu.memory_space<vmem_shared>> -> memref<128x64xf32, #tpu.memory_space<vmem_shared>>
        %dma_wait3A_111 = arith.constant 0 : i32
        %dma_wait3A_112 = tpu.memref_slice %arg30[%add3A_100, %dma_wait3A_111] : memref<10240x64xf32, #tpu.memory_space<vmem_shared>> -> memref<128x64xf32, #tpu.memory_space<vmem_shared>>
        tpu.wait_dma2 semaphore(%run_scoped3A : memref<!tpu.dma_semaphore, #tpu.memory_space<semaphore_mem>>) src(%arg6 : memref<128x64xf32, #tpu.memory_space<vmem>>) dst(%dma_wait3A_112 : memref<128x64xf32, #tpu.memory_space<vmem_shared>>)
        tpu.yield
      }) : () -> ()
      %add3A_101 = arith.constant 384 : i32
      %add3A_102 = arith.addi %mul3A_9, %add3A_101 : i32
      "tpu.region"() ({
        %run_scoped3A = tpu.sem_alloc : memref<!tpu.dma_semaphore, #tpu.memory_space<semaphore_mem>>
        %dma_start3A_105 = arith.constant 0 : i32
        %dma_start3A_106 = tpu.memref_slice %arg30[%add3A_102, %dma_start3A_105] : memref<10240x64xf32, #tpu.memory_space<vmem_shared>> -> memref<128x64xf32, #tpu.memory_space<vmem_shared>>
        %dma_start3A_107 = arith.constant 0 : i32
        %dma_start3A_108 = tpu.memref_slice %arg30[%add3A_102, %dma_start3A_107] : memref<10240x64xf32, #tpu.memory_space<vmem_shared>> -> memref<128x64xf32, #tpu.memory_space<vmem_shared>>
        tpu.enqueue_dma source(%arg6 : memref<128x64xf32, #tpu.memory_space<vmem>>) target(%dma_start3A_108 : memref<128x64xf32, #tpu.memory_space<vmem_shared>>) target_semaphore(%run_scoped3A : memref<!tpu.dma_semaphore, #tpu.memory_space<semaphore_mem>>)
        %dma_wait3A_109 = arith.constant 0 : i32
        %dma_wait3A_110 = tpu.memref_slice %arg30[%add3A_102, %dma_wait3A_109] : memref<10240x64xf32, #tpu.memory_space<vmem_shared>> -> memref<128x64xf32, #tpu.memory_space<vmem_shared>>
        %dma_wait3A_111 = arith.constant 0 : i32
        %dma_wait3A_112 = tpu.memref_slice %arg30[%add3A_102, %dma_wait3A_111] : memref<10240x64xf32, #tpu.memory_space<vmem_shared>> -> memref<128x64xf32, #tpu.memory_space<vmem_shared>>
        tpu.wait_dma2 semaphore(%run_scoped3A : memref<!tpu.dma_semaphore, #tpu.memory_space<semaphore_mem>>) src(%arg6 : memref<128x64xf32, #tpu.memory_space<vmem>>) dst(%dma_wait3A_112 : memref<128x64xf32, #tpu.memory_space<vmem_shared>>)
        tpu.yield
      }) : () -> ()
      %add3A_103 = arith.constant 512 : i32
      %add3A_104 = arith.addi %mul3A_9, %add3A_103 : i32
      "tpu.region"() ({
        %run_scoped3A = tpu.sem_alloc : memref<!tpu.dma_semaphore, #tpu.memory_space<semaphore_mem>>
        %dma_start3A_105 = arith.constant 0 : i32
        %dma_start3A_106 = tpu.memref_slice %arg30[%add3A_104, %dma_start3A_105] : memref<10240x64xf32, #tpu.memory_space<vmem_shared>> -> memref<128x64xf32, #tpu.memory_space<vmem_shared>>
        %dma_start3A_107 = arith.constant 0 : i32
        %dma_start3A_108 = tpu.memref_slice %arg30[%add3A_104, %dma_start3A_107] : memref<10240x64xf32, #tpu.memory_space<vmem_shared>> -> memref<128x64xf32, #tpu.memory_space<vmem_shared>>
        tpu.enqueue_dma source(%arg6 : memref<128x64xf32, #tpu.memory_space<vmem>>) target(%dma_start3A_108 : memref<128x64xf32, #tpu.memory_space<vmem_shared>>) target_semaphore(%run_scoped3A : memref<!tpu.dma_semaphore, #tpu.memory_space<semaphore_mem>>)
        %dma_wait3A_109 = arith.constant 0 : i32
        %dma_wait3A_110 = tpu.memref_slice %arg30[%add3A_104, %dma_wait3A_109] : memref<10240x64xf32, #tpu.memory_space<vmem_shared>> -> memref<128x64xf32, #tpu.memory_space<vmem_shared>>
        %dma_wait3A_111 = arith.constant 0 : i32
        %dma_wait3A_112 = tpu.memref_slice %arg30[%add3A_104, %dma_wait3A_111] : memref<10240x64xf32, #tpu.memory_space<vmem_shared>> -> memref<128x64xf32, #tpu.memory_space<vmem_shared>>
        tpu.wait_dma2 semaphore(%run_scoped3A : memref<!tpu.dma_semaphore, #tpu.memory_space<semaphore_mem>>) src(%arg6 : memref<128x64xf32, #tpu.memory_space<vmem>>) dst(%dma_wait3A_112 : memref<128x64xf32, #tpu.memory_space<vmem_shared>>)
        tpu.yield
      }) : () -> ()
    } else {
    }
    %barrier3A = arith.constant 0 : index
    tpu.barrier barrier_id(%barrier3A)
    %dma_start3A = arith.constant 0 : i32
    %dma_start3A_26 = arith.constant 0 : i32
    %dma_start3A_27 = arith.constant 0 : i32
    %dma_start3A_28 = tpu.memref_slice %arg5[%dma_start3A, %dma_start3A_26, %dma_start3A_27] : memref<80x2x128xi32, #tpu.memory_space<vmem>> -> memref<1x1x128xi32, #tpu.memory_space<vmem>>
    %dma_start3A_29 = tpu.memref_squeeze %dma_start3A_28 : memref<1x1x128xi32, #tpu.memory_space<vmem>> -> memref<128xi32, #tpu.memory_space<vmem>>
    %dma_start3A_30 = arith.constant 0 : i32
    %dma_start3A_31 = arith.constant 0 : i32
    %dma_start3A_32 = tpu.memref_slice %arg2[%dma_start3A_30, %dma_start3A_31] : memref<10000x64xf32, #tpu.memory_space<hbm>> -> memref<10000x64xf32, #tpu.memory_space<hbm>>
    tpu.enqueue_indirect_dma source(%dma_start3A_32 : memref<10000x64xf32, #tpu.memory_space<hbm>>) target(%arg6 : memref<128x64xf32, #tpu.memory_space<vmem>>) offsets(%dma_start3A_29 : memref<128xi32, #tpu.memory_space<vmem>>) semaphore(%arg14 : memref<!tpu.dma_semaphore, #tpu.memory_space<semaphore_mem>>)
    %dma_start3A_33 = arith.constant 1 : i32
    %dma_start3A_34 = arith.constant 0 : i32
    %dma_start3A_35 = arith.constant 0 : i32
    %dma_start3A_36 = tpu.memref_slice %arg5[%dma_start3A_33, %dma_start3A_34, %dma_start3A_35] : memref<80x2x128xi32, #tpu.memory_space<vmem>> -> memref<1x1x128xi32, #tpu.memory_space<vmem>>
    %dma_start3A_37 = tpu.memref_squeeze %dma_start3A_36 : memref<1x1x128xi32, #tpu.memory_space<vmem>> -> memref<128xi32, #tpu.memory_space<vmem>>
    %dma_start3A_38 = arith.constant 0 : i32
    %dma_start3A_39 = arith.constant 0 : i32
    %dma_start3A_40 = tpu.memref_slice %arg2[%dma_start3A_38, %dma_start3A_39] : memref<10000x64xf32, #tpu.memory_space<hbm>> -> memref<10000x64xf32, #tpu.memory_space<hbm>>
    tpu.enqueue_indirect_dma source(%dma_start3A_40 : memref<10000x64xf32, #tpu.memory_space<hbm>>) target(%arg7 : memref<128x64xf32, #tpu.memory_space<vmem>>) offsets(%dma_start3A_37 : memref<128xi32, #tpu.memory_space<vmem>>) semaphore(%arg15 : memref<!tpu.dma_semaphore, #tpu.memory_space<semaphore_mem>>)
    %dma_start3A_41 = arith.constant 2 : i32
    %dma_start3A_42 = arith.constant 0 : i32
    %dma_start3A_43 = arith.constant 0 : i32
    %dma_start3A_44 = tpu.memref_slice %arg5[%dma_start3A_41, %dma_start3A_42, %dma_start3A_43] : memref<80x2x128xi32, #tpu.memory_space<vmem>> -> memref<1x1x128xi32, #tpu.memory_space<vmem>>
    %dma_start3A_45 = tpu.memref_squeeze %dma_start3A_44 : memref<1x1x128xi32, #tpu.memory_space<vmem>> -> memref<128xi32, #tpu.memory_space<vmem>>
    %dma_start3A_46 = arith.constant 0 : i32
    %dma_start3A_47 = arith.constant 0 : i32
    %dma_start3A_48 = tpu.memref_slice %arg2[%dma_start3A_46, %dma_start3A_47] : memref<10000x64xf32, #tpu.memory_space<hbm>> -> memref<10000x64xf32, #tpu.memory_space<hbm>>
    tpu.enqueue_indirect_dma source(%dma_start3A_48 : memref<10000x64xf32, #tpu.memory_space<hbm>>) target(%arg8 : memref<128x64xf32, #tpu.memory_space<vmem>>) offsets(%dma_start3A_45 : memref<128xi32, #tpu.memory_space<vmem>>) semaphore(%arg16 : memref<!tpu.dma_semaphore, #tpu.memory_space<semaphore_mem>>)
    %dma_start3A_49 = arith.constant 3 : i32
    %dma_start3A_50 = arith.constant 0 : i32
    %dma_start3A_51 = arith.constant 0 : i32
    %dma_start3A_52 = tpu.memref_slice %arg5[%dma_start3A_49, %dma_start3A_50, %dma_start3A_51] : memref<80x2x128xi32, #tpu.memory_space<vmem>> -> memref<1x1x128xi32, #tpu.memory_space<vmem>>
    %dma_start3A_53 = tpu.memref_squeeze %dma_start3A_52 : memref<1x1x128xi32, #tpu.memory_space<vmem>> -> memref<128xi32, #tpu.memory_space<vmem>>
    %dma_start3A_54 = arith.constant 0 : i32
    %dma_start3A_55 = arith.constant 0 : i32
    %dma_start3A_56 = tpu.memref_slice %arg2[%dma_start3A_54, %dma_start3A_55] : memref<10000x64xf32, #tpu.memory_space<hbm>> -> memref<10000x64xf32, #tpu.memory_space<hbm>>
    tpu.enqueue_indirect_dma source(%dma_start3A_56 : memref<10000x64xf32, #tpu.memory_space<hbm>>) target(%arg9 : memref<128x64xf32, #tpu.memory_space<vmem>>) offsets(%dma_start3A_53 : memref<128xi32, #tpu.memory_space<vmem>>) semaphore(%arg17 : memref<!tpu.dma_semaphore, #tpu.memory_space<semaphore_mem>>)
    %dma_start3A_57 = arith.constant 4 : i32
    %dma_start3A_58 = arith.constant 0 : i32
    %dma_start3A_59 = arith.constant 0 : i32
    %dma_start3A_60 = tpu.memref_slice %arg5[%dma_start3A_57, %dma_start3A_58, %dma_start3A_59] : memref<80x2x128xi32, #tpu.memory_space<vmem>> -> memref<1x1x128xi32, #tpu.memory_space<vmem>>
    %dma_start3A_61 = tpu.memref_squeeze %dma_start3A_60 : memref<1x1x128xi32, #tpu.memory_space<vmem>> -> memref<128xi32, #tpu.memory_space<vmem>>
    %dma_start3A_62 = arith.constant 0 : i32
    %dma_start3A_63 = arith.constant 0 : i32
    %dma_start3A_64 = tpu.memref_slice %arg2[%dma_start3A_62, %dma_start3A_63] : memref<10000x64xf32, #tpu.memory_space<hbm>> -> memref<10000x64xf32, #tpu.memory_space<hbm>>
    tpu.enqueue_indirect_dma source(%dma_start3A_64 : memref<10000x64xf32, #tpu.memory_space<hbm>>) target(%arg10 : memref<128x64xf32, #tpu.memory_space<vmem>>) offsets(%dma_start3A_61 : memref<128xi32, #tpu.memory_space<vmem>>) semaphore(%arg18 : memref<!tpu.dma_semaphore, #tpu.memory_space<semaphore_mem>>)
    %dma_start3A_65 = arith.constant 5 : i32
    %dma_start3A_66 = arith.constant 0 : i32
    %dma_start3A_67 = arith.constant 0 : i32
    %dma_start3A_68 = tpu.memref_slice %arg5[%dma_start3A_65, %dma_start3A_66, %dma_start3A_67] : memref<80x2x128xi32, #tpu.memory_space<vmem>> -> memref<1x1x128xi32, #tpu.memory_space<vmem>>
    %dma_start3A_69 = tpu.memref_squeeze %dma_start3A_68 : memref<1x1x128xi32, #tpu.memory_space<vmem>> -> memref<128xi32, #tpu.memory_space<vmem>>
    %dma_start3A_70 = arith.constant 0 : i32
    %dma_start3A_71 = arith.constant 0 : i32
    %dma_start3A_72 = tpu.memref_slice %arg2[%dma_start3A_70, %dma_start3A_71] : memref<10000x64xf32, #tpu.memory_space<hbm>> -> memref<10000x64xf32, #tpu.memory_space<hbm>>
    tpu.enqueue_indirect_dma source(%dma_start3A_72 : memref<10000x64xf32, #tpu.memory_space<hbm>>) target(%arg11 : memref<128x64xf32, #tpu.memory_space<vmem>>) offsets(%dma_start3A_69 : memref<128xi32, #tpu.memory_space<vmem>>) semaphore(%arg19 : memref<!tpu.dma_semaphore, #tpu.memory_space<semaphore_mem>>)
    %scan3A_73 = arith.constant 0 : i32
    %scan3A_74 = arith.constant 0 : i32
    %scan3A_75 = arith.constant 10 : i32
    %scan3A_76 = arith.addi %scan3A_74, %scan3A_75 : i32
    %scan3A_77 = arith.constant 1 : i32
    scf.for %scan3A_95 = %scan3A_74 to %scan3A_76 step %scan3A_77  : i32 {
      %mul3A_96 = arith.constant 8 : i32
      %mul3A_97 = arith.muli %mul3A_96, %scan3A_95 : i32
      %add3A_98 = arith.constant 0 : i32
      %add3A_99 = arith.addi %mul3A_97, %add3A_98 : i32
      %dma_wait3A_100 = arith.constant 0 : i32
      %dma_wait3A_101 = arith.constant 0 : i32
      %dma_wait3A_102 = tpu.memref_slice %arg5[%add3A_99, %dma_wait3A_100, %dma_wait3A_101] : memref<80x2x128xi32, #tpu.memory_space<vmem>> -> memref<1x1x128xi32, #tpu.memory_space<vmem>>
      %dma_wait3A_103 = tpu.memref_squeeze %dma_wait3A_102 : memref<1x1x128xi32, #tpu.memory_space<vmem>> -> memref<128xi32, #tpu.memory_space<vmem>>
      %dma_wait3A_104 = arith.constant 0 : i32
      %dma_wait3A_105 = arith.constant 0 : i32
      %dma_wait3A_106 = tpu.memref_slice %arg2[%dma_wait3A_104, %dma_wait3A_105] : memref<10000x64xf32, #tpu.memory_space<hbm>> -> memref<10000x64xf32, #tpu.memory_space<hbm>>
      tpu.wait_indirect_dma semaphore(%arg14 : memref<!tpu.dma_semaphore, #tpu.memory_space<semaphore_mem>>) src(%dma_wait3A_106 : memref<10000x64xf32, #tpu.memory_space<hbm>>) dst(%arg6 : memref<128x64xf32, #tpu.memory_space<vmem>>)
      %add3A_107 = arith.constant 1 : i32
      %add3A_108 = arith.addi %add3A_99, %add3A_107 : i32
      %dma_wait3A_109 = arith.constant 0 : i32
      %dma_wait3A_110 = arith.constant 0 : i32
      %dma_wait3A_111 = tpu.memref_slice %arg5[%add3A_108, %dma_wait3A_109, %dma_wait3A_110] : memref<80x2x128xi32, #tpu.memory_space<vmem>> -> memref<1x1x128xi32, #tpu.memory_space<vmem>>
      %dma_wait3A_112 = tpu.memref_squeeze %dma_wait3A_111 : memref<1x1x128xi32, #tpu.memory_space<vmem>> -> memref<128xi32, #tpu.memory_space<vmem>>
      %dma_wait3A_113 = arith.constant 0 : i32
      %dma_wait3A_114 = arith.constant 0 : i32
      %dma_wait3A_115 = tpu.memref_slice %arg2[%dma_wait3A_113, %dma_wait3A_114] : memref<10000x64xf32, #tpu.memory_space<hbm>> -> memref<10000x64xf32, #tpu.memory_space<hbm>>
      tpu.wait_indirect_dma semaphore(%arg15 : memref<!tpu.dma_semaphore, #tpu.memory_space<semaphore_mem>>) src(%dma_wait3A_115 : memref<10000x64xf32, #tpu.memory_space<hbm>>) dst(%arg7 : memref<128x64xf32, #tpu.memory_space<vmem>>)
      %dma_start3A_116 = arith.constant 1 : i32
      %dma_start3A_117 = arith.constant 0 : i32
      %dma_start3A_118 = tpu.memref_slice %arg5[%add3A_99, %dma_start3A_116, %dma_start3A_117] : memref<80x2x128xi32, #tpu.memory_space<vmem>> -> memref<1x1x128xi32, #tpu.memory_space<vmem>>
      %dma_start3A_119 = tpu.memref_squeeze %dma_start3A_118 : memref<1x1x128xi32, #tpu.memory_space<vmem>> -> memref<128xi32, #tpu.memory_space<vmem>>
      %dma_start3A_120 = arith.constant 0 : i32
      %dma_start3A_121 = arith.constant 0 : i32
      %dma_start3A_122 = tpu.memref_slice %arg30[%dma_start3A_120, %dma_start3A_121] : memref<10240x64xf32, #tpu.memory_space<vmem_shared>> -> memref<10240x64xf32, #tpu.memory_space<vmem_shared>>
      tpu.enqueue_indirect_dma source(%arg6 : memref<128x64xf32, #tpu.memory_space<vmem>>) target(%dma_start3A_122 : memref<10240x64xf32, #tpu.memory_space<vmem_shared>>) offsets(%dma_start3A_119 : memref<128xi32, #tpu.memory_space<vmem>>) semaphore(%arg22 : memref<!tpu.dma_semaphore, #tpu.memory_space<semaphore_mem>>) {add = true}
      %add3A_123 = arith.constant 1 : i32
      %add3A_124 = arith.addi %add3A_99, %add3A_123 : i32
      %dma_start3A_125 = arith.constant 1 : i32
      %dma_start3A_126 = arith.constant 0 : i32
      %dma_start3A_127 = tpu.memref_slice %arg5[%add3A_124, %dma_start3A_125, %dma_start3A_126] : memref<80x2x128xi32, #tpu.memory_space<vmem>> -> memref<1x1x128xi32, #tpu.memory_space<vmem>>
      %dma_start3A_128 = tpu.memref_squeeze %dma_start3A_127 : memref<1x1x128xi32, #tpu.memory_space<vmem>> -> memref<128xi32, #tpu.memory_space<vmem>>
      %dma_start3A_129 = arith.constant 0 : i32
      %dma_start3A_130 = arith.constant 0 : i32
      %dma_start3A_131 = tpu.memref_slice %arg30[%dma_start3A_129, %dma_start3A_130] : memref<10240x64xf32, #tpu.memory_space<vmem_shared>> -> memref<10240x64xf32, #tpu.memory_space<vmem_shared>>
      tpu.enqueue_indirect_dma source(%arg7 : memref<128x64xf32, #tpu.memory_space<vmem>>) target(%dma_start3A_131 : memref<10240x64xf32, #tpu.memory_space<vmem_shared>>) offsets(%dma_start3A_128 : memref<128xi32, #tpu.memory_space<vmem>>) semaphore(%arg23 : memref<!tpu.dma_semaphore, #tpu.memory_space<semaphore_mem>>) {add = true}
      %gt3A = arith.constant 0 : i32
      %gt3A_132 = arith.cmpi sgt, %scan3A_95, %gt3A : i32
      %convert_element_type3A_133 = arith.extui %gt3A_132 : i1 to i32
      %cond3A_134 = arith.constant 0 : i32
      %cond3A_135 = arith.cmpi ne, %convert_element_type3A_133, %cond3A_134 : i32
      scf.if %cond3A_135 {
        %sub3A_330 = arith.constant 2 : i32
        %sub3A_331 = arith.subi %add3A_99, %sub3A_330 : i32
        %dma_wait3A_332 = arith.constant 1 : i32
        %dma_wait3A_333 = arith.constant 0 : i32
        %dma_wait3A_334 = tpu.memref_slice %arg5[%sub3A_331, %dma_wait3A_332, %dma_wait3A_333] : memref<80x2x128xi32, #tpu.memory_space<vmem>> -> memref<1x1x128xi32, #tpu.memory_space<vmem>>
        %dma_wait3A_335 = tpu.memref_squeeze %dma_wait3A_334 : memref<1x1x128xi32, #tpu.memory_space<vmem>> -> memref<128xi32, #tpu.memory_space<vmem>>
        %dma_wait3A_336 = arith.constant 0 : i32
        %dma_wait3A_337 = arith.constant 0 : i32
        %dma_wait3A_338 = tpu.memref_slice %arg30[%dma_wait3A_336, %dma_wait3A_337] : memref<10240x64xf32, #tpu.memory_space<vmem_shared>> -> memref<10240x64xf32, #tpu.memory_space<vmem_shared>>
        tpu.wait_indirect_dma semaphore(%arg28 : memref<!tpu.dma_semaphore, #tpu.memory_space<semaphore_mem>>) src(%arg12 : memref<128x64xf32, #tpu.memory_space<vmem>>) dst(%dma_wait3A_338 : memref<10240x64xf32, #tpu.memory_space<vmem_shared>>)
        %sub3A_339 = arith.constant 1 : i32
        %sub3A_340 = arith.subi %add3A_99, %sub3A_339 : i32
        %dma_wait3A_341 = arith.constant 1 : i32
        %dma_wait3A_342 = arith.constant 0 : i32
        %dma_wait3A_343 = tpu.memref_slice %arg5[%sub3A_340, %dma_wait3A_341, %dma_wait3A_342] : memref<80x2x128xi32, #tpu.memory_space<vmem>> -> memref<1x1x128xi32, #tpu.memory_space<vmem>>
        %dma_wait3A_344 = tpu.memref_squeeze %dma_wait3A_343 : memref<1x1x128xi32, #tpu.memory_space<vmem>> -> memref<128xi32, #tpu.memory_space<vmem>>
        %dma_wait3A_345 = arith.constant 0 : i32
        %dma_wait3A_346 = arith.constant 0 : i32
        %dma_wait3A_347 = tpu.memref_slice %arg30[%dma_wait3A_345, %dma_wait3A_346] : memref<10240x64xf32, #tpu.memory_space<vmem_shared>> -> memref<10240x64xf32, #tpu.memory_space<vmem_shared>>
        tpu.wait_indirect_dma semaphore(%arg29 : memref<!tpu.dma_semaphore, #tpu.memory_space<semaphore_mem>>) src(%arg13 : memref<128x64xf32, #tpu.memory_space<vmem>>) dst(%dma_wait3A_347 : memref<10240x64xf32, #tpu.memory_space<vmem_shared>>)
      } else {
      }
      %add3A_136 = arith.constant 6 : i32
      %add3A_137 = arith.addi %add3A_99, %add3A_136 : i32
      %dma_start3A_138 = arith.constant 0 : i32
      %dma_start3A_139 = arith.constant 0 : i32
      %dma_start3A_140 = tpu.memref_slice %arg5[%add3A_137, %dma_start3A_138, %dma_start3A_139] : memref<80x2x128xi32, #tpu.memory_space<vmem>> -> memref<1x1x128xi32, #tpu.memory_space<vmem>>
      %dma_start3A_141 = tpu.memref_squeeze %dma_start3A_140 : memref<1x1x128xi32, #tpu.memory_space<vmem>> -> memref<128xi32, #tpu.memory_space<vmem>>
      %dma_start3A_142 = arith.constant 0 : i32
      %dma_start3A_143 = arith.constant 0 : i32
      %dma_start3A_144 = tpu.memref_slice %arg2[%dma_start3A_142, %dma_start3A_143] : memref<10000x64xf32, #tpu.memory_space<hbm>> -> memref<10000x64xf32, #tpu.memory_space<hbm>>
      tpu.enqueue_indirect_dma source(%dma_start3A_144 : memref<10000x64xf32, #tpu.memory_space<hbm>>) target(%arg12 : memref<128x64xf32, #tpu.memory_space<vmem>>) offsets(%dma_start3A_141 : memref<128xi32, #tpu.memory_space<vmem>>) semaphore(%arg20 : memref<!tpu.dma_semaphore, #tpu.memory_space<semaphore_mem>>)
      %add3A_145 = arith.constant 7 : i32
      %add3A_146 = arith.addi %add3A_99, %add3A_145 : i32
      %dma_start3A_147 = arith.constant 0 : i32
      %dma_start3A_148 = arith.constant 0 : i32
      %dma_start3A_149 = tpu.memref_slice %arg5[%add3A_146, %dma_start3A_147, %dma_start3A_148] : memref<80x2x128xi32, #tpu.memory_space<vmem>> -> memref<1x1x128xi32, #tpu.memory_space<vmem>>
      %dma_start3A_150 = tpu.memref_squeeze %dma_start3A_149 : memref<1x1x128xi32, #tpu.memory_space<vmem>> -> memref<128xi32, #tpu.memory_space<vmem>>
      %dma_start3A_151 = arith.constant 0 : i32
      %dma_start3A_152 = arith.constant 0 : i32
      %dma_start3A_153 = tpu.memref_slice %arg2[%dma_start3A_151, %dma_start3A_152] : memref<10000x64xf32, #tpu.memory_space<hbm>> -> memref<10000x64xf32, #tpu.memory_space<hbm>>
      tpu.enqueue_indirect_dma source(%dma_start3A_153 : memref<10000x64xf32, #tpu.memory_space<hbm>>) target(%arg13 : memref<128x64xf32, #tpu.memory_space<vmem>>) offsets(%dma_start3A_150 : memref<128xi32, #tpu.memory_space<vmem>>) semaphore(%arg21 : memref<!tpu.dma_semaphore, #tpu.memory_space<semaphore_mem>>)
      %mul3A_154 = arith.constant 8 : i32
      %mul3A_155 = arith.muli %mul3A_154, %scan3A_95 : i32
      %add3A_156 = arith.constant 2 : i32
      %add3A_157 = arith.addi %mul3A_155, %add3A_156 : i32
      %dma_wait3A_158 = arith.constant 0 : i32
      %dma_wait3A_159 = arith.constant 0 : i32
      %dma_wait3A_160 = tpu.memref_slice %arg5[%add3A_157, %dma_wait3A_158, %dma_wait3A_159] : memref<80x2x128xi32, #tpu.memory_space<vmem>> -> memref<1x1x128xi32, #tpu.memory_space<vmem>>
      %dma_wait3A_161 = tpu.memref_squeeze %dma_wait3A_160 : memref<1x1x128xi32, #tpu.memory_space<vmem>> -> memref<128xi32, #tpu.memory_space<vmem>>
      %dma_wait3A_162 = arith.constant 0 : i32
      %dma_wait3A_163 = arith.constant 0 : i32
      %dma_wait3A_164 = tpu.memref_slice %arg2[%dma_wait3A_162, %dma_wait3A_163] : memref<10000x64xf32, #tpu.memory_space<hbm>> -> memref<10000x64xf32, #tpu.memory_space<hbm>>
      tpu.wait_indirect_dma semaphore(%arg16 : memref<!tpu.dma_semaphore, #tpu.memory_space<semaphore_mem>>) src(%dma_wait3A_164 : memref<10000x64xf32, #tpu.memory_space<hbm>>) dst(%arg8 : memref<128x64xf32, #tpu.memory_space<vmem>>)
      %add3A_165 = arith.constant 1 : i32
      %add3A_166 = arith.addi %add3A_157, %add3A_165 : i32
      %dma_wait3A_167 = arith.constant 0 : i32
      %dma_wait3A_168 = arith.constant 0 : i32
      %dma_wait3A_169 = tpu.memref_slice %arg5[%add3A_166, %dma_wait3A_167, %dma_wait3A_168] : memref<80x2x128xi32, #tpu.memory_space<vmem>> -> memref<1x1x128xi32, #tpu.memory_space<vmem>>
      %dma_wait3A_170 = tpu.memref_squeeze %dma_wait3A_169 : memref<1x1x128xi32, #tpu.memory_space<vmem>> -> memref<128xi32, #tpu.memory_space<vmem>>
      %dma_wait3A_171 = arith.constant 0 : i32
      %dma_wait3A_172 = arith.constant 0 : i32
      %dma_wait3A_173 = tpu.memref_slice %arg2[%dma_wait3A_171, %dma_wait3A_172] : memref<10000x64xf32, #tpu.memory_space<hbm>> -> memref<10000x64xf32, #tpu.memory_space<hbm>>
      tpu.wait_indirect_dma semaphore(%arg17 : memref<!tpu.dma_semaphore, #tpu.memory_space<semaphore_mem>>) src(%dma_wait3A_173 : memref<10000x64xf32, #tpu.memory_space<hbm>>) dst(%arg9 : memref<128x64xf32, #tpu.memory_space<vmem>>)
      %dma_start3A_174 = arith.constant 1 : i32
      %dma_start3A_175 = arith.constant 0 : i32
      %dma_start3A_176 = tpu.memref_slice %arg5[%add3A_157, %dma_start3A_174, %dma_start3A_175] : memref<80x2x128xi32, #tpu.memory_space<vmem>> -> memref<1x1x128xi32, #tpu.memory_space<vmem>>
      %dma_start3A_177 = tpu.memref_squeeze %dma_start3A_176 : memref<1x1x128xi32, #tpu.memory_space<vmem>> -> memref<128xi32, #tpu.memory_space<vmem>>
      %dma_start3A_178 = arith.constant 0 : i32
      %dma_start3A_179 = arith.constant 0 : i32
      %dma_start3A_180 = tpu.memref_slice %arg30[%dma_start3A_178, %dma_start3A_179] : memref<10240x64xf32, #tpu.memory_space<vmem_shared>> -> memref<10240x64xf32, #tpu.memory_space<vmem_shared>>
      tpu.enqueue_indirect_dma source(%arg8 : memref<128x64xf32, #tpu.memory_space<vmem>>) target(%dma_start3A_180 : memref<10240x64xf32, #tpu.memory_space<vmem_shared>>) offsets(%dma_start3A_177 : memref<128xi32, #tpu.memory_space<vmem>>) semaphore(%arg24 : memref<!tpu.dma_semaphore, #tpu.memory_space<semaphore_mem>>) {add = true}
      %add3A_181 = arith.constant 1 : i32
      %add3A_182 = arith.addi %add3A_157, %add3A_181 : i32
      %dma_start3A_183 = arith.constant 1 : i32
      %dma_start3A_184 = arith.constant 0 : i32
      %dma_start3A_185 = tpu.memref_slice %arg5[%add3A_182, %dma_start3A_183, %dma_start3A_184] : memref<80x2x128xi32, #tpu.memory_space<vmem>> -> memref<1x1x128xi32, #tpu.memory_space<vmem>>
      %dma_start3A_186 = tpu.memref_squeeze %dma_start3A_185 : memref<1x1x128xi32, #tpu.memory_space<vmem>> -> memref<128xi32, #tpu.memory_space<vmem>>
      %dma_start3A_187 = arith.constant 0 : i32
      %dma_start3A_188 = arith.constant 0 : i32
      %dma_start3A_189 = tpu.memref_slice %arg30[%dma_start3A_187, %dma_start3A_188] : memref<10240x64xf32, #tpu.memory_space<vmem_shared>> -> memref<10240x64xf32, #tpu.memory_space<vmem_shared>>
      tpu.enqueue_indirect_dma source(%arg9 : memref<128x64xf32, #tpu.memory_space<vmem>>) target(%dma_start3A_189 : memref<10240x64xf32, #tpu.memory_space<vmem_shared>>) offsets(%dma_start3A_186 : memref<128xi32, #tpu.memory_space<vmem>>) semaphore(%arg25 : memref<!tpu.dma_semaphore, #tpu.memory_space<semaphore_mem>>) {add = true}
      %sub3A = arith.constant 2 : i32
      %sub3A_190 = arith.subi %add3A_157, %sub3A : i32
      %dma_wait3A_191 = arith.constant 1 : i32
      %dma_wait3A_192 = arith.constant 0 : i32
      %dma_wait3A_193 = tpu.memref_slice %arg5[%sub3A_190, %dma_wait3A_191, %dma_wait3A_192] : memref<80x2x128xi32, #tpu.memory_space<vmem>> -> memref<1x1x128xi32, #tpu.memory_space<vmem>>
      %dma_wait3A_194 = tpu.memref_squeeze %dma_wait3A_193 : memref<1x1x128xi32, #tpu.memory_space<vmem>> -> memref<128xi32, #tpu.memory_space<vmem>>
      %dma_wait3A_195 = arith.constant 0 : i32
      %dma_wait3A_196 = arith.constant 0 : i32
      %dma_wait3A_197 = tpu.memref_slice %arg30[%dma_wait3A_195, %dma_wait3A_196] : memref<10240x64xf32, #tpu.memory_space<vmem_shared>> -> memref<10240x64xf32, #tpu.memory_space<vmem_shared>>
      tpu.wait_indirect_dma semaphore(%arg22 : memref<!tpu.dma_semaphore, #tpu.memory_space<semaphore_mem>>) src(%arg6 : memref<128x64xf32, #tpu.memory_space<vmem>>) dst(%dma_wait3A_197 : memref<10240x64xf32, #tpu.memory_space<vmem_shared>>)
      %sub3A_198 = arith.constant 1 : i32
      %sub3A_199 = arith.subi %add3A_157, %sub3A_198 : i32
      %dma_wait3A_200 = arith.constant 1 : i32
      %dma_wait3A_201 = arith.constant 0 : i32
      %dma_wait3A_202 = tpu.memref_slice %arg5[%sub3A_199, %dma_wait3A_200, %dma_wait3A_201] : memref<80x2x128xi32, #tpu.memory_space<vmem>> -> memref<1x1x128xi32, #tpu.memory_space<vmem>>
      %dma_wait3A_203 = tpu.memref_squeeze %dma_wait3A_202 : memref<1x1x128xi32, #tpu.memory_space<vmem>> -> memref<128xi32, #tpu.memory_space<vmem>>
      %dma_wait3A_204 = arith.constant 0 : i32
      %dma_wait3A_205 = arith.constant 0 : i32
      %dma_wait3A_206 = tpu.memref_slice %arg30[%dma_wait3A_204, %dma_wait3A_205] : memref<10240x64xf32, #tpu.memory_space<vmem_shared>> -> memref<10240x64xf32, #tpu.memory_space<vmem_shared>>
      tpu.wait_indirect_dma semaphore(%arg23 : memref<!tpu.dma_semaphore, #tpu.memory_space<semaphore_mem>>) src(%arg7 : memref<128x64xf32, #tpu.memory_space<vmem>>) dst(%dma_wait3A_206 : memref<10240x64xf32, #tpu.memory_space<vmem_shared>>)
      %lt3A_207 = arith.constant 9 : i32
      %lt3A_208 = arith.cmpi slt, %scan3A_95, %lt3A_207 : i32
      %convert_element_type3A_209 = arith.extui %lt3A_208 : i1 to i32
      %cond3A_210 = arith.constant 0 : i32
      %cond3A_211 = arith.cmpi ne, %convert_element_type3A_209, %cond3A_210 : i32
      scf.if %cond3A_211 {
        %add3A_330 = arith.constant 6 : i32
        %add3A_331 = arith.addi %add3A_157, %add3A_330 : i32
        %dma_start3A_332 = arith.constant 0 : i32
        %dma_start3A_333 = arith.constant 0 : i32
        %dma_start3A_334 = tpu.memref_slice %arg5[%add3A_331, %dma_start3A_332, %dma_start3A_333] : memref<80x2x128xi32, #tpu.memory_space<vmem>> -> memref<1x1x128xi32, #tpu.memory_space<vmem>>
        %dma_start3A_335 = tpu.memref_squeeze %dma_start3A_334 : memref<1x1x128xi32, #tpu.memory_space<vmem>> -> memref<128xi32, #tpu.memory_space<vmem>>
        %dma_start3A_336 = arith.constant 0 : i32
        %dma_start3A_337 = arith.constant 0 : i32
        %dma_start3A_338 = tpu.memref_slice %arg2[%dma_start3A_336, %dma_start3A_337] : memref<10000x64xf32, #tpu.memory_space<hbm>> -> memref<10000x64xf32, #tpu.memory_space<hbm>>
        tpu.enqueue_indirect_dma source(%dma_start3A_338 : memref<10000x64xf32, #tpu.memory_space<hbm>>) target(%arg6 : memref<128x64xf32, #tpu.memory_space<vmem>>) offsets(%dma_start3A_335 : memref<128xi32, #tpu.memory_space<vmem>>) semaphore(%arg14 : memref<!tpu.dma_semaphore, #tpu.memory_space<semaphore_mem>>)
        %add3A_339 = arith.constant 7 : i32
        %add3A_340 = arith.addi %add3A_157, %add3A_339 : i32
        %dma_start3A_341 = arith.constant 0 : i32
        %dma_start3A_342 = arith.constant 0 : i32
        %dma_start3A_343 = tpu.memref_slice %arg5[%add3A_340, %dma_start3A_341, %dma_start3A_342] : memref<80x2x128xi32, #tpu.memory_space<vmem>> -> memref<1x1x128xi32, #tpu.memory_space<vmem>>
        %dma_start3A_344 = tpu.memref_squeeze %dma_start3A_343 : memref<1x1x128xi32, #tpu.memory_space<vmem>> -> memref<128xi32, #tpu.memory_space<vmem>>
        %dma_start3A_345 = arith.constant 0 : i32
        %dma_start3A_346 = arith.constant 0 : i32
        %dma_start3A_347 = tpu.memref_slice %arg2[%dma_start3A_345, %dma_start3A_346] : memref<10000x64xf32, #tpu.memory_space<hbm>> -> memref<10000x64xf32, #tpu.memory_space<hbm>>
        tpu.enqueue_indirect_dma source(%dma_start3A_347 : memref<10000x64xf32, #tpu.memory_space<hbm>>) target(%arg7 : memref<128x64xf32, #tpu.memory_space<vmem>>) offsets(%dma_start3A_344 : memref<128xi32, #tpu.memory_space<vmem>>) semaphore(%arg15 : memref<!tpu.dma_semaphore, #tpu.memory_space<semaphore_mem>>)
      } else {
      }
      %mul3A_212 = arith.constant 8 : i32
      %mul3A_213 = arith.muli %mul3A_212, %scan3A_95 : i32
      %add3A_214 = arith.constant 4 : i32
      %add3A_215 = arith.addi %mul3A_213, %add3A_214 : i32
      %dma_wait3A_216 = arith.constant 0 : i32
      %dma_wait3A_217 = arith.constant 0 : i32
      %dma_wait3A_218 = tpu.memref_slice %arg5[%add3A_215, %dma_wait3A_216, %dma_wait3A_217] : memref<80x2x128xi32, #tpu.memory_space<vmem>> -> memref<1x1x128xi32, #tpu.memory_space<vmem>>
      %dma_wait3A_219 = tpu.memref_squeeze %dma_wait3A_218 : memref<1x1x128xi32, #tpu.memory_space<vmem>> -> memref<128xi32, #tpu.memory_space<vmem>>
      %dma_wait3A_220 = arith.constant 0 : i32
      %dma_wait3A_221 = arith.constant 0 : i32
      %dma_wait3A_222 = tpu.memref_slice %arg2[%dma_wait3A_220, %dma_wait3A_221] : memref<10000x64xf32, #tpu.memory_space<hbm>> -> memref<10000x64xf32, #tpu.memory_space<hbm>>
      tpu.wait_indirect_dma semaphore(%arg18 : memref<!tpu.dma_semaphore, #tpu.memory_space<semaphore_mem>>) src(%dma_wait3A_222 : memref<10000x64xf32, #tpu.memory_space<hbm>>) dst(%arg10 : memref<128x64xf32, #tpu.memory_space<vmem>>)
      %add3A_223 = arith.constant 1 : i32
      %add3A_224 = arith.addi %add3A_215, %add3A_223 : i32
      %dma_wait3A_225 = arith.constant 0 : i32
      %dma_wait3A_226 = arith.constant 0 : i32
      %dma_wait3A_227 = tpu.memref_slice %arg5[%add3A_224, %dma_wait3A_225, %dma_wait3A_226] : memref<80x2x128xi32, #tpu.memory_space<vmem>> -> memref<1x1x128xi32, #tpu.memory_space<vmem>>
      %dma_wait3A_228 = tpu.memref_squeeze %dma_wait3A_227 : memref<1x1x128xi32, #tpu.memory_space<vmem>> -> memref<128xi32, #tpu.memory_space<vmem>>
      %dma_wait3A_229 = arith.constant 0 : i32
      %dma_wait3A_230 = arith.constant 0 : i32
      %dma_wait3A_231 = tpu.memref_slice %arg2[%dma_wait3A_229, %dma_wait3A_230] : memref<10000x64xf32, #tpu.memory_space<hbm>> -> memref<10000x64xf32, #tpu.memory_space<hbm>>
      tpu.wait_indirect_dma semaphore(%arg19 : memref<!tpu.dma_semaphore, #tpu.memory_space<semaphore_mem>>) src(%dma_wait3A_231 : memref<10000x64xf32, #tpu.memory_space<hbm>>) dst(%arg11 : memref<128x64xf32, #tpu.memory_space<vmem>>)
      %dma_start3A_232 = arith.constant 1 : i32
      %dma_start3A_233 = arith.constant 0 : i32
      %dma_start3A_234 = tpu.memref_slice %arg5[%add3A_215, %dma_start3A_232, %dma_start3A_233] : memref<80x2x128xi32, #tpu.memory_space<vmem>> -> memref<1x1x128xi32, #tpu.memory_space<vmem>>
      %dma_start3A_235 = tpu.memref_squeeze %dma_start3A_234 : memref<1x1x128xi32, #tpu.memory_space<vmem>> -> memref<128xi32, #tpu.memory_space<vmem>>
      %dma_start3A_236 = arith.constant 0 : i32
      %dma_start3A_237 = arith.constant 0 : i32
      %dma_start3A_238 = tpu.memref_slice %arg30[%dma_start3A_236, %dma_start3A_237] : memref<10240x64xf32, #tpu.memory_space<vmem_shared>> -> memref<10240x64xf32, #tpu.memory_space<vmem_shared>>
      tpu.enqueue_indirect_dma source(%arg10 : memref<128x64xf32, #tpu.memory_space<vmem>>) target(%dma_start3A_238 : memref<10240x64xf32, #tpu.memory_space<vmem_shared>>) offsets(%dma_start3A_235 : memref<128xi32, #tpu.memory_space<vmem>>) semaphore(%arg26 : memref<!tpu.dma_semaphore, #tpu.memory_space<semaphore_mem>>) {add = true}
      %add3A_239 = arith.constant 1 : i32
      %add3A_240 = arith.addi %add3A_215, %add3A_239 : i32
      %dma_start3A_241 = arith.constant 1 : i32
      %dma_start3A_242 = arith.constant 0 : i32
      %dma_start3A_243 = tpu.memref_slice %arg5[%add3A_240, %dma_start3A_241, %dma_start3A_242] : memref<80x2x128xi32, #tpu.memory_space<vmem>> -> memref<1x1x128xi32, #tpu.memory_space<vmem>>
      %dma_start3A_244 = tpu.memref_squeeze %dma_start3A_243 : memref<1x1x128xi32, #tpu.memory_space<vmem>> -> memref<128xi32, #tpu.memory_space<vmem>>
      %dma_start3A_245 = arith.constant 0 : i32
      %dma_start3A_246 = arith.constant 0 : i32
      %dma_start3A_247 = tpu.memref_slice %arg30[%dma_start3A_245, %dma_start3A_246] : memref<10240x64xf32, #tpu.memory_space<vmem_shared>> -> memref<10240x64xf32, #tpu.memory_space<vmem_shared>>
      tpu.enqueue_indirect_dma source(%arg11 : memref<128x64xf32, #tpu.memory_space<vmem>>) target(%dma_start3A_247 : memref<10240x64xf32, #tpu.memory_space<vmem_shared>>) offsets(%dma_start3A_244 : memref<128xi32, #tpu.memory_space<vmem>>) semaphore(%arg27 : memref<!tpu.dma_semaphore, #tpu.memory_space<semaphore_mem>>) {add = true}
      %sub3A_248 = arith.constant 2 : i32
      %sub3A_249 = arith.subi %add3A_215, %sub3A_248 : i32
      %dma_wait3A_250 = arith.constant 1 : i32
      %dma_wait3A_251 = arith.constant 0 : i32
      %dma_wait3A_252 = tpu.memref_slice %arg5[%sub3A_249, %dma_wait3A_250, %dma_wait3A_251] : memref<80x2x128xi32, #tpu.memory_space<vmem>> -> memref<1x1x128xi32, #tpu.memory_space<vmem>>
      %dma_wait3A_253 = tpu.memref_squeeze %dma_wait3A_252 : memref<1x1x128xi32, #tpu.memory_space<vmem>> -> memref<128xi32, #tpu.memory_space<vmem>>
      %dma_wait3A_254 = arith.constant 0 : i32
      %dma_wait3A_255 = arith.constant 0 : i32
      %dma_wait3A_256 = tpu.memref_slice %arg30[%dma_wait3A_254, %dma_wait3A_255] : memref<10240x64xf32, #tpu.memory_space<vmem_shared>> -> memref<10240x64xf32, #tpu.memory_space<vmem_shared>>
      tpu.wait_indirect_dma semaphore(%arg24 : memref<!tpu.dma_semaphore, #tpu.memory_space<semaphore_mem>>) src(%arg8 : memref<128x64xf32, #tpu.memory_space<vmem>>) dst(%dma_wait3A_256 : memref<10240x64xf32, #tpu.memory_space<vmem_shared>>)
      %sub3A_257 = arith.constant 1 : i32
      %sub3A_258 = arith.subi %add3A_215, %sub3A_257 : i32
      %dma_wait3A_259 = arith.constant 1 : i32
      %dma_wait3A_260 = arith.constant 0 : i32
      %dma_wait3A_261 = tpu.memref_slice %arg5[%sub3A_258, %dma_wait3A_259, %dma_wait3A_260] : memref<80x2x128xi32, #tpu.memory_space<vmem>> -> memref<1x1x128xi32, #tpu.memory_space<vmem>>
      %dma_wait3A_262 = tpu.memref_squeeze %dma_wait3A_261 : memref<1x1x128xi32, #tpu.memory_space<vmem>> -> memref<128xi32, #tpu.memory_space<vmem>>
      %dma_wait3A_263 = arith.constant 0 : i32
      %dma_wait3A_264 = arith.constant 0 : i32
      %dma_wait3A_265 = tpu.memref_slice %arg30[%dma_wait3A_263, %dma_wait3A_264] : memref<10240x64xf32, #tpu.memory_space<vmem_shared>> -> memref<10240x64xf32, #tpu.memory_space<vmem_shared>>
      tpu.wait_indirect_dma semaphore(%arg25 : memref<!tpu.dma_semaphore, #tpu.memory_space<semaphore_mem>>) src(%arg9 : memref<128x64xf32, #tpu.memory_space<vmem>>) dst(%dma_wait3A_265 : memref<10240x64xf32, #tpu.memory_space<vmem_shared>>)
      %lt3A_266 = arith.constant 9 : i32
      %lt3A_267 = arith.cmpi slt, %scan3A_95, %lt3A_266 : i32
      %convert_element_type3A_268 = arith.extui %lt3A_267 : i1 to i32
      %cond3A_269 = arith.constant 0 : i32
      %cond3A_270 = arith.cmpi ne, %convert_element_type3A_268, %cond3A_269 : i32
      scf.if %cond3A_270 {
        %add3A_330 = arith.constant 6 : i32
        %add3A_331 = arith.addi %add3A_215, %add3A_330 : i32
        %dma_start3A_332 = arith.constant 0 : i32
        %dma_start3A_333 = arith.constant 0 : i32
        %dma_start3A_334 = tpu.memref_slice %arg5[%add3A_331, %dma_start3A_332, %dma_start3A_333] : memref<80x2x128xi32, #tpu.memory_space<vmem>> -> memref<1x1x128xi32, #tpu.memory_space<vmem>>
        %dma_start3A_335 = tpu.memref_squeeze %dma_start3A_334 : memref<1x1x128xi32, #tpu.memory_space<vmem>> -> memref<128xi32, #tpu.memory_space<vmem>>
        %dma_start3A_336 = arith.constant 0 : i32
        %dma_start3A_337 = arith.constant 0 : i32
        %dma_start3A_338 = tpu.memref_slice %arg2[%dma_start3A_336, %dma_start3A_337] : memref<10000x64xf32, #tpu.memory_space<hbm>> -> memref<10000x64xf32, #tpu.memory_space<hbm>>
        tpu.enqueue_indirect_dma source(%dma_start3A_338 : memref<10000x64xf32, #tpu.memory_space<hbm>>) target(%arg8 : memref<128x64xf32, #tpu.memory_space<vmem>>) offsets(%dma_start3A_335 : memref<128xi32, #tpu.memory_space<vmem>>) semaphore(%arg16 : memref<!tpu.dma_semaphore, #tpu.memory_space<semaphore_mem>>)
        %add3A_339 = arith.constant 7 : i32
        %add3A_340 = arith.addi %add3A_215, %add3A_339 : i32
        %dma_start3A_341 = arith.constant 0 : i32
        %dma_start3A_342 = arith.constant 0 : i32
        %dma_start3A_343 = tpu.memref_slice %arg5[%add3A_340, %dma_start3A_341, %dma_start3A_342] : memref<80x2x128xi32, #tpu.memory_space<vmem>> -> memref<1x1x128xi32, #tpu.memory_space<vmem>>
        %dma_start3A_344 = tpu.memref_squeeze %dma_start3A_343 : memref<1x1x128xi32, #tpu.memory_space<vmem>> -> memref<128xi32, #tpu.memory_space<vmem>>
        %dma_start3A_345 = arith.constant 0 : i32
        %dma_start3A_346 = arith.constant 0 : i32
        %dma_start3A_347 = tpu.memref_slice %arg2[%dma_start3A_345, %dma_start3A_346] : memref<10000x64xf32, #tpu.memory_space<hbm>> -> memref<10000x64xf32, #tpu.memory_space<hbm>>
        tpu.enqueue_indirect_dma source(%dma_start3A_347 : memref<10000x64xf32, #tpu.memory_space<hbm>>) target(%arg9 : memref<128x64xf32, #tpu.memory_space<vmem>>) offsets(%dma_start3A_344 : memref<128xi32, #tpu.memory_space<vmem>>) semaphore(%arg17 : memref<!tpu.dma_semaphore, #tpu.memory_space<semaphore_mem>>)
      } else {
      }
      %mul3A_271 = arith.constant 8 : i32
      %mul3A_272 = arith.muli %mul3A_271, %scan3A_95 : i32
      %add3A_273 = arith.constant 6 : i32
      %add3A_274 = arith.addi %mul3A_272, %add3A_273 : i32
      %dma_wait3A_275 = arith.constant 0 : i32
      %dma_wait3A_276 = arith.constant 0 : i32
      %dma_wait3A_277 = tpu.memref_slice %arg5[%add3A_274, %dma_wait3A_275, %dma_wait3A_276] : memref<80x2x128xi32, #tpu.memory_space<vmem>> -> memref<1x1x128xi32, #tpu.memory_space<vmem>>
      %dma_wait3A_278 = tpu.memref_squeeze %dma_wait3A_277 : memref<1x1x128xi32, #tpu.memory_space<vmem>> -> memref<128xi32, #tpu.memory_space<vmem>>
      %dma_wait3A_279 = arith.constant 0 : i32
      %dma_wait3A_280 = arith.constant 0 : i32
      %dma_wait3A_281 = tpu.memref_slice %arg2[%dma_wait3A_279, %dma_wait3A_280] : memref<10000x64xf32, #tpu.memory_space<hbm>> -> memref<10000x64xf32, #tpu.memory_space<hbm>>
      tpu.wait_indirect_dma semaphore(%arg20 : memref<!tpu.dma_semaphore, #tpu.memory_space<semaphore_mem>>) src(%dma_wait3A_281 : memref<10000x64xf32, #tpu.memory_space<hbm>>) dst(%arg12 : memref<128x64xf32, #tpu.memory_space<vmem>>)
      %add3A_282 = arith.constant 1 : i32
      %add3A_283 = arith.addi %add3A_274, %add3A_282 : i32
      %dma_wait3A_284 = arith.constant 0 : i32
      %dma_wait3A_285 = arith.constant 0 : i32
      %dma_wait3A_286 = tpu.memref_slice %arg5[%add3A_283, %dma_wait3A_284, %dma_wait3A_285] : memref<80x2x128xi32, #tpu.memory_space<vmem>> -> memref<1x1x128xi32, #tpu.memory_space<vmem>>
      %dma_wait3A_287 = tpu.memref_squeeze %dma_wait3A_286 : memref<1x1x128xi32, #tpu.memory_space<vmem>> -> memref<128xi32, #tpu.memory_space<vmem>>
      %dma_wait3A_288 = arith.constant 0 : i32
      %dma_wait3A_289 = arith.constant 0 : i32
      %dma_wait3A_290 = tpu.memref_slice %arg2[%dma_wait3A_288, %dma_wait3A_289] : memref<10000x64xf32, #tpu.memory_space<hbm>> -> memref<10000x64xf32, #tpu.memory_space<hbm>>
      tpu.wait_indirect_dma semaphore(%arg21 : memref<!tpu.dma_semaphore, #tpu.memory_space<semaphore_mem>>) src(%dma_wait3A_290 : memref<10000x64xf32, #tpu.memory_space<hbm>>) dst(%arg13 : memref<128x64xf32, #tpu.memory_space<vmem>>)
      %dma_start3A_291 = arith.constant 1 : i32
      %dma_start3A_292 = arith.constant 0 : i32
      %dma_start3A_293 = tpu.memref_slice %arg5[%add3A_274, %dma_start3A_291, %dma_start3A_292] : memref<80x2x128xi32, #tpu.memory_space<vmem>> -> memref<1x1x128xi32, #tpu.memory_space<vmem>>
      %dma_start3A_294 = tpu.memref_squeeze %dma_start3A_293 : memref<1x1x128xi32, #tpu.memory_space<vmem>> -> memref<128xi32, #tpu.memory_space<vmem>>
      %dma_start3A_295 = arith.constant 0 : i32
      %dma_start3A_296 = arith.constant 0 : i32
      %dma_start3A_297 = tpu.memref_slice %arg30[%dma_start3A_295, %dma_start3A_296] : memref<10240x64xf32, #tpu.memory_space<vmem_shared>> -> memref<10240x64xf32, #tpu.memory_space<vmem_shared>>
      tpu.enqueue_indirect_dma source(%arg12 : memref<128x64xf32, #tpu.memory_space<vmem>>) target(%dma_start3A_297 : memref<10240x64xf32, #tpu.memory_space<vmem_shared>>) offsets(%dma_start3A_294 : memref<128xi32, #tpu.memory_space<vmem>>) semaphore(%arg28 : memref<!tpu.dma_semaphore, #tpu.memory_space<semaphore_mem>>) {add = true}
      %add3A_298 = arith.constant 1 : i32
      %add3A_299 = arith.addi %add3A_274, %add3A_298 : i32
      %dma_start3A_300 = arith.constant 1 : i32
      %dma_start3A_301 = arith.constant 0 : i32
      %dma_start3A_302 = tpu.memref_slice %arg5[%add3A_299, %dma_start3A_300, %dma_start3A_301] : memref<80x2x128xi32, #tpu.memory_space<vmem>> -> memref<1x1x128xi32, #tpu.memory_space<vmem>>
      %dma_start3A_303 = tpu.memref_squeeze %dma_start3A_302 : memref<1x1x128xi32, #tpu.memory_space<vmem>> -> memref<128xi32, #tpu.memory_space<vmem>>
      %dma_start3A_304 = arith.constant 0 : i32
      %dma_start3A_305 = arith.constant 0 : i32
      %dma_start3A_306 = tpu.memref_slice %arg30[%dma_start3A_304, %dma_start3A_305] : memref<10240x64xf32, #tpu.memory_space<vmem_shared>> -> memref<10240x64xf32, #tpu.memory_space<vmem_shared>>
      tpu.enqueue_indirect_dma source(%arg13 : memref<128x64xf32, #tpu.memory_space<vmem>>) target(%dma_start3A_306 : memref<10240x64xf32, #tpu.memory_space<vmem_shared>>) offsets(%dma_start3A_303 : memref<128xi32, #tpu.memory_space<vmem>>) semaphore(%arg29 : memref<!tpu.dma_semaphore, #tpu.memory_space<semaphore_mem>>) {add = true}
      %sub3A_307 = arith.constant 2 : i32
      %sub3A_308 = arith.subi %add3A_274, %sub3A_307 : i32
      %dma_wait3A_309 = arith.constant 1 : i32
      %dma_wait3A_310 = arith.constant 0 : i32
      %dma_wait3A_311 = tpu.memref_slice %arg5[%sub3A_308, %dma_wait3A_309, %dma_wait3A_310] : memref<80x2x128xi32, #tpu.memory_space<vmem>> -> memref<1x1x128xi32, #tpu.memory_space<vmem>>
      %dma_wait3A_312 = tpu.memref_squeeze %dma_wait3A_311 : memref<1x1x128xi32, #tpu.memory_space<vmem>> -> memref<128xi32, #tpu.memory_space<vmem>>
      %dma_wait3A_313 = arith.constant 0 : i32
      %dma_wait3A_314 = arith.constant 0 : i32
      %dma_wait3A_315 = tpu.memref_slice %arg30[%dma_wait3A_313, %dma_wait3A_314] : memref<10240x64xf32, #tpu.memory_space<vmem_shared>> -> memref<10240x64xf32, #tpu.memory_space<vmem_shared>>
      tpu.wait_indirect_dma semaphore(%arg26 : memref<!tpu.dma_semaphore, #tpu.memory_space<semaphore_mem>>) src(%arg10 : memref<128x64xf32, #tpu.memory_space<vmem>>) dst(%dma_wait3A_315 : memref<10240x64xf32, #tpu.memory_space<vmem_shared>>)
      %sub3A_316 = arith.constant 1 : i32
      %sub3A_317 = arith.subi %add3A_274, %sub3A_316 : i32
      %dma_wait3A_318 = arith.constant 1 : i32
      %dma_wait3A_319 = arith.constant 0 : i32
      %dma_wait3A_320 = tpu.memref_slice %arg5[%sub3A_317, %dma_wait3A_318, %dma_wait3A_319] : memref<80x2x128xi32, #tpu.memory_space<vmem>> -> memref<1x1x128xi32, #tpu.memory_space<vmem>>
      %dma_wait3A_321 = tpu.memref_squeeze %dma_wait3A_320 : memref<1x1x128xi32, #tpu.memory_space<vmem>> -> memref<128xi32, #tpu.memory_space<vmem>>
      %dma_wait3A_322 = arith.constant 0 : i32
      %dma_wait3A_323 = arith.constant 0 : i32
      %dma_wait3A_324 = tpu.memref_slice %arg30[%dma_wait3A_322, %dma_wait3A_323] : memref<10240x64xf32, #tpu.memory_space<vmem_shared>> -> memref<10240x64xf32, #tpu.memory_space<vmem_shared>>
      tpu.wait_indirect_dma semaphore(%arg27 : memref<!tpu.dma_semaphore, #tpu.memory_space<semaphore_mem>>) src(%arg11 : memref<128x64xf32, #tpu.memory_space<vmem>>) dst(%dma_wait3A_324 : memref<10240x64xf32, #tpu.memory_space<vmem_shared>>)
      %lt3A_325 = arith.constant 9 : i32
      %lt3A_326 = arith.cmpi slt, %scan3A_95, %lt3A_325 : i32
      %convert_element_type3A_327 = arith.extui %lt3A_326 : i1 to i32
      %cond3A_328 = arith.constant 0 : i32
      %cond3A_329 = arith.cmpi ne, %convert_element_type3A_327, %cond3A_328 : i32
      scf.if %cond3A_329 {
        %add3A_330 = arith.constant 6 : i32
        %add3A_331 = arith.addi %add3A_274, %add3A_330 : i32
        %dma_start3A_332 = arith.constant 0 : i32
        %dma_start3A_333 = arith.constant 0 : i32
        %dma_start3A_334 = tpu.memref_slice %arg5[%add3A_331, %dma_start3A_332, %dma_start3A_333] : memref<80x2x128xi32, #tpu.memory_space<vmem>> -> memref<1x1x128xi32, #tpu.memory_space<vmem>>
        %dma_start3A_335 = tpu.memref_squeeze %dma_start3A_334 : memref<1x1x128xi32, #tpu.memory_space<vmem>> -> memref<128xi32, #tpu.memory_space<vmem>>
        %dma_start3A_336 = arith.constant 0 : i32
        %dma_start3A_337 = arith.constant 0 : i32
        %dma_start3A_338 = tpu.memref_slice %arg2[%dma_start3A_336, %dma_start3A_337] : memref<10000x64xf32, #tpu.memory_space<hbm>> -> memref<10000x64xf32, #tpu.memory_space<hbm>>
        tpu.enqueue_indirect_dma source(%dma_start3A_338 : memref<10000x64xf32, #tpu.memory_space<hbm>>) target(%arg10 : memref<128x64xf32, #tpu.memory_space<vmem>>) offsets(%dma_start3A_335 : memref<128xi32, #tpu.memory_space<vmem>>) semaphore(%arg18 : memref<!tpu.dma_semaphore, #tpu.memory_space<semaphore_mem>>)
        %add3A_339 = arith.constant 7 : i32
        %add3A_340 = arith.addi %add3A_274, %add3A_339 : i32
        %dma_start3A_341 = arith.constant 0 : i32
        %dma_start3A_342 = arith.constant 0 : i32
        %dma_start3A_343 = tpu.memref_slice %arg5[%add3A_340, %dma_start3A_341, %dma_start3A_342] : memref<80x2x128xi32, #tpu.memory_space<vmem>> -> memref<1x1x128xi32, #tpu.memory_space<vmem>>
        %dma_start3A_344 = tpu.memref_squeeze %dma_start3A_343 : memref<1x1x128xi32, #tpu.memory_space<vmem>> -> memref<128xi32, #tpu.memory_space<vmem>>
        %dma_start3A_345 = arith.constant 0 : i32
        %dma_start3A_346 = arith.constant 0 : i32
        %dma_start3A_347 = tpu.memref_slice %arg2[%dma_start3A_345, %dma_start3A_346] : memref<10000x64xf32, #tpu.memory_space<hbm>> -> memref<10000x64xf32, #tpu.memory_space<hbm>>
        tpu.enqueue_indirect_dma source(%dma_start3A_347 : memref<10000x64xf32, #tpu.memory_space<hbm>>) target(%arg11 : memref<128x64xf32, #tpu.memory_space<vmem>>) offsets(%dma_start3A_344 : memref<128xi32, #tpu.memory_space<vmem>>) semaphore(%arg19 : memref<!tpu.dma_semaphore, #tpu.memory_space<semaphore_mem>>)
      } else {
      }
    }
    %scan3A_78 = arith.constant 10 : i32
    %dma_wait3A = arith.constant 78 : i32
    %dma_wait3A_79 = arith.constant 1 : i32
    %dma_wait3A_80 = arith.constant 0 : i32
    %dma_wait3A_81 = tpu.memref_slice %arg5[%dma_wait3A, %dma_wait3A_79, %dma_wait3A_80] : memref<80x2x128xi32, #tpu.memory_space<vmem>> -> memref<1x1x128xi32, #tpu.memory_space<vmem>>
    %dma_wait3A_82 = tpu.memref_squeeze %dma_wait3A_81 : memref<1x1x128xi32, #tpu.memory_space<vmem>> -> memref<128xi32, #tpu.memory_space<vmem>>
    %dma_wait3A_83 = arith.constant 0 : i32
    %dma_wait3A_84 = arith.constant 0 : i32
    %dma_wait3A_85 = tpu.memref_slice %arg30[%dma_wait3A_83, %dma_wait3A_84] : memref<10240x64xf32, #tpu.memory_space<vmem_shared>> -> memref<10240x64xf32, #tpu.memory_space<vmem_shared>>
    tpu.wait_indirect_dma semaphore(%arg28 : memref<!tpu.dma_semaphore, #tpu.memory_space<semaphore_mem>>) src(%arg12 : memref<128x64xf32, #tpu.memory_space<vmem>>) dst(%dma_wait3A_85 : memref<10240x64xf32, #tpu.memory_space<vmem_shared>>)
    %dma_wait3A_86 = arith.constant 79 : i32
    %dma_wait3A_87 = arith.constant 1 : i32
    %dma_wait3A_88 = arith.constant 0 : i32
    %dma_wait3A_89 = tpu.memref_slice %arg5[%dma_wait3A_86, %dma_wait3A_87, %dma_wait3A_88] : memref<80x2x128xi32, #tpu.memory_space<vmem>> -> memref<1x1x128xi32, #tpu.memory_space<vmem>>
    %dma_wait3A_90 = tpu.memref_squeeze %dma_wait3A_89 : memref<1x1x128xi32, #tpu.memory_space<vmem>> -> memref<128xi32, #tpu.memory_space<vmem>>
    %dma_wait3A_91 = arith.constant 0 : i32
    %dma_wait3A_92 = arith.constant 0 : i32
    %dma_wait3A_93 = tpu.memref_slice %arg30[%dma_wait3A_91, %dma_wait3A_92] : memref<10240x64xf32, #tpu.memory_space<vmem_shared>> -> memref<10240x64xf32, #tpu.memory_space<vmem_shared>>
    tpu.wait_indirect_dma semaphore(%arg29 : memref<!tpu.dma_semaphore, #tpu.memory_space<semaphore_mem>>) src(%arg13 : memref<128x64xf32, #tpu.memory_space<vmem>>) dst(%dma_wait3A_93 : memref<10240x64xf32, #tpu.memory_space<vmem_shared>>)
    %barrier3A_94 = arith.constant 0 : index
    tpu.barrier barrier_id(%barrier3A_94)
    "tpu.region"() ({
      %run_scoped3A = tpu.sem_alloc : memref<!tpu.dma_semaphore, #tpu.memory_space<semaphore_mem>>
      %dma_start3A_95 = arith.constant 0 : i32
      %dma_start3A_96 = tpu.memref_slice %arg4[%arg0, %mul3A_9, %dma_start3A_95] : memref<2x10240x64xf32, #tpu.memory_space<hbm>> -> memref<1x640x64xf32, #tpu.memory_space<hbm>>
      %dma_start3A_97 = tpu.memref_squeeze %dma_start3A_96 : memref<1x640x64xf32, #tpu.memory_space<hbm>> -> memref<640x64xf32, #tpu.memory_space<hbm>>
      %dma_start3A_98 = arith.constant 0 : i32
      %dma_start3A_99 = tpu.memref_slice %arg30[%mul3A_9, %dma_start3A_98] : memref<10240x64xf32, #tpu.memory_space<vmem_shared>> -> memref<640x64xf32, #tpu.memory_space<vmem_shared>>
      tpu.enqueue_dma source(%dma_start3A_99 : memref<640x64xf32, #tpu.memory_space<vmem_shared>>) target(%dma_start3A_97 : memref<640x64xf32, #tpu.memory_space<hbm>>) target_semaphore(%run_scoped3A : memref<!tpu.dma_semaphore, #tpu.memory_space<semaphore_mem>>)
      %dma_wait3A_100 = arith.constant 0 : i32
      %dma_wait3A_101 = tpu.memref_slice %arg4[%arg0, %mul3A_9, %dma_wait3A_100] : memref<2x10240x64xf32, #tpu.memory_space<hbm>> -> memref<1x640x64xf32, #tpu.memory_space<hbm>>
      %dma_wait3A_102 = tpu.memref_squeeze %dma_wait3A_101 : memref<1x640x64xf32, #tpu.memory_space<hbm>> -> memref<640x64xf32, #tpu.memory_space<hbm>>
      %dma_wait3A_103 = arith.constant 0 : i32
      %dma_wait3A_104 = tpu.memref_slice %arg30[%mul3A_9, %dma_wait3A_103] : memref<10240x64xf32, #tpu.memory_space<vmem_shared>> -> memref<640x64xf32, #tpu.memory_space<vmem_shared>>
      tpu.wait_dma2 semaphore(%run_scoped3A : memref<!tpu.dma_semaphore, #tpu.memory_space<semaphore_mem>>) src(%dma_wait3A_104 : memref<640x64xf32, #tpu.memory_space<vmem_shared>>) dst(%dma_wait3A_102 : memref<640x64xf32, #tpu.memory_space<hbm>>)
      tpu.yield
    }) : () -> ()
    return
  }
}

module attributes {stable_mosaic.version = 14 : i64} {
  func.func @_tc1_body(%arg0: memref<5000x256xf32, #tpu.memory_space<vmem>>, %arg1: memref<256x128xf32, #tpu.memory_space<vmem>>, %arg2: memref<2x5120x128xf32, #tpu.memory_space<vmem>>, %arg3: memref<5000x128xf32, #tpu.memory_space<vmem>>, %arg4: memref<5000x128xf32, #tpu.memory_space<vmem>>) attributes {dimension_semantics = [], scalar_prefetch = 0 : i64, scratch_operands = 0 : i64, tpu.core_type = #tpu.core_type<tc>} {
    %get3A = arith.constant 0 : index
    %get3A_0 = arith.constant 0 : index
    %get3A_1 = arith.constant 0 : index
    %get3A_2 = vector.load %arg2[%get3A, %get3A_0, %get3A_1] : memref<2x5120x128xf32, #tpu.memory_space<vmem>>, vector<1x5000x128xf32>
    %get3A_3 = vector.shape_cast %get3A_2 : vector<1x5000x128xf32> to vector<5000x128xf32>
    %get3A_4 = arith.constant 1 : index
    %get3A_5 = arith.constant 0 : index
    %get3A_6 = arith.constant 0 : index
    %get3A_7 = vector.load %arg2[%get3A_4, %get3A_5, %get3A_6] : memref<2x5120x128xf32, #tpu.memory_space<vmem>>, vector<1x5000x128xf32>
    %get3A_8 = vector.shape_cast %get3A_7 : vector<1x5000x128xf32> to vector<5000x128xf32>
    %add3A = arith.addf %get3A_3, %get3A_8 : vector<5000x128xf32>
    %add3A_9 = arith.constant 1.000000e+00 : f32
    %add3A_10 = vector.broadcast %add3A_9 : f32 to vector<5000x128xf32>
    %add3A_11 = arith.addf %add3A, %add3A_10 : vector<5000x128xf32>
    %rsqrt3A = math.rsqrt %add3A_11 : vector<5000x128xf32>
    %get3A_12 = arith.constant 0 : index
    %get3A_13 = arith.constant 0 : index
    %get3A_14 = vector.load %arg0[%get3A_12, %get3A_13] : memref<5000x256xf32, #tpu.memory_space<vmem>>, vector<5000x256xf32>
    %get3A_15 = arith.constant 0 : index
    %get3A_16 = arith.constant 0 : index
    %get3A_17 = vector.load %arg1[%get3A_15, %get3A_16] : memref<256x128xf32, #tpu.memory_space<vmem>>, vector<256x128xf32>
    %dot_general3A = arith.constant dense<0.000000e+00> : vector<5000x128xf32>
    %dot_general3A_18 = tpu.matmul %get3A_14, %get3A_17, %dot_general3A {dimension_numbers = #tpu.dot_dimension_numbers<[1], [0], [0], [1], [0, 0, 1, 1], [], []>, transpose_lhs_hint = false} : vector<5000x256xf32>, vector<256x128xf32>, vector<5000x128xf32> -> vector<5000x128xf32>
    %mul3A = arith.mulf %dot_general3A_18, %rsqrt3A : vector<5000x128xf32>
    %swap3A = arith.constant 0 : index
    %swap3A_19 = arith.constant 0 : index
    %swap3A_20 = vector.load %arg3[%swap3A, %swap3A_19] : memref<5000x128xf32, #tpu.memory_space<vmem>>, vector<5000x128xf32>
    tpu.vector_store %arg3[%swap3A, %swap3A_19], %mul3A {strides = array<i32>} : memref<5000x128xf32, #tpu.memory_space<vmem>>, vector<5000x128xf32>,
    %swap3A_21 = arith.constant 0 : index
    %swap3A_22 = arith.constant 0 : index
    %swap3A_23 = vector.load %arg4[%swap3A_21, %swap3A_22] : memref<5000x128xf32, #tpu.memory_space<vmem>>, vector<5000x128xf32>
    tpu.vector_store %arg4[%swap3A_21, %swap3A_22], %rsqrt3A {strides = array<i32>} : memref<5000x128xf32, #tpu.memory_space<vmem>>, vector<5000x128xf32>,
    return
  }
}

module attributes {stable_mosaic.version = 14 : i64} {
  func.func @_tc2_body(%arg0: memref<10240x128xf32, #tpu.memory_space<vmem>>, %arg1: memref<5000x128xf32, #tpu.memory_space<vmem>>, %arg2: memref<1x128xf32, #tpu.memory_space<vmem>>, %arg3: memref<128x128xf32, #tpu.memory_space<vmem>>, %arg4: memref<5000x128xf32, #tpu.memory_space<vmem>>) attributes {dimension_semantics = [], scalar_prefetch = 0 : i64, scratch_operands = 0 : i64, tpu.core_type = #tpu.core_type<tc>} {
    %get3A = arith.constant 0 : index
    %get3A_0 = arith.constant 0 : index
    %get3A_1 = vector.load %arg0[%get3A, %get3A_0] : memref<10240x128xf32, #tpu.memory_space<vmem>>, vector<5000x128xf32>
    %get3A_2 = arith.constant 5120 : index
    %get3A_3 = arith.constant 0 : index
    %get3A_4 = vector.load %arg0[%get3A_2, %get3A_3] : memref<10240x128xf32, #tpu.memory_space<vmem>>, vector<5000x128xf32>
    %add3A = arith.addf %get3A_1, %get3A_4 : vector<5000x128xf32>
    %get3A_5 = arith.constant 0 : index
    %get3A_6 = arith.constant 0 : index
    %get3A_7 = vector.load %arg1[%get3A_5, %get3A_6] : memref<5000x128xf32, #tpu.memory_space<vmem>>, vector<5000x128xf32>
    %mul3A = arith.mulf %add3A, %get3A_7 : vector<5000x128xf32>
    %get3A_8 = arith.constant 0 : index
    %get3A_9 = arith.constant 0 : index
    %get3A_10 = vector.load %arg2[%get3A_8, %get3A_9] : memref<1x128xf32, #tpu.memory_space<vmem>>, vector<1x128xf32>
    %add3A_11 = vector.broadcast %get3A_10 : vector<1x128xf32> to vector<5000x128xf32>
    %add3A_12 = arith.addf %mul3A, %add3A_11 : vector<5000x128xf32>
    %max3A = arith.constant 0.000000e+00 : f32
    %max3A_13 = vector.broadcast %max3A : f32 to vector<5000x128xf32>
    %max3A_14 = arith.maximumf %add3A_12, %max3A_13 : vector<5000x128xf32>
    %get3A_15 = arith.constant 0 : index
    %get3A_16 = arith.constant 0 : index
    %get3A_17 = vector.load %arg3[%get3A_15, %get3A_16] : memref<128x128xf32, #tpu.memory_space<vmem>>, vector<128x128xf32>
    %dot_general3A = arith.constant dense<0.000000e+00> : vector<5000x128xf32>
    %dot_general3A_18 = tpu.matmul %max3A_14, %get3A_17, %dot_general3A {dimension_numbers = #tpu.dot_dimension_numbers<[1], [0], [0], [1], [0, 0, 1, 1], [], []>, transpose_lhs_hint = false} : vector<5000x128xf32>, vector<128x128xf32>, vector<5000x128xf32> -> vector<5000x128xf32>
    %get3A_19 = arith.constant 0 : index
    %get3A_20 = arith.constant 0 : index
    %get3A_21 = vector.load %arg1[%get3A_19, %get3A_20] : memref<5000x128xf32, #tpu.memory_space<vmem>>, vector<5000x128xf32>
    %mul3A_22 = arith.mulf %dot_general3A_18, %get3A_21 : vector<5000x128xf32>
    %swap3A = arith.constant 0 : index
    %swap3A_23 = arith.constant 0 : index
    %swap3A_24 = vector.load %arg4[%swap3A, %swap3A_23] : memref<5000x128xf32, #tpu.memory_space<vmem>>, vector<5000x128xf32>
    tpu.vector_store %arg4[%swap3A, %swap3A_23], %mul3A_22 {strides = array<i32>} : memref<5000x128xf32, #tpu.memory_space<vmem>>, vector<5000x128xf32>,
    return
  }
}

module attributes {stable_mosaic.version = 14 : i64} {
  func.func @_tc3_body(%arg0: memref<10240x128xf32, #tpu.memory_space<vmem>>, %arg1: memref<5000x128xf32, #tpu.memory_space<vmem>>, %arg2: memref<1x128xf32, #tpu.memory_space<vmem>>, %arg3: memref<1x5000xi32, #tpu.memory_space<vmem>>, %arg4: memref<1x5000xi32, #tpu.memory_space<vmem>>, %arg5: memref<64x16xf32, #tpu.memory_space<vmem>>, %arg6: memref<64x64xf32, #tpu.memory_space<vmem>>, %arg7: memref<16x64xf32, #tpu.memory_space<vmem>>, %arg8: memref<1x64xf32, #tpu.memory_space<vmem>>, %arg9: memref<64x1xf32, #tpu.memory_space<vmem>>, %arg10: memref<1x1xf32, #tpu.memory_space<vmem>>, %arg11: memref<64x1xf32, #tpu.memory_space<vmem>>) attributes {dimension_semantics = [], scalar_prefetch = 0 : i64, scratch_operands = 0 : i64, tpu.core_type = #tpu.core_type<tc>} {
    %get3A = arith.constant 0 : index
    %get3A_0 = arith.constant 0 : index
    %get3A_1 = vector.load %arg0[%get3A, %get3A_0] : memref<10240x128xf32, #tpu.memory_space<vmem>>, vector<5000x128xf32>
    %get3A_2 = arith.constant 5120 : index
    %get3A_3 = arith.constant 0 : index
    %get3A_4 = vector.load %arg0[%get3A_2, %get3A_3] : memref<10240x128xf32, #tpu.memory_space<vmem>>, vector<5000x128xf32>
    %add3A = arith.addf %get3A_1, %get3A_4 : vector<5000x128xf32>
    %get3A_5 = arith.constant 0 : index
    %get3A_6 = arith.constant 0 : index
    %get3A_7 = vector.load %arg1[%get3A_5, %get3A_6] : memref<5000x128xf32, #tpu.memory_space<vmem>>, vector<5000x128xf32>
    %mul3A = arith.mulf %add3A, %get3A_7 : vector<5000x128xf32>
    %get3A_8 = arith.constant 0 : index
    %get3A_9 = arith.constant 0 : index
    %get3A_10 = vector.load %arg2[%get3A_8, %get3A_9] : memref<1x128xf32, #tpu.memory_space<vmem>>, vector<1x128xf32>
    %add3A_11 = vector.broadcast %get3A_10 : vector<1x128xf32> to vector<5000x128xf32>
    %add3A_12 = arith.addf %mul3A, %add3A_11 : vector<5000x128xf32>
    %max3A = arith.constant 0.000000e+00 : f32
    %max3A_13 = vector.broadcast %max3A : f32 to vector<5000x128xf32>
    %max3A_14 = arith.maximumf %add3A_12, %max3A_13 : vector<5000x128xf32>
    %iota3A = tpu.iota {dimensions = array<i32: 0>} : vector<64x5000xi32>
    %get3A_15 = arith.constant 0 : index
    %get3A_16 = arith.constant 0 : index
    %get3A_17 = vector.load %arg3[%get3A_15, %get3A_16] : memref<1x5000xi32, #tpu.memory_space<vmem>>, vector<1x5000xi32>
    %eq3A = vector.broadcast %get3A_17 : vector<1x5000xi32> to vector<64x5000xi32>
    %eq3A_18 = arith.cmpi eq, %iota3A, %eq3A : vector<64x5000xi32>
    %convert_element_type3A = arith.extui %eq3A_18 : vector<64x5000xi1> to vector<64x5000xi32>
    %convert_element_type3A_19 = arith.sitofp %convert_element_type3A : vector<64x5000xi32> to vector<64x5000xf32>
    %get3A_20 = arith.constant 0 : index
    %get3A_21 = arith.constant 0 : index
    %get3A_22 = vector.load %arg4[%get3A_20, %get3A_21] : memref<1x5000xi32, #tpu.memory_space<vmem>>, vector<1x5000xi32>
    %eq3A_23 = vector.broadcast %get3A_22 : vector<1x5000xi32> to vector<64x5000xi32>
    %eq3A_24 = arith.cmpi eq, %iota3A, %eq3A_23 : vector<64x5000xi32>
    %convert_element_type3A_25 = arith.extui %eq3A_24 : vector<64x5000xi1> to vector<64x5000xi32>
    %convert_element_type3A_26 = arith.sitofp %convert_element_type3A_25 : vector<64x5000xi32> to vector<64x5000xf32>
    %reduce_sum3A = arith.constant dense<0.000000e+00> : vector<64xf32>
    %reduce_sum3A_27 = vector.multi_reduction <add>, %convert_element_type3A_19, %reduce_sum3A [1] : vector<64x5000xf32> to vector<64xf32>
    %broadcast_in_dim3A = vector.shape_cast %reduce_sum3A_27 : vector<64xf32> to vector<64x1xf32>
    %reduce_sum3A_28 = arith.constant dense<0.000000e+00> : vector<64xf32>
    %reduce_sum3A_29 = vector.multi_reduction <add>, %convert_element_type3A_26, %reduce_sum3A_28 [1] : vector<64x5000xf32> to vector<64xf32>
    %broadcast_in_dim3A_30 = vector.shape_cast %reduce_sum3A_29 : vector<64xf32> to vector<64x1xf32>
    %add3A_31 = arith.addf %broadcast_in_dim3A, %broadcast_in_dim3A_30 : vector<64x1xf32>
    %dot_general3A = arith.constant dense<0.000000e+00> : vector<64x128xf32>
    %dot_general3A_32 = tpu.matmul %convert_element_type3A_19, %max3A_14, %dot_general3A {dimension_numbers = #tpu.dot_dimension_numbers<[1], [0], [0], [1], [0, 0, 1, 1], [], []>, transpose_lhs_hint = false} : vector<64x5000xf32>, vector<5000x128xf32>, vector<64x128xf32> -> vector<64x128xf32>
    %dot_general3A_33 = arith.constant dense<0.000000e+00> : vector<64x128xf32>
    %dot_general3A_34 = tpu.matmul %convert_element_type3A_26, %max3A_14, %dot_general3A_33 {dimension_numbers = #tpu.dot_dimension_numbers<[1], [0], [0], [1], [0, 0, 1, 1], [], []>, transpose_lhs_hint = false} : vector<64x5000xf32>, vector<5000x128xf32>, vector<64x128xf32> -> vector<64x128xf32>
    %slice3A = vector.extract_strided_slice %dot_general3A_32 {offsets = [0, 0], sizes = [64, 64], strides = [1, 1]} : vector<64x128xf32> to vector<64x64xf32>
    %slice3A_35 = vector.extract_strided_slice %dot_general3A_34 {offsets = [0, 64], sizes = [64, 64], strides = [1, 1]} : vector<64x128xf32> to vector<64x64xf32>
    %add3A_36 = arith.addf %slice3A, %slice3A_35 : vector<64x64xf32>
    %max3A_37 = arith.constant 1.000000e+00 : f32
    %max3A_38 = vector.broadcast %max3A_37 : f32 to vector<64x1xf32>
    %max3A_39 = arith.maximumf %add3A_31, %max3A_38 : vector<64x1xf32>
    %div3A = vector.broadcast %max3A_39 : vector<64x1xf32> to vector<64x64xf32>
    %div3A_40 = arith.divf %add3A_36, %div3A : vector<64x64xf32>
    %get3A_41 = arith.constant 0 : index
    %get3A_42 = arith.constant 0 : index
    %get3A_43 = vector.load %arg6[%get3A_41, %get3A_42] : memref<64x64xf32, #tpu.memory_space<vmem>>, vector<64x64xf32>
    %dot_general3A_44 = arith.constant dense<0.000000e+00> : vector<64x64xf32>
    %dot_general3A_45 = tpu.matmul %div3A_40, %get3A_43, %dot_general3A_44 {dimension_numbers = #tpu.dot_dimension_numbers<[1], [0], [0], [1], [0, 0, 1, 1], [], []>, transpose_lhs_hint = false} : vector<64x64xf32>, vector<64x64xf32>, vector<64x64xf32> -> vector<64x64xf32>
    %get3A_46 = arith.constant 0 : index
    %get3A_47 = arith.constant 0 : index
    %get3A_48 = vector.load %arg5[%get3A_46, %get3A_47] : memref<64x16xf32, #tpu.memory_space<vmem>>, vector<64x16xf32>
    %get3A_49 = arith.constant 0 : index
    %get3A_50 = arith.constant 0 : index
    %get3A_51 = vector.load %arg7[%get3A_49, %get3A_50] : memref<16x64xf32, #tpu.memory_space<vmem>>, vector<16x64xf32>
    %dot_general3A_52 = arith.constant dense<0.000000e+00> : vector<64x64xf32>
    %dot_general3A_53 = tpu.matmul %get3A_48, %get3A_51, %dot_general3A_52 {dimension_numbers = #tpu.dot_dimension_numbers<[1], [0], [0], [1], [0, 0, 1, 1], [], []>, transpose_lhs_hint = false} : vector<64x16xf32>, vector<16x64xf32>, vector<64x64xf32> -> vector<64x64xf32>
    %add3A_54 = arith.addf %dot_general3A_45, %dot_general3A_53 : vector<64x64xf32>
    %get3A_55 = arith.constant 0 : index
    %get3A_56 = arith.constant 0 : index
    %get3A_57 = vector.load %arg8[%get3A_55, %get3A_56] : memref<1x64xf32, #tpu.memory_space<vmem>>, vector<1x64xf32>
    %add3A_58 = vector.broadcast %get3A_57 : vector<1x64xf32> to vector<64x64xf32>
    %add3A_59 = arith.addf %add3A_54, %add3A_58 : vector<64x64xf32>
    %max3A_60 = arith.constant 0.000000e+00 : f32
    %max3A_61 = vector.broadcast %max3A_60 : f32 to vector<64x64xf32>
    %max3A_62 = arith.maximumf %add3A_59, %max3A_61 : vector<64x64xf32>
    %get3A_63 = arith.constant 0 : index
    %get3A_64 = arith.constant 0 : index
    %get3A_65 = vector.load %arg9[%get3A_63, %get3A_64] : memref<64x1xf32, #tpu.memory_space<vmem>>, vector<64x1xf32>
    %dot_general3A_66 = arith.constant dense<0.000000e+00> : vector<64x1xf32>
    %dot_general3A_67 = tpu.matmul %max3A_62, %get3A_65, %dot_general3A_66 {dimension_numbers = #tpu.dot_dimension_numbers<[1], [0], [0], [1], [0, 0, 1, 1], [], []>, transpose_lhs_hint = false} : vector<64x64xf32>, vector<64x1xf32>, vector<64x1xf32> -> vector<64x1xf32>
    %get3A_68 = arith.constant 0 : index
    %get3A_69 = arith.constant 0 : index
    %get3A_70 = vector.load %arg10[%get3A_68, %get3A_69] : memref<1x1xf32, #tpu.memory_space<vmem>>, vector<1x1xf32>
    %add3A_71 = vector.broadcast %get3A_70 : vector<1x1xf32> to vector<64x1xf32>
    %add3A_72 = arith.addf %dot_general3A_67, %add3A_71 : vector<64x1xf32>
    %swap3A = arith.constant 0 : index
    %swap3A_73 = arith.constant 0 : index
    %swap3A_74 = vector.load %arg11[%swap3A, %swap3A_73] : memref<64x1xf32, #tpu.memory_space<vmem>>, vector<64x1xf32>
    tpu.vector_store %arg11[%swap3A, %swap3A_73], %add3A_72 {strides = array<i32>} : memref<64x1xf32, #tpu.memory_space<vmem>>, vector<64x1xf32>,
    return
  }
}

</mosaic_0001>

<sc_bundles>
// kernel: kernel.11.cloned.1.call-start
scs
__scs_entry_jumppad:
0x0: {  	(pc) =	sbr.rel $0x88, $3  }
0x1: {  	(tag) =	ssettag $0x0;
	lr =	simm.s32 $0x1  }
0x2: {  	[smem:$0x3F95] =	sst lr;
	_ =	strace $0xD0000000  }
0x3: {  	_ = 	snop  }
0x4: {  	_ = 	snop  }
0x5: {  	_ = 	snop  }
0x6: {  	_ = 	snop  }
0x7: {  	_ = 	snop  }
__scs_overlays_trampoline_lowered:
0x8: {  	[smem:$0x3FA4] =	sst s0  }
0x9: {  	[smem:$0x3FA5] =	sst s1  }
0xa: {  	[smem:$0x3FA6] =	sst s2  }
0xb: {  	[smem:$0x3FA7] =	sst s3  }
0xc: {  	[smem:$0x3FA8] =	sst s4  }
0xd: {  	[smem:$0x3FA9] =	sst s5  }
0xe: {  	[smem:$0x3FAA] =	sst s6  }
0xf: {  	[smem:$0x3FAB] =	sst s7  }
0x10: {  	[smem:$0x3FAC] =	sst s8  }
0x11: {  	[smem:$0x3FAD] =	sst s9;
	s0 =	simm.s32 @!p0 $0x0  }
0x12: {  	s1 =	sld [smem:$0x3F93];
	s0 =	simm.s32 @p0 $0x1  }
0x13: {  	[smem:$0x3FAE] =	sst s0;
	s0 =	simm.s32 @!p1 $0x0  }
0x14: {  	s2 =	sld [smem:$0x3F92];
	s0 =	simm.s32 @p1 $0x1  }
0x15: {  	[smem:$0x3FAF] =	sst s0;
	s0 =	simm.s32 @!p2 $0x0  }
0x16: {  	s3 =	sld [smem:$0x3FDB];
	s0 =	simm.s32 @p2 $0x1  }
0x17: {  	s4 =	simm.s32 $0x1BF5;
	[smem:$0x3FB1] =	sst s0  }
0x18: {  	s0 =	sld [smem:$0x3F94];
	_ =	swait.ge [sflag:s4], $0x0  }
0x19: {  	s7 =	sld [smem:$0x3F95]  }
0x1a: {  	s8 =	sadd.s32 $0xFFFFE003, lr  }
0x1b: {  	s9 =	sadd.s32 $0xFFFFFEF7, lr;
	s5 =	simm.s32 $0xFFFFFFFF;
	p2 =	slt.u32 s8, $0xFFFFF086  }
0x1c: {  	p1 =	slt.u32 s9, $0xF7A;
	s5 =	simm.s32 @!p2 $0x0  }
0x1d: {  	s5 =	simm.s32 @p1 $0x1;
	p0 =	seq.s32 s7, s2  }
0x1e: {  	s7 =	smul.u32 @!p0 $0xF7A, s2;
	p2 =	seq.s32 @!p0 s5, $0x0  }
0x1f: {  	s9 =	smul.u32 $0xF7A, s1;
	s8 =	simm.s32 @!p0 $0x1BF5;
	p2 =	por !p2, p0  }
0x20: {  	[sflag:s8] =	ssyncset.s32 @!p0 $0xFFFFF086;
	s6 =	sadd.s32 @!p0 s3, s7;
	s7 =	simm.s32 @!p0 $0x108  }
0x21: {  	s3 =	sadd.s32 s3, s9;
	s6 =	sadd.s32 @!p0 $0x88, s6;
	s7 =	simm.s32 @p2 $0x1082  }
0x22: {  	[simem:s7], [sflag:s8] =	dma.local @!p0 [hbm:s6], $0xF7A  }
0x23: {  	s9 =	sor.u32 $0xD0000000, s2;
	s6 =	simm.s32 $0x108;
	_ =	swait.ge @!p0 [sflag:s8], $0x0  }
0x24: {  	s3 =	sadd.s32 $0x88, s3;
	s6 =	simm.s32 @!p1 $0x1082;
	[sflag:s4] =	ssyncset.s32 $0xFFFFF086  }
0x25: {  	[simem:s6], [sflag:s4] =	dma.local [hbm:s3], $0xF7A  }
0x26: {  	[smem:$0x3F95] =	sst s1;
	(tag) =	ssettag s2;
	_ =	strace s9  }
0x27: {  	s1 =	sld [smem:$0x3FA5]  }
0x28: {  	s2 =	sld [smem:$0x3FA6]  }
0x29: {  	s4 =	sld [smem:$0x3FA8]  }
0x2a: {  	p0 =	seq.s32 s5, $0x0;
	s5 =	sld [smem:$0x3FA9]  }
0x2b: {  	s6 =	sld [smem:$0x3FAA]  }
0x2c: {  	s7 =	sld [smem:$0x3FAB]  }
0x2d: {  	s3 =	simm.s32 $0x108;
	s8 =	sld [smem:$0x3FAC]  }
0x2e: {  	s3 =	simm.s32 @!p0 $0x1082;
	s9 =	sld [smem:$0x3FAD]  }
0x2f: {  	lr =	sadd.s32 s0, s3;
	s0 =	sld [smem:$0x3FA4]  }
0x30: {  	s3 =	sld [smem:$0x3FA7]  }
0x31: {  	[smem:$0x3FB0] =	sst s10  }
0x32: {  	s10 =	sld [smem:$0x3FAE];
	_ =	sdelay $0x3  }
0x33: {  	p0 =	seq.s32 s10, $0x1;
	s10 =	sld [smem:$0x3FB0];
	_ =	sdelay $0x3  }
0x34: {  	[smem:$0x3FB0] =	sst s10  }
0x35: {  	s10 =	sld [smem:$0x3FAF];
	_ =	sdelay $0x3  }
0x36: {  	p1 =	seq.s32 s10, $0x1;
	s10 =	sld [smem:$0x3FB0];
	_ =	sdelay $0x3  }
0x37: {  	[smem:$0x3FB0] =	sst s10  }
0x38: {  	s10 =	sld [smem:$0x3FB1]  }
0x39: {  	_ = 	snop;
	(pc) =	sbr.ind lr, $3  }
0x3a: {  	_ = 	snop  }
0x3b: {  	_ = 	snop  }
0x3c: {  	p2 =	seq.s32 s10, $0x1;
	s10 =	sld [smem:$0x3FB0]  }
0x3d: {  	_ =	shalt  }
0x3e: {  	_ =	shalt  }
0x3f: {  	_ =	shalt  }
0x40: {  	_ =	shalt  }
0x41: {  	_ =	shalt  }
0x42: {  	_ =	shalt  }
0x43: {  	_ =	shalt  }
0x44: {  	_ =	shalt  }
0x45: {  	_ =	shalt  }
0x46: {  	_ =	shalt  }
0x47: {  	_ =	shalt  }
0x48: {  	_ =	shalt  }
0x49: {  	_ =	shalt  }
0x4a: {  	_ =	shalt  }
0x4b: {  	_ =	shalt  }
0x4c: {  	_ =	shalt  }
0x4d: {  	_ =	shalt  }
0x4e: {  	_ =	shalt  }
0x4f: {  	_ =	shalt  }
0x50: {  	_ =	shalt  }
0x51: {  	_ =	shalt  }
0x52: {  	_ =	shalt  }
0x53: {  	_ =	shalt  }
0x54: {  	_ =	shalt  }
0x55: {  	_ =	shalt  }
0x56: {  	_ =	shalt  }
0x57: {  	_ =	shalt  }
0x58: {  	_ =	shalt  }
0x59: {  	_ =	shalt  }
0x5a: {  	_ =	shalt  }
0x5b: {  	_ =	shalt  }
0x5c: {  	_ =	shalt  }
0x5d: {  	_ =	shalt  }
0x5e: {  	_ =	shalt  }
0x5f: {  	_ =	shalt  }
0x60: {  	_ =	shalt  }
0x61: {  	_ =	shalt  }
0x62: {  	_ =	shalt  }
0x63: {  	_ =	shalt  }
0x64: {  	_ =	shalt  }
0x65: {  	_ =	shalt  }
0x66: {  	_ =	shalt  }
0x67: {  	_ =	shalt  }
0x68: {  	_ =	shalt  }
0x69: {  	_ =	shalt  }
0x6a: {  	_ =	shalt  }
0x6b: {  	_ =	shalt  }
0x6c: {  	_ =	shalt  }
0x6d: {  	_ =	shalt  }
0x6e: {  	_ =	shalt  }
0x6f: {  	_ =	shalt  }
0x70: {  	_ =	shalt  }
0x71: {  	_ =	shalt  }
0x72: {  	_ =	shalt  }
0x73: {  	_ =	shalt  }
0x74: {  	_ =	shalt  }
0x75: {  	_ =	shalt  }
0x76: {  	_ =	shalt  }
0x77: {  	_ =	shalt  }
0x78: {  	_ =	shalt  }
0x79: {  	_ =	shalt  }
0x7a: {  	_ =	shalt  }
0x7b: {  	_ =	shalt  }
0x7c: {  	_ =	shalt  }
0x7d: {  	_ =	shalt  }
0x7e: {  	_ =	shalt  }
0x7f: {  	_ =	shalt  }
0x80: {  	_ =	shalt  }
0x81: {  	_ =	shalt  }
0x82: {  	_ =	shalt  }
0x83: {  	_ =	shalt  }
0x84: {  	_ =	shalt  }
0x85: {  	_ =	shalt  }
0x86: {  	_ =	shalt  }
0x87: {  	_ =	shalt  }
.Lfunc_end0:
.L_simem_size_0:
called_computation.1_lowered:
.L_overlay_start_0:
0x88: {  	s2 =	sld [smem:$0x3FD9]  }
0x89: {  	s3 =	sld [smem:$0x3FFE];
	_ =	sdelay $0x1  }
0x8a: {  	s1 =	srdreg.scid  }
0x8b: {  	s0 =	sand.u32 $0x1, s1  }
0x8c: {  	s16 =	sshll.u32 s0, $0xA;
	s2 =	sadd.s32 s3, s2  }
0x8d: {  	s2 =	sadd.s32 s2, s16  }
0x8e: {  	[smem:$0x3FBC] =	sst s2  }
0x8f: {  	_ = 	snop  }
0x90: {  	(tm) =	ssettm $0x1  }
0x91: {  	s17 =	sld [smem:$0x3FFB];
	_ =	sdelay $0x3  }
0x92: {  	_ =	strace s17  }
0x93: {  	s2 =	sld [smem:$0x3FFC];
	_ =	sdelay $0x3  }
0x94: {  	_ =	strace s2  }
0x95: {  	s2 =	sld [smem:$0x3FFD];
	_ =	sdelay $0x3  }
0x96: {  	_ =	strace s2  }
0x97: {  	_ =	strace $0x8FFFFFFF  }
0x98: {  	s18 =	sld [smem:$0x3FDB];
	_ =	sdelay $0x1  }
0x99: {  	s19 =	simm.s32 $_scs_section_size  }
0x9a: {  	s4 =	simm.s32 $_size__tile_overlayer_lowered;
	s5 =	simm.s32 $_tile_overlayer_lowered  }
0x9b: {  	s22 =	simm.s32 $0x1BFF;
	s21 =	sshll.u32 s5, $0x1;
	s2 =	sadd.s32 s19, s18  }
0x9c: {  	s6 =	simm.s32 $0x0;
	s20 =	sshll.u32 s4, $0x1;
	s4 =	sadd.s32 s21, s2  }
0x9d: {  	[timem:s6], [sflag:s22] =	dma.local [hbm:s4], s20  }
0x9e: {  	_ =	swait.ge [sflag:s22], s20  }
0x9f: {  	s3 =	ssub.s32 $0x0, s20;
	[sflag:s22] =	ssyncset.done $0x0  }
0xa0: {  	[sflag:s22] =	ssyncadd.s32 s3;
	_ =	sdelay $0x1  }
0xa1: {  	s23 =	simm.s32 $0x1B8B  }
0xa2: {  	_ =	swait.ge [sflag:s23], $0x1  }
0xa3: {  	[sflag:s23] =	ssyncset.done $0x0  }
0xa4: {  	s25 =	simm.s32 $0x1B8E;
	s24 =	sld [smem:$0x3FFE];
	[sflag:s23] =	ssyncadd.s32 $0xFFFFFFFF  }
0xa5: {  	s26 =	simm.s32 $execute0_lowered;
	[smem:$0x3FD2] =	sst s25  }
0xa6: {  	s4 =	sshll.u32 s26, $0x1;
	_ =	strace $0x80000049;
	[dreg:$0x1] =	wrdreg $0xFFFFFFFF  }
0xa7: {  	s28 =	simm.s32 $_size_execute0_lowered;
	s2 =	sadd.s32 s2, s4;
	[dreg:$0x0] =	wrdreg $0x0  }
0xa8: {  	s4 =	sshll.u32 s28, $0x1;
	[dreg:$0x2] =	wrdreg s2  }
0xa9: {  	[dreg:$0x3] =	wrdreg s4  }
0xaa: {  	[dreg:$0x4] =	wrdreg $0xC0  }
0xab: {  	_ =	task [dreg:s6], $0x5FFFF  }
0xac: {  	[dreg:$0x1] =	wrdreg $0xFFFFFFFF  }
0xad: {  	[dreg:$0x0] =	wrdreg $0x60  }
0xae: {  	[dreg:$0x2] =	wrdreg s24  }
0xaf: {  	[dreg:$0x3] =	wrdreg $0x150000  }
0xb0: {  	[dreg:$0x4] =	wrdreg $0x9  }
0xb1: {  	_ =	task.clear_ibuf [dreg:s6], $0x5FFFF;
	_ =	strace $0x90000049  }
0xb2: {  	s29 =	simm.s32 $0x9;
	_ =	strace $0x8000004B  }
0xb3: {  	_ =	swait.ge [sflag:s29], $0x1  }
0xb4: {  	[sflag:s29] =	ssyncadd.s32 $0xFFFFFFFF  }
0xb5: {  	_ =	strace $0x9000004B  }
0xb6: {  	_ =	sfence  }
0xb7: {  	s30 =	sld [smem:$0x0];
	_ =	sdelay $0x2  }
0xb8: {  	s31 =	sshll.u32 s1, $0xD;
	s1 =	sshrl.u32 s1, $0x2  }
0xb9: {  	s3 =	sand.u32 $0x4000, s31;
	s1 =	sadd.s32 s1, s30  }
0xba: {  	s0 =	sor.u32 s3, s0;
	s1 =	sshll.u32 s1, $0x11  }
0xbb: {  	s0 =	sor.u32 s1, s0  }
0xbc: {  	s0 =	sadd.s32 $0x8F2B, s0  }
0xbd: {  	[sflag:s0] =	ssyncadd.remote.s32 $0x1  }
0xbe: {  	_ =	sfence.sel $0xFFFF  }
0xbf: {  	[dreg:$0x0] =	wrdreg $0xFFFFFFFF;
	(pc) =	sbr.abs _section_cstart, $3  }
0xc0: {  	[dreg:$0x1] =	wrdreg $0xFFFFFFFF  }
0xc1: {  	_ =	task.clear_ibuf [dreg:s6], $0x2FFFF;
	_ =	strace $0x9FFFFFFF  }
0xc2: {  	(tm) =	ssettm $0x7FFFFFFF  }
0xc3: {  	_ =	shalt  }
tec
execute0_lowered:
.L_overlay_start_1:
0x0: {  	(tag) =	ssettag $0x1  }
0x1: {  	s0 =	rddreg [dreg:$0x0]  }
0x2: {  	s2 =	rddreg [dreg:$0x1];
	s1 =	srdreg.scid  }
0x3: {  	s9 =	stileid.u32;
	s6 =	simm.s32 $0x0;
	s28 =	simm.s32 $0x9000  }
0x4: {  	s30 =	simm.s32 $0xB000;
	s29 =	simm.s32 $0x11000;
	s31 =	simm.s32 $0x13000  }
0x5: {  	s10 =	simm.s32 $0x6;
	s11 =	simm.s32 $0xB;
	s12 =	simm.s32 $0xC  }
0x6: {  	s13 =	simm.s32 $0x7;
	s15 =	simm.s32 $0x8;
	s16 =	simm.s32 $0xD  }
0x7: {  	s14 =	simm.s32 $0x0;
	s1 =	sand.u32 $0x1, s1;
	s3 =	smul.u32 $0xA000, s9  }
0x8: {  	[smem:$0x7FF] =	sst s6;
	s18 =	smul.u32 $0x28000, s9;
	p1 =	sne.s32 s9, $0xF  }
0x9: {  	p2 =	seq.s32 s9, $0xF;
	s22 =	sadd.s32 $0x9C400, s2;
	s23 =	sadd.s32 $0x9E400, s2  }
0xa: {  	s4 =	sshll.u32 s1, $0x4;
	s5 =	smul.u32 $0xA0000, s1;
	_ =	strace $0x8000004A  }
0xb: {  	s7 =	ssub.s32 $0x2, s1;
	p0 =	seq.s32 s1, $0x0;
	[dreg:$0xa] =	wrdreg s22  }
0xc: {  	[dreg:$0xb] =	wrdreg s23;
	s22 =	simm.s32 $0x80;
	s23 =	simm.s32 $0x5000  }
0xd: {  	s4 =	sor.u32 s9, s4;
	s8 =	sshrl.u32 s7, $0x1;
	p1 =	por !p0, !p1  }
0xe: {  	p2 =	por !p0, !p2;
	s24 =	sshrl.u32 s3, $0x3;
	s17 =	smul.u32 $0xA00, s4  }
0xf: {  	s5 =	sadd.s32 s3, s5;
	s4 =	sadd.s32 $0x2200, s0;
	s7 =	ssub.s32 s7, s8  }
0x10: {  	p0 =	por !p1, !p1;
	p1 =	por !p2, !p2;
	s3 =	sadd.s32 s3, s2  }
0x11: {  	s8 =	simm.s32 $0xA;
	s5 =	sshrl.u32 s5, $0x3;
	p2 =	por p1, p0  }
0x12: {  	s26 =	smax.u32 s7, $0x1;
	[dreg:$0xc] =	wrdreg s3;
	s7 =	simm.s32 $0x9  }
0x13: {  	s6 =	sadd.s32 s17, s0;
	s5 =	sadd.s32 s5, s0;
	s0 =	sadd.s32 $0x14E00, s0  }
0x14: {  	[dreg:$0xf] =	wrdreg s26;
	p2 =	seq.s32 @!p2 s1, $0x0;
	s1 =	simm.s32 $0xF000  }
0x15: {  	s26 =	simm.s32 $0x2;
	s17 =	simm.s32 $0xE;
	s6 =	sadd.s32 $0x2A200, s6  }
0x16: {  	[dreg:$0x9] =	wrdreg s0;
	s0 =	sadd.s32 s4, s24;
	s25 =	sadd.s32 $0x3E200, s5  }
0x17: {  	p2 =	por @!p0 p2, p1;
	p1 =	por !p1, p0;
	[dreg:$0x3] =	wrdreg s6  }
0x18: {  	s24 =	simm.s32 $0x1;
	s6 =	sshrl.u32 s18, $0x2;
	[dreg:$0xd] =	wrdreg s0  }
0x19: {  	s5 =	simm.s32 $0x4;
	[dreg:$0xe] =	wrdreg s25;
	s6 =	sadd.s32 s6, s2  }
0x1a: {  	s19 =	sadd.s32 $0x2000, s6;
	s20 =	sadd.s32 $0x4000, s6;
	[dreg:$0x4] =	wrdreg s6  }
0x1b: {  	s21 =	sadd.s32 $0x6000, s6;
	s6 =	sadd.s32 $0x8000, s6;
	[dreg:$0x5] =	wrdreg s19  }
0x1c: {  	s18 =	simm.s32 $0x11;
	[dreg:$0x8] =	wrdreg s6;
	s6 =	sadd.s32 $0x96000, s2  }
.Ltmp0:
0x1d: {  	[dreg:$0x6] =	wrdreg s20;
	s0 =	sshrl.u32 @!p1 s6, $0x3;
	(pc) =	sbr.rel .LBB2_1-.Ltmp0, $4  }
0x1e: {  	p2 =	por p2, p0;
	[dreg:$0x10] =	wrdreg s0;
	s0 =	sshll.u32 @p0 s9, $0x6  }
0x1f: {  	s25 =	simm.s32 $0x7000;
	[dreg:$0x7] =	wrdreg s21;
	s0 =	sor.u32 @p0 $0x1C11, s0  }
0x20: {  	s9 =	simm.s32 $0x5;
	[dreg:$0x11] =	wrdreg s0;
	s0 =	sshrl.u32 @p0 s3, $0x3  }
0x21: {  	v0 =	vimm.f32 $0.0e+00;
	s3 =	simm.s32 $0x3;
	[dreg:$0x12] =	wrdreg s0;
	s0 =	simm.s32 $0xD000  }
.LBB2_6:
0x22: {  	s6 =	simm.s32 $0xF  }
0x23: {  	_ =	swait.ge [sflag:s6], $0x2000  }
0x24: {  	[sflag:s6] =	ssyncset.done $0x0  }
0x25: {  	s18 =	simm.s32 $0x10;
	[sflag:s6] =	ssyncadd.s32 $0xFFFFE000  }
0x26: {  	_ =	swait.ge [sflag:s18], $0x2000  }
0x27: {  	[sflag:s18] =	ssyncset.done $0x0  }
0x28: {  	[sflag:s18] =	ssyncadd.s32 $0xFFFFE000  }
0x29: {  	s19 =	stileid.u32;
	[bflag:$0x0] =	sbarrier.arrive $0xFFFF  }
0x2a: {  	s6 =	sshll.u32 s19, $0x6;
	s14 =	rddreg [dreg:$0xc]  }
0x2b: {  	s6 =	sor.u32 $0x1C11, s6;
	s18 =	rddreg [dreg:$0xe];
	s14 =	sshrl.u32 s14, $0x3  }
0x2c: {  	[hbm:s18], [sflag:s6] =	dma.local [spmem:s14], $0x1400  }
0x2d: {  	s18 =	simm.s32 $0x11  }
0x2e: {  	_ =	swait.ge [sflag:s18], $0x1400  }
0x2f: {  	s20 =	rddreg [dreg:$0x13]  }
0x30: {  	s21 =	rddreg [dreg:$0xf];
	s14 =	sadd.s32 $0x1, s20  }
0x31: {  	p3 =	sne.s32 s14, s21  }
.Ltmp1:
0x32: {  	_ = 	snop;
	(pc) =	sbr.rel @!p3 .LBB2_7-.Ltmp1, $3  }
0x33: {  	_ =	sdelay $0x1  }
0x34: {  	[sflag:s18] =	ssyncset.done $0x0  }
0x35: {  	[sflag:s18] =	ssyncadd.s32 $0xFFFFEC00  }
.LBB2_1:
0x36: {  	[dreg:$0x13] =	wrdreg s14  }
0x37: {  	s6 =	simm.s32 $0x0;
	s21 =	rddreg [dreg:$0x3]  }
0x38: {  	[tilespmem:s6], [sflag:$0x11] =	stream.linear.gather [hbm4b:s21+s6], $0x5000, $0x38;
	[tilespmem:$0x1F000] =	vst v63  }
0x39: {  	_ =	swait.ge [sflag:s18], $0x5000  }
0x3a: {  	[sflag:s18] =	ssyncset.done $0x0  }
0x3b: {  	s21 =	simm.s32 $0x100;
	s6 =	simm.s32 $0x0;
	[sflag:s18] =	ssyncadd.s32 $0xFFFFB000  }
.LBB2_2:
0x3c: {  	p3 =	sne.s32 s21, $0x7F00;
	[tilespmem:s6+$0x5030] =	vst v0;
	s14 =	smov.u32 s21;
	s21 =	sadd.s32 $0x100, s21  }
.Ltmp2:
0x3d: {  	[tilespmem:s6+$0x5020] =	vst v0;
	(pc) =	sbr.rel @p3 .LBB2_2-.Ltmp2, $3  }
0x3e: {  	[tilespmem:s6+$0x5000] =	vst v0  }
0x3f: {  	[tilespmem:s6+$0x5010] =	vst v0;
	_ =	sdelay $0x1  }
0x40: {  	s6 =	sshra.s32 s14, $0x2  }
0x41: {  	[tilespmem:s6+$0x5030] =	vst v0  }
0x42: {  	[tilespmem:s6+$0x5020] =	vst v0  }
0x43: {  	[tilespmem:s6+$0x5000] =	vst v0  }
0x44: {  	[tilespmem:s6+$0x5010] =	vst v0;
	s6 =	simm.s32 @!p2 $0x5000;
	s14 =	rddreg [dreg:$0x4]  }
0x45: {  	[spmem:s14] =	stream.linear.scatter @!p2 [tilespmem:s6], [sflag:$0x11], $0x2000, $0x38;
	[tilespmem:$0x1F000] =	vst v63  }
0x46: {  	s14 =	simm.s32 @!p2 $0x11  }
0x47: {  	_ =	swait.ge @!p2 [sflag:s14], $0x2000  }
0x48: {  	[sflag:s14] =	ssyncset.done @!p2 $0x0  }
0x49: {  	s18 =	rddreg [dreg:$0x5];
	[sflag:s14] =	ssyncadd.s32 @!p2 $0xFFFFE000  }
0x4a: {  	[spmem:s18] =	stream.linear.scatter @!p2 [tilespmem:s6], [sflag:$0x11], $0x2000, $0x38;
	[tilespmem:$0x1F000] =	vst v63  }
0x4b: {  	_ =	swait.ge @!p2 [sflag:s14], $0x2000  }
0x4c: {  	[sflag:s14] =	ssyncset.done @!p2 $0x0  }
0x4d: {  	s18 =	rddreg [dreg:$0x6];
	[sflag:s14] =	ssyncadd.s32 @!p2 $0xFFFFE000  }
0x4e: {  	[spmem:s18] =	stream.linear.scatter @!p2 [tilespmem:s6], [sflag:$0x11], $0x2000, $0x38;
	[tilespmem:$0x1F000] =	vst v63  }
0x4f: {  	_ =	swait.ge @!p2 [sflag:s14], $0x2000  }
0x50: {  	[sflag:s14] =	ssyncset.done @!p2 $0x0  }
0x51: {  	s18 =	rddreg [dreg:$0x7];
	[sflag:s14] =	ssyncadd.s32 @!p2 $0xFFFFE000  }
0x52: {  	[spmem:s18] =	stream.linear.scatter @!p2 [tilespmem:s6], [sflag:$0x11], $0x2000, $0x38;
	[tilespmem:$0x1F000] =	vst v63  }
0x53: {  	_ =	swait.ge @!p2 [sflag:s14], $0x2000  }
0x54: {  	[sflag:s14] =	ssyncset.done @!p2 $0x0  }
0x55: {  	s18 =	rddreg [dreg:$0x8];
	[sflag:s14] =	ssyncadd.s32 @!p2 $0xFFFFE000  }
0x56: {  	[spmem:s18] =	stream.linear.scatter @!p2 [tilespmem:s6], [sflag:$0x11], $0x2000, $0x38;
	[tilespmem:$0x1F000] =	vst v63  }
0x57: {  	_ =	swait.ge @!p2 [sflag:s14], $0x2000  }
0x58: {  	[sflag:s14] =	ssyncset.done @!p2 $0x0;
	s18 =	rddreg [dreg:$0x10]  }
0x59: {  	s6 =	simm.s32 @!p1 $0x1FD1;
	[sflag:s14] =	ssyncadd.s32 @!p2 $0xFFFFE000;
	s14 =	rddreg [dreg:$0x9]  }
0x5a: {  	[spmem:s18], [sflag:s6] =	dma.local @!p1 [hbm:s14], $0xC80  }
0x5b: {  	s6 =	simm.s32 @!p1 $0x11  }
0x5c: {  	_ =	swait.ge @!p1 [sflag:s6], $0xC80  }
0x5d: {  	[sflag:s6] =	ssyncset.done @!p1 $0x0  }
0x5e: {  	s14 =	simm.s32 @!p1 $0x5000;
	s18 =	rddreg [dreg:$0xa];
	[sflag:s6] =	ssyncadd.s32 @!p1 $0xFFFFF380  }
0x5f: {  	[spmem:s18] =	stream.linear.scatter @!p1 [tilespmem:s14], [sflag:$0x11], $0x2000, $0x38;
	[tilespmem:$0x1F000] =	vst v63  }
0x60: {  	_ =	swait.ge @!p1 [sflag:s6], $0x2000  }
0x61: {  	[sflag:s6] =	ssyncset.done @!p1 $0x0  }
0x62: {  	s18 =	rddreg [dreg:$0xb];
	[sflag:s6] =	ssyncadd.s32 @!p1 $0xFFFFE000  }
0x63: {  	[spmem:s18] =	stream.linear.scatter @!p1 [tilespmem:s14], [sflag:$0x11], $0x1C00, $0x38;
	[tilespmem:$0x1F000] =	vst v63  }
0x64: {  	_ =	swait.ge @!p1 [sflag:s6], $0x1C00  }
0x65: {  	s14 =	rddreg [dreg:$0x11]  }
0x66: {  	[sflag:s6] =	ssyncset.done @!p1 $0x0;
	s18 =	rddreg [dreg:$0x12]  }
0x67: {  	[sflag:s6] =	ssyncadd.s32 @!p1 $0xFFFFE400;
	s6 =	rddreg [dreg:$0xd]  }
0x68: {  	[spmem:s18], [sflag:s14] =	dma.local @p0 [hbm:s6], $0x1400  }
0x69: {  	s6 =	simm.s32 @p0 $0x11  }
0x6a: {  	_ =	swait.ge @p0 [sflag:s6], $0x1400  }
0x6b: {  	[sflag:s6] =	ssyncset.done @p0 $0x0  }
0x6c: {  	[sflag:s6] =	ssyncadd.s32 @p0 $0xFFFFEC00  }
0x6d: {  	s21 =	simm.s32 $0x0;
	[bflag:$0x0] =	sbarrier.arrive $0xFFFF  }
0x6e: {  	[tilespmem:s23], [sflag:$0x1] =	stream.indirect.gather [hbm4b:s4+s22], $0x40, s21, s22, $0xb8;
	[tilespmem:$0x1F000] =	vst v63  }
0x6f: {  	s20 =	simm.s32 $0x100  }
0x70: {  	[tilespmem:s25], [sflag:$0x2] =	stream.indirect.gather [hbm4b:s4+s22], $0x40, s20, s22, $0xb8;
	[tilespmem:$0x1F000] =	vst v63  }
0x71: {  	s14 =	simm.s32 $0x200  }
0x72: {  	[tilespmem:s28], [sflag:$0x3] =	stream.indirect.gather [hbm4b:s4+s22], $0x40, s14, s22, $0xb8;
	[tilespmem:$0x1F000] =	vst v63  }
0x73: {  	s18 =	simm.s32 $0x300  }
0x74: {  	[tilespmem:s30], [sflag:$0x4] =	stream.indirect.gather [hbm4b:s4+s22], $0x40, s18, s22, $0xb8;
	[tilespmem:$0x1F000] =	vst v63  }
0x75: {  	s19 =	simm.s32 $0x400  }
0x76: {  	[tilespmem:s0], [sflag:$0x5] =	stream.indirect.gather [hbm4b:s4+s22], $0x40, s19, s22, $0xb8;
	[tilespmem:$0x1F000] =	vst v63  }
0x77: {  	s20 =	simm.s32 $0x500  }
0x78: {  	[tilespmem:s1], [sflag:$0x6] =	stream.indirect.gather [hbm4b:s4+s22], $0x40, s20, s22, $0xb8;
	[tilespmem:$0x1F000] =	vst v63  }
.LBB2_4:
0x79: {  	_ =	swait.ge [sflag:s24], $0x2000  }
0x7a: {  	[sflag:s24] =	ssyncset.done $0x0  }
0x7b: {  	[sflag:s24] =	ssyncadd.s32 $0xFFFFE000  }
0x7c: {  	_ =	swait.ge [sflag:s26], $0x2000  }
0x7d: {  	s6 =	sshra.s32 s21, $0x2;
	[sflag:s26] =	ssyncset.done $0x0  }
0x7e: {  	p3 =	seq.s32 s21, $0x0;
	s14 =	sadd.s32 $0x80, s6;
	[sflag:s26] =	ssyncadd.s32 $0xFFFFE000  }
0x7f: {  	[spmem:s2] =	stream.indirect.scatter.add.f32 [tilespmem:s23], [sflag:$0x9], $0x40, s14, s22, $0xb8;
	[tilespmem:$0x1F000] =	vst v63  }
0x80: {  	s18 =	sadd.s32 $0x180, s6;
	s14 =	simm.s32 @!p3 $0xF  }
0x81: {  	[spmem:s2] =	stream.indirect.scatter.add.f32 [tilespmem:s25], [sflag:$0xA], $0x40, s18, s22, $0xb8;
	[tilespmem:$0x1F000] =	vst v63  }
0x82: {  	_ =	swait.ge @!p3 [sflag:s14], $0x2000  }
0x83: {  	[sflag:s14] =	ssyncset.done @!p3 $0x0  }
0x84: {  	[sflag:s14] =	ssyncadd.s32 @!p3 $0xFFFFE000;
	s14 =	simm.s32 @!p3 $0x10  }
0x85: {  	_ =	swait.ge @!p3 [sflag:s14], $0x2000  }
0x86: {  	[sflag:s14] =	ssyncset.done @!p3 $0x0  }
0x87: {  	s19 =	sadd.s32 $0x600, s6;
	[sflag:s14] =	ssyncadd.s32 @!p3 $0xFFFFE000  }
0x88: {  	[tilespmem:s29], [sflag:$0x7] =	stream.indirect.gather [hbm4b:s4+s22], $0x40, s19, s22, $0xb8;
	[tilespmem:$0x1F000] =	vst v63  }
0x89: {  	s20 =	sadd.s32 $0x700, s6  }
0x8a: {  	[tilespmem:s31], [sflag:$0x8] =	stream.indirect.gather [hbm4b:s4+s22], $0x40, s20, s22, $0xb8;
	[tilespmem:$0x1F000] =	vst v63  }
0x8b: {  	_ =	swait.ge [sflag:s3], $0x2000  }
0x8c: {  	[sflag:s3] =	ssyncset.done $0x0  }
0x8d: {  	[sflag:s3] =	ssyncadd.s32 $0xFFFFE000  }
0x8e: {  	_ =	swait.ge [sflag:s5], $0x2000  }
0x8f: {  	[sflag:s5] =	ssyncset.done $0x0  }
0x90: {  	s18 =	sadd.s32 $0x280, s6;
	[sflag:s5] =	ssyncadd.s32 $0xFFFFE000  }
0x91: {  	[spmem:s2] =	stream.indirect.scatter.add.f32 [tilespmem:s28], [sflag:$0xB], $0x40, s18, s22, $0xb8;
	[tilespmem:$0x1F000] =	vst v63  }
0x92: {  	s19 =	sadd.s32 $0x380, s6  }
0x93: {  	[spmem:s2] =	stream.indirect.scatter.add.f32 [tilespmem:s30], [sflag:$0xC], $0x40, s19, s22, $0xb8;
	[tilespmem:$0x1F000] =	vst v63  }
0x94: {  	_ =	swait.ge [sflag:s7], $0x2000  }
0x95: {  	[sflag:s7] =	ssyncset.done $0x0  }
0x96: {  	[sflag:s7] =	ssyncadd.s32 $0xFFFFE000  }
0x97: {  	p3 =	seq.s32 s21, $0x12000;
	_ =	swait.ge [sflag:s8], $0x2000  }
0x98: {  	s14 =	sshra.s32 @!p3 s21, $0x2;
	s20 =	simm.s32 @!p3 $0x5000;
	[sflag:s8] =	ssyncset.done $0x0  }
0x99: {  	s18 =	simm.s32 @!p3 $0x80;
	s19 =	sadd.s32 @!p3 $0x800, s14;
	[sflag:s8] =	ssyncadd.s32 $0xFFFFE000  }
0x9a: {  	[tilespmem:s20], [sflag:$0x1] =	stream.indirect.gather @!p3 [hbm4b:s4+s18], $0x40, s19, s18, $0xb8;
	[tilespmem:$0x1F000] =	vst v63  }
0x9b: {  	s19 =	sadd.s32 @!p3 $0x900, s14;
	s20 =	simm.s32 @!p3 $0x7000  }
0x9c: {  	[tilespmem:s20], [sflag:$0x2] =	stream.indirect.gather @!p3 [hbm4b:s4+s18], $0x40, s19, s18, $0xb8;
	[tilespmem:$0x1F000] =	vst v63  }
0x9d: {  	_ =	swait.ge [sflag:s9], $0x2000  }
0x9e: {  	[sflag:s9] =	ssyncset.done $0x0  }
0x9f: {  	[sflag:s9] =	ssyncadd.s32 $0xFFFFE000  }
0xa0: {  	_ =	swait.ge [sflag:s10], $0x2000  }
0xa1: {  	[sflag:s10] =	ssyncset.done $0x0  }
0xa2: {  	s20 =	sadd.s32 $0x480, s6;
	[sflag:s10] =	ssyncadd.s32 $0xFFFFE000  }
0xa3: {  	[spmem:s2] =	stream.indirect.scatter.add.f32 [tilespmem:s0], [sflag:$0xD], $0x40, s20, s22, $0xb8;
	[tilespmem:$0x1F000] =	vst v63  }
0xa4: {  	s20 =	sadd.s32 $0x580, s6  }
0xa5: {  	[spmem:s2] =	stream.indirect.scatter.add.f32 [tilespmem:s1], [sflag:$0xE], $0x40, s20, s22, $0xb8;
	[tilespmem:$0x1F000] =	vst v63  }
0xa6: {  	_ =	swait.ge [sflag:s11], $0x2000  }
0xa7: {  	[sflag:s11] =	ssyncset.done $0x0  }
0xa8: {  	[sflag:s11] =	ssyncadd.s32 $0xFFFFE000  }
0xa9: {  	_ =	swait.ge [sflag:s12], $0x2000  }
0xaa: {  	[sflag:s12] =	ssyncset.done $0x0  }
0xab: {  	s19 =	sadd.s32 @!p3 $0xA00, s14;
	s20 =	simm.s32 @!p3 $0x9000;
	[sflag:s12] =	ssyncadd.s32 $0xFFFFE000  }
0xac: {  	[tilespmem:s20], [sflag:$0x3] =	stream.indirect.gather @!p3 [hbm4b:s4+s18], $0x40, s19, s18, $0xb8;
	[tilespmem:$0x1F000] =	vst v63  }
0xad: {  	s14 =	sadd.s32 @!p3 $0xB00, s14;
	s19 =	simm.s32 @!p3 $0xB000  }
0xae: {  	[tilespmem:s19], [sflag:$0x4] =	stream.indirect.gather @!p3 [hbm4b:s4+s18], $0x40, s14, s18, $0xb8;
	[tilespmem:$0x1F000] =	vst v63  }
0xaf: {  	_ =	swait.ge [sflag:s13], $0x2000  }
0xb0: {  	[sflag:s13] =	ssyncset.done $0x0  }
0xb1: {  	[sflag:s13] =	ssyncadd.s32 $0xFFFFE000  }
0xb2: {  	_ =	swait.ge [sflag:s15], $0x2000  }
0xb3: {  	[sflag:s15] =	ssyncset.done $0x0  }
0xb4: {  	s19 =	sadd.s32 $0x680, s6;
	[sflag:s15] =	ssyncadd.s32 $0xFFFFE000  }
0xb5: {  	[spmem:s2] =	stream.indirect.scatter.add.f32 [tilespmem:s29], [sflag:$0xF], $0x40, s19, s22, $0xb8;
	[tilespmem:$0x1F000] =	vst v63  }
0xb6: {  	s20 =	sadd.s32 $0x780, s6  }
0xb7: {  	[spmem:s2] =	stream.indirect.scatter.add.f32 [tilespmem:s31], [sflag:$0x10], $0x40, s20, s22, $0xb8;
	[tilespmem:$0x1F000] =	vst v63  }
0xb8: {  	_ =	swait.ge [sflag:s16], $0x2000  }
.Ltmp3:
0xb9: {  	[sflag:s16] =	ssyncset.done $0x0;
	(pc) =	sbr.rel @p3 .LBB2_6-.Ltmp3, $4  }
0xba: {  	[sflag:s16] =	ssyncadd.s32 $0xFFFFE000  }
0xbb: {  	_ =	swait.ge [sflag:s17], $0x2000  }
0xbc: {  	[sflag:s17] =	ssyncset.done $0x0  }
0xbd: {  	[sflag:s17] =	ssyncadd.s32 $0xFFFFE000  }
.Ltmp4:
0xbe: {  	(pc) =	sbr.rel .LBB2_4-.Ltmp4, $4  }
0xbf: {  	s14 =	sadd.s32 $0xC00, s6  }
0xc0: {  	[tilespmem:s0], [sflag:$0x5] =	stream.indirect.gather [hbm4b:s4+s22], $0x40, s14, s22, $0xb8;
	[tilespmem:$0x1F000] =	vst v63  }
0xc1: {  	s20 =	sadd.s32 $0xD00, s6;
	s21 =	sadd.s32 $0x2000, s21  }
0xc2: {  	[tilespmem:s1], [sflag:$0x6] =	stream.indirect.gather [hbm4b:s4+s22], $0x40, s20, s22, $0xb8;
	[tilespmem:$0x1F000] =	vst v63  }
.LBB2_7:
0xc3: {  	_ =	sfence.sel $0x180000  }
0xc4: {  	[bflag:$0x0] =	sbarrier.arrive $0xFFFF  }
0xc5: {  	_ =	strace $0x9000004A  }
0xc6: {  	s0 =	stileid.u32;
	[bflag:$0x2] =	sbarrier.arrive $0xFFFF  }
0xc7: {  	p0 =	sne.s32 s0, $0x0;
	s0 =	rddreg [dreg:$0x2]  }
0xc8: {  	s0 =	sadd.s32 @!p0 $0x100000, s0  }
0xc9: {  	[sflag:s0] =	ssyncadd.tile.s32 @!p0 $0x1;
	_ =	shalt  }
.Lfunc_end2:
_tile_overlayer_lowered:
.L_overlay_start_2:
0xca: {  	(tag) =	ssettag $0x2  }
0xcb: {  	s0 =	rddreg [dreg:$0x0];
	s2 =	stileid.u32  }
0xcc: {  	s1 =	rddreg [dreg:$0x1];
	p0 =	sne.s32 s2, $0x0  }
0xcd: {  	s3 =	rddreg [dreg:$0x2];
	[bflag:$0x3] =	sbarrier.arrive $0xFFFF;
	s2 =	simm.s32 @!p0 $0x1C11  }
0xce: {  	[timem:s3], [sflag:s2] =	dma.local @!p0 [hbm:s0], s1  }
0xcf: {  	s0 =	simm.s32 @!p0 $0x11  }
0xd0: {  	_ =	swait.ge @!p0 [sflag:s0], s1  }
0xd1: {  	s1 =	ssub.s32 @!p0 $0x0, s1;
	[sflag:s0] =	ssyncset.done @!p0 $0x0  }
0xd2: {  	[sflag:s0] =	ssyncadd.s32 @!p0 s1  }
0xd3: {  	[bflag:$0x3] =	sbarrier.arrive $0xFFFF  }
0xd4: {  	_ =	shalt  }

// kernel: kernel.14.cloned.1.call-start
scs
__scs_entry_jumppad:
0x0: {  	(pc) =	sbr.rel $0x88, $3  }
0x1: {  	(tag) =	ssettag $0x0;
	lr =	simm.s32 $0x1  }
0x2: {  	[smem:$0x3F95] =	sst lr;
	_ =	strace $0xD0000000  }
0x3: {  	_ = 	snop  }
0x4: {  	_ = 	snop  }
0x5: {  	_ = 	snop  }
0x6: {  	_ = 	snop  }
0x7: {  	_ = 	snop  }
__scs_overlays_trampoline_lowered:
0x8: {  	[smem:$0x3FA4] =	sst s0  }
0x9: {  	[smem:$0x3FA5] =	sst s1  }
0xa: {  	[smem:$0x3FA6] =	sst s2  }
0xb: {  	[smem:$0x3FA7] =	sst s3  }
0xc: {  	[smem:$0x3FA8] =	sst s4  }
0xd: {  	[smem:$0x3FA9] =	sst s5  }
0xe: {  	[smem:$0x3FAA] =	sst s6  }
0xf: {  	[smem:$0x3FAB] =	sst s7  }
0x10: {  	[smem:$0x3FAC] =	sst s8  }
0x11: {  	[smem:$0x3FAD] =	sst s9;
	s0 =	simm.s32 @!p0 $0x0  }
0x12: {  	s1 =	sld [smem:$0x3F93];
	s0 =	simm.s32 @p0 $0x1  }
0x13: {  	[smem:$0x3FAE] =	sst s0;
	s0 =	simm.s32 @!p1 $0x0  }
0x14: {  	s2 =	sld [smem:$0x3F92];
	s0 =	simm.s32 @p1 $0x1  }
0x15: {  	[smem:$0x3FAF] =	sst s0;
	s0 =	simm.s32 @!p2 $0x0  }
0x16: {  	s3 =	sld [smem:$0x3FDB];
	s0 =	simm.s32 @p2 $0x1  }
0x17: {  	s4 =	simm.s32 $0x1BF5;
	[smem:$0x3FB1] =	sst s0  }
0x18: {  	s0 =	sld [smem:$0x3F94];
	_ =	swait.ge [sflag:s4], $0x0  }
0x19: {  	s7 =	sld [smem:$0x3F95]  }
0x1a: {  	s8 =	sadd.s32 $0xFFFFE003, lr  }
0x1b: {  	s9 =	sadd.s32 $0xFFFFFEF7, lr;
	s5 =	simm.s32 $0xFFFFFFFF;
	p2 =	slt.u32 s8, $0xFFFFF086  }
0x1c: {  	p1 =	slt.u32 s9, $0xF7A;
	s5 =	simm.s32 @!p2 $0x0  }
0x1d: {  	s5 =	simm.s32 @p1 $0x1;
	p0 =	seq.s32 s7, s2  }
0x1e: {  	s7 =	smul.u32 @!p0 $0xF7A, s2;
	p2 =	seq.s32 @!p0 s5, $0x0  }
0x1f: {  	s9 =	smul.u32 $0xF7A, s1;
	s8 =	simm.s32 @!p0 $0x1BF5;
	p2 =	por !p2, p0  }
0x20: {  	[sflag:s8] =	ssyncset.s32 @!p0 $0xFFFFF086;
	s6 =	sadd.s32 @!p0 s3, s7;
	s7 =	simm.s32 @!p0 $0x108  }
0x21: {  	s3 =	sadd.s32 s3, s9;
	s6 =	sadd.s32 @!p0 $0x88, s6;
	s7 =	simm.s32 @p2 $0x1082  }
0x22: {  	[simem:s7], [sflag:s8] =	dma.local @!p0 [hbm:s6], $0xF7A  }
0x23: {  	s9 =	sor.u32 $0xD0000000, s2;
	s6 =	simm.s32 $0x108;
	_ =	swait.ge @!p0 [sflag:s8], $0x0  }
0x24: {  	s3 =	sadd.s32 $0x88, s3;
	s6 =	simm.s32 @!p1 $0x1082;
	[sflag:s4] =	ssyncset.s32 $0xFFFFF086  }
0x25: {  	[simem:s6], [sflag:s4] =	dma.local [hbm:s3], $0xF7A  }
0x26: {  	[smem:$0x3F95] =	sst s1;
	(tag) =	ssettag s2;
	_ =	strace s9  }
0x27: {  	s1 =	sld [smem:$0x3FA5]  }
0x28: {  	s2 =	sld [smem:$0x3FA6]  }
0x29: {  	s4 =	sld [smem:$0x3FA8]  }
0x2a: {  	p0 =	seq.s32 s5, $0x0;
	s5 =	sld [smem:$0x3FA9]  }
0x2b: {  	s6 =	sld [smem:$0x3FAA]  }
0x2c: {  	s7 =	sld [smem:$0x3FAB]  }
0x2d: {  	s3 =	simm.s32 $0x108;
	s8 =	sld [smem:$0x3FAC]  }
0x2e: {  	s3 =	simm.s32 @!p0 $0x1082;
	s9 =	sld [smem:$0x3FAD]  }
0x2f: {  	lr =	sadd.s32 s0, s3;
	s0 =	sld [smem:$0x3FA4]  }
0x30: {  	s3 =	sld [smem:$0x3FA7]  }
0x31: {  	[smem:$0x3FB0] =	sst s10  }
0x32: {  	s10 =	sld [smem:$0x3FAE];
	_ =	sdelay $0x3  }
0x33: {  	p0 =	seq.s32 s10, $0x1;
	s10 =	sld [smem:$0x3FB0];
	_ =	sdelay $0x3  }
0x34: {  	[smem:$0x3FB0] =	sst s10  }
0x35: {  	s10 =	sld [smem:$0x3FAF];
	_ =	sdelay $0x3  }
0x36: {  	p1 =	seq.s32 s10, $0x1;
	s10 =	sld [smem:$0x3FB0];
	_ =	sdelay $0x3  }
0x37: {  	[smem:$0x3FB0] =	sst s10  }
0x38: {  	s10 =	sld [smem:$0x3FB1]  }
0x39: {  	_ = 	snop;
	(pc) =	sbr.ind lr, $3  }
0x3a: {  	_ = 	snop  }
0x3b: {  	_ = 	snop  }
0x3c: {  	p2 =	seq.s32 s10, $0x1;
	s10 =	sld [smem:$0x3FB0]  }
0x3d: {  	_ =	shalt  }
0x3e: {  	_ =	shalt  }
0x3f: {  	_ =	shalt  }
0x40: {  	_ =	shalt  }
0x41: {  	_ =	shalt  }
0x42: {  	_ =	shalt  }
0x43: {  	_ =	shalt  }
0x44: {  	_ =	shalt  }
0x45: {  	_ =	shalt  }
0x46: {  	_ =	shalt  }
0x47: {  	_ =	shalt  }
0x48: {  	_ =	shalt  }
0x49: {  	_ =	shalt  }
0x4a: {  	_ =	shalt  }
0x4b: {  	_ =	shalt  }
0x4c: {  	_ =	shalt  }
0x4d: {  	_ =	shalt  }
0x4e: {  	_ =	shalt  }
0x4f: {  	_ =	shalt  }
0x50: {  	_ =	shalt  }
0x51: {  	_ =	shalt  }
0x52: {  	_ =	shalt  }
0x53: {  	_ =	shalt  }
0x54: {  	_ =	shalt  }
0x55: {  	_ =	shalt  }
0x56: {  	_ =	shalt  }
0x57: {  	_ =	shalt  }
0x58: {  	_ =	shalt  }
0x59: {  	_ =	shalt  }
0x5a: {  	_ =	shalt  }
0x5b: {  	_ =	shalt  }
0x5c: {  	_ =	shalt  }
0x5d: {  	_ =	shalt  }
0x5e: {  	_ =	shalt  }
0x5f: {  	_ =	shalt  }
0x60: {  	_ =	shalt  }
0x61: {  	_ =	shalt  }
0x62: {  	_ =	shalt  }
0x63: {  	_ =	shalt  }
0x64: {  	_ =	shalt  }
0x65: {  	_ =	shalt  }
0x66: {  	_ =	shalt  }
0x67: {  	_ =	shalt  }
0x68: {  	_ =	shalt  }
0x69: {  	_ =	shalt  }
0x6a: {  	_ =	shalt  }
0x6b: {  	_ =	shalt  }
0x6c: {  	_ =	shalt  }
0x6d: {  	_ =	shalt  }
0x6e: {  	_ =	shalt  }
0x6f: {  	_ =	shalt  }
0x70: {  	_ =	shalt  }
0x71: {  	_ =	shalt  }
0x72: {  	_ =	shalt  }
0x73: {  	_ =	shalt  }
0x74: {  	_ =	shalt  }
0x75: {  	_ =	shalt  }
0x76: {  	_ =	shalt  }
0x77: {  	_ =	shalt  }
0x78: {  	_ =	shalt  }
0x79: {  	_ =	shalt  }
0x7a: {  	_ =	shalt  }
0x7b: {  	_ =	shalt  }
0x7c: {  	_ =	shalt  }
0x7d: {  	_ =	shalt  }
0x7e: {  	_ =	shalt  }
0x7f: {  	_ =	shalt  }
0x80: {  	_ =	shalt  }
0x81: {  	_ =	shalt  }
0x82: {  	_ =	shalt  }
0x83: {  	_ =	shalt  }
0x84: {  	_ =	shalt  }
0x85: {  	_ =	shalt  }
0x86: {  	_ =	shalt  }
0x87: {  	_ =	shalt  }
.Lfunc_end0:
.L_simem_size_0:
called_computation.2_lowered:
.L_overlay_start_0:
0x88: {  	s2 =	sld [smem:$0x3FD9]  }
0x89: {  	s3 =	sld [smem:$0x3FFE];
	_ =	sdelay $0x1  }
0x8a: {  	s1 =	srdreg.scid  }
0x8b: {  	s0 =	sand.u32 $0x1, s1  }
0x8c: {  	s16 =	sshll.u32 s0, $0xA;
	s2 =	sadd.s32 s3, s2  }
0x8d: {  	s2 =	sadd.s32 s2, s16  }
0x8e: {  	[smem:$0x3FBC] =	sst s2  }
0x8f: {  	_ = 	snop  }
0x90: {  	(tm) =	ssettm $0x1  }
0x91: {  	s17 =	sld [smem:$0x3FFB];
	_ =	sdelay $0x3  }
0x92: {  	_ =	strace s17  }
0x93: {  	s2 =	sld [smem:$0x3FFC];
	_ =	sdelay $0x3  }
0x94: {  	_ =	strace s2  }
0x95: {  	s2 =	sld [smem:$0x3FFD];
	_ =	sdelay $0x3  }
0x96: {  	_ =	strace s2  }
0x97: {  	_ =	strace $0x8FFFFFFF  }
0x98: {  	s18 =	sld [smem:$0x3FDB];
	_ =	sdelay $0x1  }
0x99: {  	s19 =	simm.s32 $_scs_section_size  }
0x9a: {  	s4 =	simm.s32 $_size__tile_overlayer_lowered;
	s5 =	simm.s32 $_tile_overlayer_lowered  }
0x9b: {  	s22 =	simm.s32 $0x1BFF;
	s21 =	sshll.u32 s5, $0x1;
	s2 =	sadd.s32 s19, s18  }
0x9c: {  	s6 =	simm.s32 $0x0;
	s20 =	sshll.u32 s4, $0x1;
	s4 =	sadd.s32 s21, s2  }
0x9d: {  	[timem:s6], [sflag:s22] =	dma.local [hbm:s4], s20  }
0x9e: {  	_ =	swait.ge [sflag:s22], s20  }
0x9f: {  	s3 =	ssub.s32 $0x0, s20;
	[sflag:s22] =	ssyncset.done $0x0  }
0xa0: {  	[sflag:s22] =	ssyncadd.s32 s3;
	_ =	sdelay $0x1  }
0xa1: {  	s23 =	simm.s32 $0x1B8B  }
0xa2: {  	_ =	swait.ge [sflag:s23], $0x1  }
0xa3: {  	[sflag:s23] =	ssyncset.done $0x0  }
0xa4: {  	s25 =	simm.s32 $0x1B8E;
	s24 =	sld [smem:$0x3FFE];
	[sflag:s23] =	ssyncadd.s32 $0xFFFFFFFF  }
0xa5: {  	s26 =	simm.s32 $execute0_lowered;
	[smem:$0x3FD2] =	sst s25  }
0xa6: {  	s4 =	sshll.u32 s26, $0x1;
	_ =	strace $0x8000004C;
	[dreg:$0x1] =	wrdreg $0xFFFFFFFF  }
0xa7: {  	s28 =	simm.s32 $_size_execute0_lowered;
	s2 =	sadd.s32 s2, s4;
	[dreg:$0x0] =	wrdreg $0x0  }
0xa8: {  	s4 =	sshll.u32 s28, $0x1;
	[dreg:$0x2] =	wrdreg s2  }
0xa9: {  	[dreg:$0x3] =	wrdreg s4  }
0xaa: {  	[dreg:$0x4] =	wrdreg $0xC0  }
0xab: {  	_ =	task [dreg:s6], $0x5FFFF  }
0xac: {  	[dreg:$0x1] =	wrdreg $0xFFFFFFFF  }
0xad: {  	[dreg:$0x0] =	wrdreg $0x60  }
0xae: {  	[dreg:$0x2] =	wrdreg s24  }
0xaf: {  	[dreg:$0x3] =	wrdreg $0x150000  }
0xb0: {  	[dreg:$0x4] =	wrdreg $0x9  }
0xb1: {  	_ =	task.clear_ibuf [dreg:s6], $0x5FFFF;
	_ =	strace $0x9000004C  }
0xb2: {  	s29 =	simm.s32 $0x9;
	_ =	strace $0x8000004E  }
0xb3: {  	_ =	swait.ge [sflag:s29], $0x1  }
0xb4: {  	[sflag:s29] =	ssyncadd.s32 $0xFFFFFFFF  }
0xb5: {  	_ =	strace $0x9000004E  }
0xb6: {  	_ =	sfence  }
0xb7: {  	s30 =	sld [smem:$0x0];
	_ =	sdelay $0x2  }
0xb8: {  	s31 =	sshll.u32 s1, $0xD;
	s1 =	sshrl.u32 s1, $0x2  }
0xb9: {  	s3 =	sand.u32 $0x4000, s31;
	s1 =	sadd.s32 s1, s30  }
0xba: {  	s0 =	sor.u32 s3, s0;
	s1 =	sshll.u32 s1, $0x11  }
0xbb: {  	s0 =	sor.u32 s1, s0  }
0xbc: {  	s0 =	sadd.s32 $0x8F2B, s0  }
0xbd: {  	[sflag:s0] =	ssyncadd.remote.s32 $0x1  }
0xbe: {  	_ =	sfence.sel $0xFFFF  }
0xbf: {  	[dreg:$0x0] =	wrdreg $0xFFFFFFFF;
	(pc) =	sbr.abs _section_cstart, $3  }
0xc0: {  	[dreg:$0x1] =	wrdreg $0xFFFFFFFF  }
0xc1: {  	_ =	task.clear_ibuf [dreg:s6], $0x2FFFF;
	_ =	strace $0x9FFFFFFF  }
0xc2: {  	(tm) =	ssettm $0x7FFFFFFF  }
0xc3: {  	_ =	shalt  }
tec
execute0_lowered:
.L_overlay_start_1:
0x0: {  	(tag) =	ssettag $0x1  }
0x1: {  	s0 =	rddreg [dreg:$0x0]  }
0x2: {  	s2 =	rddreg [dreg:$0x1];
	s1 =	srdreg.scid  }
0x3: {  	s9 =	stileid.u32;
	s6 =	simm.s32 $0x0;
	s28 =	simm.s32 $0x9000  }
0x4: {  	s30 =	simm.s32 $0xB000;
	s29 =	simm.s32 $0x11000;
	s31 =	simm.s32 $0x13000  }
0x5: {  	s10 =	simm.s32 $0x6;
	s11 =	simm.s32 $0xB;
	s12 =	simm.s32 $0xC  }
0x6: {  	s13 =	simm.s32 $0x7;
	s15 =	simm.s32 $0x8;
	s16 =	simm.s32 $0xD  }
0x7: {  	s14 =	simm.s32 $0x0;
	s1 =	sand.u32 $0x1, s1;
	s3 =	smul.u32 $0xA000, s9  }
0x8: {  	[smem:$0x7FF] =	sst s6;
	s18 =	smul.u32 $0x28000, s9;
	p1 =	sne.s32 s9, $0xF  }
0x9: {  	p2 =	seq.s32 s9, $0xF;
	s22 =	sadd.s32 $0x9C400, s2;
	s23 =	sadd.s32 $0x9E400, s2  }
0xa: {  	s4 =	sshll.u32 s1, $0x4;
	s5 =	smul.u32 $0xA0000, s1;
	_ =	strace $0x8000004D  }
0xb: {  	s7 =	ssub.s32 $0x2, s1;
	p0 =	seq.s32 s1, $0x0;
	[dreg:$0xa] =	wrdreg s22  }
0xc: {  	[dreg:$0xb] =	wrdreg s23;
	s22 =	simm.s32 $0x80;
	s23 =	simm.s32 $0x5000  }
0xd: {  	s4 =	sor.u32 s9, s4;
	s8 =	sshrl.u32 s7, $0x1;
	p1 =	por !p0, !p1  }
0xe: {  	p2 =	por !p0, !p2;
	s24 =	sshrl.u32 s3, $0x3;
	s17 =	smul.u32 $0xA00, s4  }
0xf: {  	s5 =	sadd.s32 s3, s5;
	s4 =	sadd.s32 $0x2200, s0;
	s7 =	ssub.s32 s7, s8  }
0x10: {  	p0 =	por !p1, !p1;
	p1 =	por !p2, !p2;
	s3 =	sadd.s32 s3, s2  }
0x11: {  	s8 =	simm.s32 $0xA;
	s5 =	sshrl.u32 s5, $0x3;
	p2 =	por p1, p0  }
0x12: {  	s26 =	smax.u32 s7, $0x1;
	[dreg:$0xc] =	wrdreg s3;
	s7 =	simm.s32 $0x9  }
0x13: {  	s6 =	sadd.s32 s17, s0;
	s5 =	sadd.s32 s5, s0;
	s0 =	sadd.s32 $0x14E00, s0  }
0x14: {  	[dreg:$0xf] =	wrdreg s26;
	p2 =	seq.s32 @!p2 s1, $0x0;
	s1 =	simm.s32 $0xF000  }
0x15: {  	s26 =	simm.s32 $0x2;
	s17 =	simm.s32 $0xE;
	s6 =	sadd.s32 $0x2A200, s6  }
0x16: {  	[dreg:$0x9] =	wrdreg s0;
	s0 =	sadd.s32 s4, s24;
	s25 =	sadd.s32 $0x3E200, s5  }
0x17: {  	p2 =	por @!p0 p2, p1;
	p1 =	por !p1, p0;
	[dreg:$0x3] =	wrdreg s6  }
0x18: {  	s24 =	simm.s32 $0x1;
	s6 =	sshrl.u32 s18, $0x2;
	[dreg:$0xd] =	wrdreg s0  }
0x19: {  	s5 =	simm.s32 $0x4;
	[dreg:$0xe] =	wrdreg s25;
	s6 =	sadd.s32 s6, s2  }
0x1a: {  	s19 =	sadd.s32 $0x2000, s6;
	s20 =	sadd.s32 $0x4000, s6;
	[dreg:$0x4] =	wrdreg s6  }
0x1b: {  	s21 =	sadd.s32 $0x6000, s6;
	s6 =	sadd.s32 $0x8000, s6;
	[dreg:$0x5] =	wrdreg s19  }
0x1c: {  	s18 =	simm.s32 $0x11;
	[dreg:$0x8] =	wrdreg s6;
	s6 =	sadd.s32 $0x96000, s2  }
.Ltmp0:
0x1d: {  	[dreg:$0x6] =	wrdreg s20;
	s0 =	sshrl.u32 @!p1 s6, $0x3;
	(pc) =	sbr.rel .LBB2_1-.Ltmp0, $4  }
0x1e: {  	p2 =	por p2, p0;
	[dreg:$0x10] =	wrdreg s0;
	s0 =	sshll.u32 @p0 s9, $0x6  }
0x1f: {  	s25 =	simm.s32 $0x7000;
	[dreg:$0x7] =	wrdreg s21;
	s0 =	sor.u32 @p0 $0x1C11, s0  }
0x20: {  	s9 =	simm.s32 $0x5;
	[dreg:$0x11] =	wrdreg s0;
	s0 =	sshrl.u32 @p0 s3, $0x3  }
0x21: {  	v0 =	vimm.f32 $0.0e+00;
	s3 =	simm.s32 $0x3;
	[dreg:$0x12] =	wrdreg s0;
	s0 =	simm.s32 $0xD000  }
.LBB2_6:
0x22: {  	s6 =	simm.s32 $0xF  }
0x23: {  	_ =	swait.ge [sflag:s6], $0x2000  }
0x24: {  	[sflag:s6] =	ssyncset.done $0x0  }
0x25: {  	s18 =	simm.s32 $0x10;
	[sflag:s6] =	ssyncadd.s32 $0xFFFFE000  }
0x26: {  	_ =	swait.ge [sflag:s18], $0x2000  }
0x27: {  	[sflag:s18] =	ssyncset.done $0x0  }
0x28: {  	[sflag:s18] =	ssyncadd.s32 $0xFFFFE000  }
0x29: {  	s19 =	stileid.u32;
	[bflag:$0x0] =	sbarrier.arrive $0xFFFF  }
0x2a: {  	s6 =	sshll.u32 s19, $0x6;
	s14 =	rddreg [dreg:$0xc]  }
0x2b: {  	s6 =	sor.u32 $0x1C11, s6;
	s18 =	rddreg [dreg:$0xe];
	s14 =	sshrl.u32 s14, $0x3  }
0x2c: {  	[hbm:s18], [sflag:s6] =	dma.local [spmem:s14], $0x1400  }
0x2d: {  	s18 =	simm.s32 $0x11  }
0x2e: {  	_ =	swait.ge [sflag:s18], $0x1400  }
0x2f: {  	s20 =	rddreg [dreg:$0x13]  }
0x30: {  	s21 =	rddreg [dreg:$0xf];
	s14 =	sadd.s32 $0x1, s20  }
0x31: {  	p3 =	sne.s32 s14, s21  }
.Ltmp1:
0x32: {  	_ = 	snop;
	(pc) =	sbr.rel @!p3 .LBB2_7-.Ltmp1, $3  }
0x33: {  	_ =	sdelay $0x1  }
0x34: {  	[sflag:s18] =	ssyncset.done $0x0  }
0x35: {  	[sflag:s18] =	ssyncadd.s32 $0xFFFFEC00  }
.LBB2_1:
0x36: {  	[dreg:$0x13] =	wrdreg s14  }
0x37: {  	s6 =	simm.s32 $0x0;
	s21 =	rddreg [dreg:$0x3]  }
0x38: {  	[tilespmem:s6], [sflag:$0x11] =	stream.linear.gather [hbm4b:s21+s6], $0x5000, $0x38;
	[tilespmem:$0x1F000] =	vst v63  }
0x39: {  	_ =	swait.ge [sflag:s18], $0x5000  }
0x3a: {  	[sflag:s18] =	ssyncset.done $0x0  }
0x3b: {  	s21 =	simm.s32 $0x100;
	s6 =	simm.s32 $0x0;
	[sflag:s18] =	ssyncadd.s32 $0xFFFFB000  }
.LBB2_2:
0x3c: {  	p3 =	sne.s32 s21, $0x7F00;
	[tilespmem:s6+$0x5030] =	vst v0;
	s14 =	smov.u32 s21;
	s21 =	sadd.s32 $0x100, s21  }
.Ltmp2:
0x3d: {  	[tilespmem:s6+$0x5020] =	vst v0;
	(pc) =	sbr.rel @p3 .LBB2_2-.Ltmp2, $3  }
0x3e: {  	[tilespmem:s6+$0x5000] =	vst v0  }
0x3f: {  	[tilespmem:s6+$0x5010] =	vst v0;
	_ =	sdelay $0x1  }
0x40: {  	s6 =	sshra.s32 s14, $0x2  }
0x41: {  	[tilespmem:s6+$0x5030] =	vst v0  }
0x42: {  	[tilespmem:s6+$0x5020] =	vst v0  }
0x43: {  	[tilespmem:s6+$0x5000] =	vst v0  }
0x44: {  	[tilespmem:s6+$0x5010] =	vst v0;
	s6 =	simm.s32 @!p2 $0x5000;
	s14 =	rddreg [dreg:$0x4]  }
0x45: {  	[spmem:s14] =	stream.linear.scatter @!p2 [tilespmem:s6], [sflag:$0x11], $0x2000, $0x38;
	[tilespmem:$0x1F000] =	vst v63  }
0x46: {  	s14 =	simm.s32 @!p2 $0x11  }
0x47: {  	_ =	swait.ge @!p2 [sflag:s14], $0x2000  }
0x48: {  	[sflag:s14] =	ssyncset.done @!p2 $0x0  }
0x49: {  	s18 =	rddreg [dreg:$0x5];
	[sflag:s14] =	ssyncadd.s32 @!p2 $0xFFFFE000  }
0x4a: {  	[spmem:s18] =	stream.linear.scatter @!p2 [tilespmem:s6], [sflag:$0x11], $0x2000, $0x38;
	[tilespmem:$0x1F000] =	vst v63  }
0x4b: {  	_ =	swait.ge @!p2 [sflag:s14], $0x2000  }
0x4c: {  	[sflag:s14] =	ssyncset.done @!p2 $0x0  }
0x4d: {  	s18 =	rddreg [dreg:$0x6];
	[sflag:s14] =	ssyncadd.s32 @!p2 $0xFFFFE000  }
0x4e: {  	[spmem:s18] =	stream.linear.scatter @!p2 [tilespmem:s6], [sflag:$0x11], $0x2000, $0x38;
	[tilespmem:$0x1F000] =	vst v63  }
0x4f: {  	_ =	swait.ge @!p2 [sflag:s14], $0x2000  }
0x50: {  	[sflag:s14] =	ssyncset.done @!p2 $0x0  }
0x51: {  	s18 =	rddreg [dreg:$0x7];
	[sflag:s14] =	ssyncadd.s32 @!p2 $0xFFFFE000  }
0x52: {  	[spmem:s18] =	stream.linear.scatter @!p2 [tilespmem:s6], [sflag:$0x11], $0x2000, $0x38;
	[tilespmem:$0x1F000] =	vst v63  }
0x53: {  	_ =	swait.ge @!p2 [sflag:s14], $0x2000  }
0x54: {  	[sflag:s14] =	ssyncset.done @!p2 $0x0  }
0x55: {  	s18 =	rddreg [dreg:$0x8];
	[sflag:s14] =	ssyncadd.s32 @!p2 $0xFFFFE000  }
0x56: {  	[spmem:s18] =	stream.linear.scatter @!p2 [tilespmem:s6], [sflag:$0x11], $0x2000, $0x38;
	[tilespmem:$0x1F000] =	vst v63  }
0x57: {  	_ =	swait.ge @!p2 [sflag:s14], $0x2000  }
0x58: {  	[sflag:s14] =	ssyncset.done @!p2 $0x0;
	s18 =	rddreg [dreg:$0x10]  }
0x59: {  	s6 =	simm.s32 @!p1 $0x1FD1;
	[sflag:s14] =	ssyncadd.s32 @!p2 $0xFFFFE000;
	s14 =	rddreg [dreg:$0x9]  }
0x5a: {  	[spmem:s18], [sflag:s6] =	dma.local @!p1 [hbm:s14], $0xC80  }
0x5b: {  	s6 =	simm.s32 @!p1 $0x11  }
0x5c: {  	_ =	swait.ge @!p1 [sflag:s6], $0xC80  }
0x5d: {  	[sflag:s6] =	ssyncset.done @!p1 $0x0  }
0x5e: {  	s14 =	simm.s32 @!p1 $0x5000;
	s18 =	rddreg [dreg:$0xa];
	[sflag:s6] =	ssyncadd.s32 @!p1 $0xFFFFF380  }
0x5f: {  	[spmem:s18] =	stream.linear.scatter @!p1 [tilespmem:s14], [sflag:$0x11], $0x2000, $0x38;
	[tilespmem:$0x1F000] =	vst v63  }
0x60: {  	_ =	swait.ge @!p1 [sflag:s6], $0x2000  }
0x61: {  	[sflag:s6] =	ssyncset.done @!p1 $0x0  }
0x62: {  	s18 =	rddreg [dreg:$0xb];
	[sflag:s6] =	ssyncadd.s32 @!p1 $0xFFFFE000  }
0x63: {  	[spmem:s18] =	stream.linear.scatter @!p1 [tilespmem:s14], [sflag:$0x11], $0x1C00, $0x38;
	[tilespmem:$0x1F000] =	vst v63  }
0x64: {  	_ =	swait.ge @!p1 [sflag:s6], $0x1C00  }
0x65: {  	s14 =	rddreg [dreg:$0x11]  }
0x66: {  	[sflag:s6] =	ssyncset.done @!p1 $0x0;
	s18 =	rddreg [dreg:$0x12]  }
0x67: {  	[sflag:s6] =	ssyncadd.s32 @!p1 $0xFFFFE400;
	s6 =	rddreg [dreg:$0xd]  }
0x68: {  	[spmem:s18], [sflag:s14] =	dma.local @p0 [hbm:s6], $0x1400  }
0x69: {  	s6 =	simm.s32 @p0 $0x11  }
0x6a: {  	_ =	swait.ge @p0 [sflag:s6], $0x1400  }
0x6b: {  	[sflag:s6] =	ssyncset.done @p0 $0x0  }
0x6c: {  	[sflag:s6] =	ssyncadd.s32 @p0 $0xFFFFEC00  }
0x6d: {  	s21 =	simm.s32 $0x0;
	[bflag:$0x0] =	sbarrier.arrive $0xFFFF  }
0x6e: {  	[tilespmem:s23], [sflag:$0x1] =	stream.indirect.gather [hbm4b:s4+s22], $0x40, s21, s22, $0xb8;
	[tilespmem:$0x1F000] =	vst v63  }
0x6f: {  	s20 =	simm.s32 $0x100  }
0x70: {  	[tilespmem:s25], [sflag:$0x2] =	stream.indirect.gather [hbm4b:s4+s22], $0x40, s20, s22, $0xb8;
	[tilespmem:$0x1F000] =	vst v63  }
0x71: {  	s14 =	simm.s32 $0x200  }
0x72: {  	[tilespmem:s28], [sflag:$0x3] =	stream.indirect.gather [hbm4b:s4+s22], $0x40, s14, s22, $0xb8;
	[tilespmem:$0x1F000] =	vst v63  }
0x73: {  	s18 =	simm.s32 $0x300  }
0x74: {  	[tilespmem:s30], [sflag:$0x4] =	stream.indirect.gather [hbm4b:s4+s22], $0x40, s18, s22, $0xb8;
	[tilespmem:$0x1F000] =	vst v63  }
0x75: {  	s19 =	simm.s32 $0x400  }
0x76: {  	[tilespmem:s0], [sflag:$0x5] =	stream.indirect.gather [hbm4b:s4+s22], $0x40, s19, s22, $0xb8;
	[tilespmem:$0x1F000] =	vst v63  }
0x77: {  	s20 =	simm.s32 $0x500  }
0x78: {  	[tilespmem:s1], [sflag:$0x6] =	stream.indirect.gather [hbm4b:s4+s22], $0x40, s20, s22, $0xb8;
	[tilespmem:$0x1F000] =	vst v63  }
.LBB2_4:
0x79: {  	_ =	swait.ge [sflag:s24], $0x2000  }
0x7a: {  	[sflag:s24] =	ssyncset.done $0x0  }
0x7b: {  	[sflag:s24] =	ssyncadd.s32 $0xFFFFE000  }
0x7c: {  	_ =	swait.ge [sflag:s26], $0x2000  }
0x7d: {  	s6 =	sshra.s32 s21, $0x2;
	[sflag:s26] =	ssyncset.done $0x0  }
0x7e: {  	p3 =	seq.s32 s21, $0x0;
	s14 =	sadd.s32 $0x80, s6;
	[sflag:s26] =	ssyncadd.s32 $0xFFFFE000  }
0x7f: {  	[spmem:s2] =	stream.indirect.scatter.add.f32 [tilespmem:s23], [sflag:$0x9], $0x40, s14, s22, $0xb8;
	[tilespmem:$0x1F000] =	vst v63  }
0x80: {  	s18 =	sadd.s32 $0x180, s6;
	s14 =	simm.s32 @!p3 $0xF  }
0x81: {  	[spmem:s2] =	stream.indirect.scatter.add.f32 [tilespmem:s25], [sflag:$0xA], $0x40, s18, s22, $0xb8;
	[tilespmem:$0x1F000] =	vst v63  }
0x82: {  	_ =	swait.ge @!p3 [sflag:s14], $0x2000  }
0x83: {  	[sflag:s14] =	ssyncset.done @!p3 $0x0  }
0x84: {  	[sflag:s14] =	ssyncadd.s32 @!p3 $0xFFFFE000;
	s14 =	simm.s32 @!p3 $0x10  }
0x85: {  	_ =	swait.ge @!p3 [sflag:s14], $0x2000  }
0x86: {  	[sflag:s14] =	ssyncset.done @!p3 $0x0  }
0x87: {  	s19 =	sadd.s32 $0x600, s6;
	[sflag:s14] =	ssyncadd.s32 @!p3 $0xFFFFE000  }
0x88: {  	[tilespmem:s29], [sflag:$0x7] =	stream.indirect.gather [hbm4b:s4+s22], $0x40, s19, s22, $0xb8;
	[tilespmem:$0x1F000] =	vst v63  }
0x89: {  	s20 =	sadd.s32 $0x700, s6  }
0x8a: {  	[tilespmem:s31], [sflag:$0x8] =	stream.indirect.gather [hbm4b:s4+s22], $0x40, s20, s22, $0xb8;
	[tilespmem:$0x1F000] =	vst v63  }
0x8b: {  	_ =	swait.ge [sflag:s3], $0x2000  }
0x8c: {  	[sflag:s3] =	ssyncset.done $0x0  }
0x8d: {  	[sflag:s3] =	ssyncadd.s32 $0xFFFFE000  }
0x8e: {  	_ =	swait.ge [sflag:s5], $0x2000  }
0x8f: {  	[sflag:s5] =	ssyncset.done $0x0  }
0x90: {  	s18 =	sadd.s32 $0x280, s6;
	[sflag:s5] =	ssyncadd.s32 $0xFFFFE000  }
0x91: {  	[spmem:s2] =	stream.indirect.scatter.add.f32 [tilespmem:s28], [sflag:$0xB], $0x40, s18, s22, $0xb8;
	[tilespmem:$0x1F000] =	vst v63  }
0x92: {  	s19 =	sadd.s32 $0x380, s6  }
0x93: {  	[spmem:s2] =	stream.indirect.scatter.add.f32 [tilespmem:s30], [sflag:$0xC], $0x40, s19, s22, $0xb8;
	[tilespmem:$0x1F000] =	vst v63  }
0x94: {  	_ =	swait.ge [sflag:s7], $0x2000  }
0x95: {  	[sflag:s7] =	ssyncset.done $0x0  }
0x96: {  	[sflag:s7] =	ssyncadd.s32 $0xFFFFE000  }
0x97: {  	p3 =	seq.s32 s21, $0x12000;
	_ =	swait.ge [sflag:s8], $0x2000  }
0x98: {  	s14 =	sshra.s32 @!p3 s21, $0x2;
	s20 =	simm.s32 @!p3 $0x5000;
	[sflag:s8] =	ssyncset.done $0x0  }
0x99: {  	s18 =	simm.s32 @!p3 $0x80;
	s19 =	sadd.s32 @!p3 $0x800, s14;
	[sflag:s8] =	ssyncadd.s32 $0xFFFFE000  }
0x9a: {  	[tilespmem:s20], [sflag:$0x1] =	stream.indirect.gather @!p3 [hbm4b:s4+s18], $0x40, s19, s18, $0xb8;
	[tilespmem:$0x1F000] =	vst v63  }
0x9b: {  	s19 =	sadd.s32 @!p3 $0x900, s14;
	s20 =	simm.s32 @!p3 $0x7000  }
0x9c: {  	[tilespmem:s20], [sflag:$0x2] =	stream.indirect.gather @!p3 [hbm4b:s4+s18], $0x40, s19, s18, $0xb8;
	[tilespmem:$0x1F000] =	vst v63  }
0x9d: {  	_ =	swait.ge [sflag:s9], $0x2000  }
0x9e: {  	[sflag:s9] =	ssyncset.done $0x0  }
0x9f: {  	[sflag:s9] =	ssyncadd.s32 $0xFFFFE000  }
0xa0: {  	_ =	swait.ge [sflag:s10], $0x2000  }
0xa1: {  	[sflag:s10] =	ssyncset.done $0x0  }
0xa2: {  	s20 =	sadd.s32 $0x480, s6;
	[sflag:s10] =	ssyncadd.s32 $0xFFFFE000  }
0xa3: {  	[spmem:s2] =	stream.indirect.scatter.add.f32 [tilespmem:s0], [sflag:$0xD], $0x40, s20, s22, $0xb8;
	[tilespmem:$0x1F000] =	vst v63  }
0xa4: {  	s20 =	sadd.s32 $0x580, s6  }
0xa5: {  	[spmem:s2] =	stream.indirect.scatter.add.f32 [tilespmem:s1], [sflag:$0xE], $0x40, s20, s22, $0xb8;
	[tilespmem:$0x1F000] =	vst v63  }
0xa6: {  	_ =	swait.ge [sflag:s11], $0x2000  }
0xa7: {  	[sflag:s11] =	ssyncset.done $0x0  }
0xa8: {  	[sflag:s11] =	ssyncadd.s32 $0xFFFFE000  }
0xa9: {  	_ =	swait.ge [sflag:s12], $0x2000  }
0xaa: {  	[sflag:s12] =	ssyncset.done $0x0  }
0xab: {  	s19 =	sadd.s32 @!p3 $0xA00, s14;
	s20 =	simm.s32 @!p3 $0x9000;
	[sflag:s12] =	ssyncadd.s32 $0xFFFFE000  }
0xac: {  	[tilespmem:s20], [sflag:$0x3] =	stream.indirect.gather @!p3 [hbm4b:s4+s18], $0x40, s19, s18, $0xb8;
	[tilespmem:$0x1F000] =	vst v63  }
0xad: {  	s14 =	sadd.s32 @!p3 $0xB00, s14;
	s19 =	simm.s32 @!p3 $0xB000  }
0xae: {  	[tilespmem:s19], [sflag:$0x4] =	stream.indirect.gather @!p3 [hbm4b:s4+s18], $0x40, s14, s18, $0xb8;
	[tilespmem:$0x1F000] =	vst v63  }
0xaf: {  	_ =	swait.ge [sflag:s13], $0x2000  }
0xb0: {  	[sflag:s13] =	ssyncset.done $0x0  }
0xb1: {  	[sflag:s13] =	ssyncadd.s32 $0xFFFFE000  }
0xb2: {  	_ =	swait.ge [sflag:s15], $0x2000  }
0xb3: {  	[sflag:s15] =	ssyncset.done $0x0  }
0xb4: {  	s19 =	sadd.s32 $0x680, s6;
	[sflag:s15] =	ssyncadd.s32 $0xFFFFE000  }
0xb5: {  	[spmem:s2] =	stream.indirect.scatter.add.f32 [tilespmem:s29], [sflag:$0xF], $0x40, s19, s22, $0xb8;
	[tilespmem:$0x1F000] =	vst v63  }
0xb6: {  	s20 =	sadd.s32 $0x780, s6  }
0xb7: {  	[spmem:s2] =	stream.indirect.scatter.add.f32 [tilespmem:s31], [sflag:$0x10], $0x40, s20, s22, $0xb8;
	[tilespmem:$0x1F000] =	vst v63  }
0xb8: {  	_ =	swait.ge [sflag:s16], $0x2000  }
.Ltmp3:
0xb9: {  	[sflag:s16] =	ssyncset.done $0x0;
	(pc) =	sbr.rel @p3 .LBB2_6-.Ltmp3, $4  }
0xba: {  	[sflag:s16] =	ssyncadd.s32 $0xFFFFE000  }
0xbb: {  	_ =	swait.ge [sflag:s17], $0x2000  }
0xbc: {  	[sflag:s17] =	ssyncset.done $0x0  }
0xbd: {  	[sflag:s17] =	ssyncadd.s32 $0xFFFFE000  }
.Ltmp4:
0xbe: {  	(pc) =	sbr.rel .LBB2_4-.Ltmp4, $4  }
0xbf: {  	s14 =	sadd.s32 $0xC00, s6  }
0xc0: {  	[tilespmem:s0], [sflag:$0x5] =	stream.indirect.gather [hbm4b:s4+s22], $0x40, s14, s22, $0xb8;
	[tilespmem:$0x1F000] =	vst v63  }
0xc1: {  	s20 =	sadd.s32 $0xD00, s6;
	s21 =	sadd.s32 $0x2000, s21  }
0xc2: {  	[tilespmem:s1], [sflag:$0x6] =	stream.indirect.gather [hbm4b:s4+s22], $0x40, s20, s22, $0xb8;
	[tilespmem:$0x1F000] =	vst v63  }
.LBB2_7:
0xc3: {  	_ =	sfence.sel $0x180000  }
0xc4: {  	[bflag:$0x0] =	sbarrier.arrive $0xFFFF  }
0xc5: {  	_ =	strace $0x9000004D  }
0xc6: {  	s0 =	stileid.u32;
	[bflag:$0x2] =	sbarrier.arrive $0xFFFF  }
0xc7: {  	p0 =	sne.s32 s0, $0x0;
	s0 =	rddreg [dreg:$0x2]  }
0xc8: {  	s0 =	sadd.s32 @!p0 $0x100000, s0  }
0xc9: {  	[sflag:s0] =	ssyncadd.tile.s32 @!p0 $0x1;
	_ =	shalt  }
.Lfunc_end2:
_tile_overlayer_lowered:
.L_overlay_start_2:
0xca: {  	(tag) =	ssettag $0x2  }
0xcb: {  	s0 =	rddreg [dreg:$0x0];
	s2 =	stileid.u32  }
0xcc: {  	s1 =	rddreg [dreg:$0x1];
	p0 =	sne.s32 s2, $0x0  }
0xcd: {  	s3 =	rddreg [dreg:$0x2];
	[bflag:$0x3] =	sbarrier.arrive $0xFFFF;
	s2 =	simm.s32 @!p0 $0x1C11  }
0xce: {  	[timem:s3], [sflag:s2] =	dma.local @!p0 [hbm:s0], s1  }
0xcf: {  	s0 =	simm.s32 @!p0 $0x11  }
0xd0: {  	_ =	swait.ge @!p0 [sflag:s0], s1  }
0xd1: {  	s1 =	ssub.s32 @!p0 $0x0, s1;
	[sflag:s0] =	ssyncset.done @!p0 $0x0  }
0xd2: {  	[sflag:s0] =	ssyncadd.s32 @!p0 s1  }
0xd3: {  	[bflag:$0x3] =	sbarrier.arrive $0xFFFF  }
0xd4: {  	_ =	shalt  }

// kernel: kernel.8.cloned.1.call-start
scs
__scs_entry_jumppad:
0x0: {  	(pc) =	sbr.rel $0x88, $3  }
0x1: {  	(tag) =	ssettag $0x0;
	lr =	simm.s32 $0x1  }
0x2: {  	[smem:$0x3F95] =	sst lr;
	_ =	strace $0xD0000000  }
0x3: {  	_ = 	snop  }
0x4: {  	_ = 	snop  }
0x5: {  	_ = 	snop  }
0x6: {  	_ = 	snop  }
0x7: {  	_ = 	snop  }
__scs_overlays_trampoline_lowered:
0x8: {  	[smem:$0x3FA4] =	sst s0  }
0x9: {  	[smem:$0x3FA5] =	sst s1  }
0xa: {  	[smem:$0x3FA6] =	sst s2  }
0xb: {  	[smem:$0x3FA7] =	sst s3  }
0xc: {  	[smem:$0x3FA8] =	sst s4  }
0xd: {  	[smem:$0x3FA9] =	sst s5  }
0xe: {  	[smem:$0x3FAA] =	sst s6  }
0xf: {  	[smem:$0x3FAB] =	sst s7  }
0x10: {  	[smem:$0x3FAC] =	sst s8  }
0x11: {  	[smem:$0x3FAD] =	sst s9;
	s0 =	simm.s32 @!p0 $0x0  }
0x12: {  	s1 =	sld [smem:$0x3F93];
	s0 =	simm.s32 @p0 $0x1  }
0x13: {  	[smem:$0x3FAE] =	sst s0;
	s0 =	simm.s32 @!p1 $0x0  }
0x14: {  	s2 =	sld [smem:$0x3F92];
	s0 =	simm.s32 @p1 $0x1  }
0x15: {  	[smem:$0x3FAF] =	sst s0;
	s0 =	simm.s32 @!p2 $0x0  }
0x16: {  	s3 =	sld [smem:$0x3FDB];
	s0 =	simm.s32 @p2 $0x1  }
0x17: {  	s4 =	simm.s32 $0x1BF5;
	[smem:$0x3FB1] =	sst s0  }
0x18: {  	s0 =	sld [smem:$0x3F94];
	_ =	swait.ge [sflag:s4], $0x0  }
0x19: {  	s7 =	sld [smem:$0x3F95]  }
0x1a: {  	s8 =	sadd.s32 $0xFFFFE003, lr  }
0x1b: {  	s9 =	sadd.s32 $0xFFFFFEF7, lr;
	s5 =	simm.s32 $0xFFFFFFFF;
	p2 =	slt.u32 s8, $0xFFFFF086  }
0x1c: {  	p1 =	slt.u32 s9, $0xF7A;
	s5 =	simm.s32 @!p2 $0x0  }
0x1d: {  	s5 =	simm.s32 @p1 $0x1;
	p0 =	seq.s32 s7, s2  }
0x1e: {  	s7 =	smul.u32 @!p0 $0xF7A, s2;
	p2 =	seq.s32 @!p0 s5, $0x0  }
0x1f: {  	s9 =	smul.u32 $0xF7A, s1;
	s8 =	simm.s32 @!p0 $0x1BF5;
	p2 =	por !p2, p0  }
0x20: {  	[sflag:s8] =	ssyncset.s32 @!p0 $0xFFFFF086;
	s6 =	sadd.s32 @!p0 s3, s7;
	s7 =	simm.s32 @!p0 $0x108  }
0x21: {  	s3 =	sadd.s32 s3, s9;
	s6 =	sadd.s32 @!p0 $0x88, s6;
	s7 =	simm.s32 @p2 $0x1082  }
0x22: {  	[simem:s7], [sflag:s8] =	dma.local @!p0 [hbm:s6], $0xF7A  }
0x23: {  	s9 =	sor.u32 $0xD0000000, s2;
	s6 =	simm.s32 $0x108;
	_ =	swait.ge @!p0 [sflag:s8], $0x0  }
0x24: {  	s3 =	sadd.s32 $0x88, s3;
	s6 =	simm.s32 @!p1 $0x1082;
	[sflag:s4] =	ssyncset.s32 $0xFFFFF086  }
0x25: {  	[simem:s6], [sflag:s4] =	dma.local [hbm:s3], $0xF7A  }
0x26: {  	[smem:$0x3F95] =	sst s1;
	(tag) =	ssettag s2;
	_ =	strace s9  }
0x27: {  	s1 =	sld [smem:$0x3FA5]  }
0x28: {  	s2 =	sld [smem:$0x3FA6]  }
0x29: {  	s4 =	sld [smem:$0x3FA8]  }
0x2a: {  	p0 =	seq.s32 s5, $0x0;
	s5 =	sld [smem:$0x3FA9]  }
0x2b: {  	s6 =	sld [smem:$0x3FAA]  }
0x2c: {  	s7 =	sld [smem:$0x3FAB]  }
0x2d: {  	s3 =	simm.s32 $0x108;
	s8 =	sld [smem:$0x3FAC]  }
0x2e: {  	s3 =	simm.s32 @!p0 $0x1082;
	s9 =	sld [smem:$0x3FAD]  }
0x2f: {  	lr =	sadd.s32 s0, s3;
	s0 =	sld [smem:$0x3FA4]  }
0x30: {  	s3 =	sld [smem:$0x3FA7]  }
0x31: {  	[smem:$0x3FB0] =	sst s10  }
0x32: {  	s10 =	sld [smem:$0x3FAE];
	_ =	sdelay $0x3  }
0x33: {  	p0 =	seq.s32 s10, $0x1;
	s10 =	sld [smem:$0x3FB0];
	_ =	sdelay $0x3  }
0x34: {  	[smem:$0x3FB0] =	sst s10  }
0x35: {  	s10 =	sld [smem:$0x3FAF];
	_ =	sdelay $0x3  }
0x36: {  	p1 =	seq.s32 s10, $0x1;
	s10 =	sld [smem:$0x3FB0];
	_ =	sdelay $0x3  }
0x37: {  	[smem:$0x3FB0] =	sst s10  }
0x38: {  	s10 =	sld [smem:$0x3FB1]  }
0x39: {  	_ = 	snop;
	(pc) =	sbr.ind lr, $3  }
0x3a: {  	_ = 	snop  }
0x3b: {  	_ = 	snop  }
0x3c: {  	p2 =	seq.s32 s10, $0x1;
	s10 =	sld [smem:$0x3FB0]  }
0x3d: {  	_ =	shalt  }
0x3e: {  	_ =	shalt  }
0x3f: {  	_ =	shalt  }
0x40: {  	_ =	shalt  }
0x41: {  	_ =	shalt  }
0x42: {  	_ =	shalt  }
0x43: {  	_ =	shalt  }
0x44: {  	_ =	shalt  }
0x45: {  	_ =	shalt  }
0x46: {  	_ =	shalt  }
0x47: {  	_ =	shalt  }
0x48: {  	_ =	shalt  }
0x49: {  	_ =	shalt  }
0x4a: {  	_ =	shalt  }
0x4b: {  	_ =	shalt  }
0x4c: {  	_ =	shalt  }
0x4d: {  	_ =	shalt  }
0x4e: {  	_ =	shalt  }
0x4f: {  	_ =	shalt  }
0x50: {  	_ =	shalt  }
0x51: {  	_ =	shalt  }
0x52: {  	_ =	shalt  }
0x53: {  	_ =	shalt  }
0x54: {  	_ =	shalt  }
0x55: {  	_ =	shalt  }
0x56: {  	_ =	shalt  }
0x57: {  	_ =	shalt  }
0x58: {  	_ =	shalt  }
0x59: {  	_ =	shalt  }
0x5a: {  	_ =	shalt  }
0x5b: {  	_ =	shalt  }
0x5c: {  	_ =	shalt  }
0x5d: {  	_ =	shalt  }
0x5e: {  	_ =	shalt  }
0x5f: {  	_ =	shalt  }
0x60: {  	_ =	shalt  }
0x61: {  	_ =	shalt  }
0x62: {  	_ =	shalt  }
0x63: {  	_ =	shalt  }
0x64: {  	_ =	shalt  }
0x65: {  	_ =	shalt  }
0x66: {  	_ =	shalt  }
0x67: {  	_ =	shalt  }
0x68: {  	_ =	shalt  }
0x69: {  	_ =	shalt  }
0x6a: {  	_ =	shalt  }
0x6b: {  	_ =	shalt  }
0x6c: {  	_ =	shalt  }
0x6d: {  	_ =	shalt  }
0x6e: {  	_ =	shalt  }
0x6f: {  	_ =	shalt  }
0x70: {  	_ =	shalt  }
0x71: {  	_ =	shalt  }
0x72: {  	_ =	shalt  }
0x73: {  	_ =	shalt  }
0x74: {  	_ =	shalt  }
0x75: {  	_ =	shalt  }
0x76: {  	_ =	shalt  }
0x77: {  	_ =	shalt  }
0x78: {  	_ =	shalt  }
0x79: {  	_ =	shalt  }
0x7a: {  	_ =	shalt  }
0x7b: {  	_ =	shalt  }
0x7c: {  	_ =	shalt  }
0x7d: {  	_ =	shalt  }
0x7e: {  	_ =	shalt  }
0x7f: {  	_ =	shalt  }
0x80: {  	_ =	shalt  }
0x81: {  	_ =	shalt  }
0x82: {  	_ =	shalt  }
0x83: {  	_ =	shalt  }
0x84: {  	_ =	shalt  }
0x85: {  	_ =	shalt  }
0x86: {  	_ =	shalt  }
0x87: {  	_ =	shalt  }
.Lfunc_end0:
.L_simem_size_0:
called_computation_lowered:
.L_overlay_start_0:
0x88: {  	s2 =	sld [smem:$0x3FD9]  }
0x89: {  	s3 =	sld [smem:$0x3FFE];
	_ =	sdelay $0x1  }
0x8a: {  	s1 =	srdreg.scid  }
0x8b: {  	s0 =	sand.u32 $0x1, s1  }
0x8c: {  	s17 =	sshll.u32 s0, $0xA;
	s2 =	sadd.s32 s3, s2  }
0x8d: {  	s2 =	sadd.s32 s2, s17  }
0x8e: {  	[smem:$0x3FBC] =	sst s2  }
0x8f: {  	_ = 	snop  }
0x90: {  	s2 =	sld [smem:$0x3FC8];
	(tm) =	ssettm $0x1  }
0x91: {  	s18 =	sld [smem:$0x3FFB];
	_ =	sdelay $0x3  }
0x92: {  	_ =	strace s18  }
0x93: {  	s3 =	sld [smem:$0x3FFC];
	_ =	sdelay $0x3  }
0x94: {  	_ =	strace s3  }
0x95: {  	s3 =	sld [smem:$0x3FFD];
	_ =	sdelay $0x3  }
0x96: {  	_ =	strace s3  }
0x97: {  	_ =	strace $0x8FFFFFFF  }
0x98: {  	s19 =	sld [smem:$0x3FDB];
	_ =	sdelay $0x1  }
0x99: {  	s4 =	simm.s32 $_scs_section_size  }
0x9a: {  	s5 =	simm.s32 $_size__tile_overlayer_lowered;
	s6 =	simm.s32 $_tile_overlayer_lowered  }
0x9b: {  	s22 =	simm.s32 $0x1BFF;
	s21 =	sshll.u32 s6, $0x1;
	s3 =	sadd.s32 s4, s19  }
0x9c: {  	s7 =	simm.s32 $0x0;
	s20 =	sshll.u32 s5, $0x1;
	s5 =	sadd.s32 s21, s3  }
0x9d: {  	[timem:s7], [sflag:s22] =	dma.local [hbm:s5], s20  }
0x9e: {  	_ =	swait.ge [sflag:s22], s20  }
0x9f: {  	s4 =	ssub.s32 $0x0, s20;
	[sflag:s22] =	ssyncset.done $0x0  }
0xa0: {  	[sflag:s22] =	ssyncadd.s32 s4;
	_ =	sdelay $0x1  }
0xa1: {  	s23 =	simm.s32 $0x1B8B  }
0xa2: {  	_ =	swait.ge [sflag:s23], $0x1  }
0xa3: {  	[sflag:s23] =	ssyncset.done $0x0  }
0xa4: {  	s25 =	simm.s32 $0x1B8E;
	s24 =	sld [smem:$0x3FFE];
	[sflag:s23] =	ssyncadd.s32 $0xFFFFFFFF  }
0xa5: {  	s26 =	simm.s32 $execute0_lowered;
	[smem:$0x3FD2] =	sst s25  }
0xa6: {  	s5 =	sshll.u32 s26, $0x1;
	_ =	strace $0x80000046;
	[dreg:$0x1] =	wrdreg $0xFFFFFFFF  }
0xa7: {  	s28 =	simm.s32 $_size_execute0_lowered;
	s3 =	sadd.s32 s3, s5;
	[dreg:$0x0] =	wrdreg $0x0  }
0xa8: {  	s5 =	sshll.u32 s28, $0x1;
	[dreg:$0x2] =	wrdreg s3  }
0xa9: {  	[dreg:$0x3] =	wrdreg s5  }
0xaa: {  	[dreg:$0x4] =	wrdreg $0xC0  }
0xab: {  	_ =	task [dreg:s7], $0x5FFFF  }
0xac: {  	[dreg:$0x1] =	wrdreg $0xFFFFFFFF  }
0xad: {  	[dreg:$0x0] =	wrdreg $0x60  }
0xae: {  	[dreg:$0x2] =	wrdreg s2  }
0xaf: {  	[dreg:$0x3] =	wrdreg s24  }
0xb0: {  	[dreg:$0x4] =	wrdreg $0xF2800  }
0xb1: {  	[dreg:$0x5] =	wrdreg $0x9  }
0xb2: {  	_ =	task.clear_ibuf [dreg:s7], $0x6FFFF;
	_ =	strace $0x90000046  }
0xb3: {  	s29 =	simm.s32 $0x9;
	_ =	strace $0x80000048  }
0xb4: {  	_ =	swait.ge [sflag:s29], $0x1  }
0xb5: {  	[sflag:s29] =	ssyncadd.s32 $0xFFFFFFFF  }
0xb6: {  	_ =	strace $0x90000048  }
0xb7: {  	_ =	sfence  }
0xb8: {  	s30 =	sld [smem:$0x0];
	_ =	sdelay $0x2  }
0xb9: {  	s31 =	sshll.u32 s1, $0xD;
	s1 =	sshrl.u32 s1, $0x2  }
0xba: {  	s3 =	sand.u32 $0x4000, s31;
	s1 =	sadd.s32 s1, s30  }
0xbb: {  	s0 =	sor.u32 s3, s0;
	s1 =	sshll.u32 s1, $0x11  }
0xbc: {  	s0 =	sor.u32 s1, s0  }
0xbd: {  	s0 =	sadd.s32 $0x8F2B, s0  }
0xbe: {  	[sflag:s0] =	ssyncadd.remote.s32 $0x1  }
0xbf: {  	_ =	sfence.sel $0xFFFF  }
0xc0: {  	[dreg:$0x0] =	wrdreg $0xFFFFFFFF;
	(pc) =	sbr.abs _section_cstart, $3  }
0xc1: {  	[dreg:$0x1] =	wrdreg $0xFFFFFFFF  }
0xc2: {  	_ =	task.clear_ibuf [dreg:s7], $0x2FFFF;
	_ =	strace $0x9FFFFFFF  }
0xc3: {  	(tm) =	ssettm $0x7FFFFFFF  }
tec
execute0_lowered:
.L_overlay_start_1:
0x0: {  	(tag) =	ssettag $0x1  }
0x1: {  	s5 =	rddreg [dreg:$0x0]  }
0x2: {  	s4 =	rddreg [dreg:$0x1]  }
0x3: {  	s0 =	srdreg.scid;
	s2 =	rddreg [dreg:$0x2]  }
0x4: {  	s1 =	rddreg [dreg:$0x3];
	s3 =	simm.s32 $0x0;
	s14 =	simm.s32 $0x2  }
0x5: {  	s15 =	simm.s32 $0x80;
	s16 =	simm.s32 $0x4F00;
	s17 =	simm.s32 $0x1  }
0x6: {  	s18 =	simm.s32 $0x5000;
	s19 =	simm.s32 $0x5280;
	s6 =	sand.u32 $0x1, s0  }
0x7: {  	s20 =	simm.s32 $0x0;
	s0 =	stileid.u32;
	s7 =	smul.u32 $0xA0000, s6  }
0x8: {  	[smem:$0x7FF] =	sst s3;
	s8 =	smul.u32 $0xA000, s0;
	s26 =	sshll.u32 s6, $0x4  }
0x9: {  	_ =	strace $0x80000047;
	s28 =	ssub.s32 $0x2, s6;
	s9 =	smul.u32 $0xA00, s0  }
0xa: {  	s13 =	sor.u32 s0, s26;
	s30 =	sshrl.u32 s28, $0x1;
	s7 =	sadd.s32 s8, s7  }
0xb: {  	s29 =	smul.u32 $0x4E, s13;
	s8 =	smin.u32 s13, $0x4;
	s12 =	ssub.s32 s28, s30  }
0xc: {  	p0 =	slt.u32 s13, $0x4;
	s31 =	sshrl.u32 s9, $0x2;
	s7 =	sshrl.u32 s7, $0x3  }
0xd: {  	s11 =	sadd.s32 s7, s4;
	s6 =	sadd.s32 s8, s29;
	s4 =	simm.s32 $0x4F  }
0xe: {  	s12 =	smax.u32 s12, $0x1;
	s6 =	sshll.u32 s6, $0x5;
	s4 =	simm.s32 @!p0 $0x4E  }
0xf: {  	s11 =	sadd.s32 $0x2200, s11;
	s5 =	sadd.s32 s5, s6;
	s6 =	sadd.s32 s31, s2  }
0x10: {  	p0 =	sgt.u32 s13, $0x3;
	s13 =	simm.s32 $0x4F80;
	s7 =	sadd.s32 $0x80, s6  }
0x11: {  	v0 =	vimm.f32 $1.000000000e+00;
	v1 =	vimm.f32 $0.0e+00;
	s8 =	sadd.s32 $0x100, s6;
	s9 =	sadd.s32 $0x180, s6;
	s10 =	sadd.s32 $0x200, s6  }
.LBB2_1:
0x12: {  	s21 =	simm.s32 @p0 $0x0  }
0x13: {  	[tilespmem:s21], [sflag:$0x2] =	stream.linear.gather @p0 [hbm4b:s5+s21], $0x4E00, $0x38;
	[tilespmem:$0xF500] =	vst v63  }
0x14: {  	s21 =	simm.s32 @p0 $0x2  }
0x15: {  	_ =	swait.ge @p0 [sflag:s21], $0x4E00  }
0x16: {  	[sflag:s21] =	ssyncset.done @p0 $0x0  }
0x17: {  	[sflag:s21] =	ssyncadd.s32 @p0 $0xFFFFB200;
	s21 =	simm.s32 @!p0 $0x0  }
0x18: {  	[tilespmem:s21], [sflag:$0x2] =	stream.linear.gather @!p0 [hbm4b:s5+s21], $0x4F00, $0x38;
	[tilespmem:$0xF500] =	vst v63  }
0x19: {  	s21 =	simm.s32 @!p0 $0x2  }
0x1a: {  	_ =	swait.ge @!p0 [sflag:s21], $0x4F00  }
0x1b: {  	[sflag:s21] =	ssyncset.done @!p0 $0x0  }
0x1c: {  	[sflag:s21] =	ssyncadd.s32 @!p0 $0xFFFFB100  }
0x1d: {  	[tilespmem:$0x4F00] =	vst v0  }
0x1e: {  	[tilespmem:$0x4F80] =	vst v1  }
0x1f: {  	[tilespmem:$0x4F10] =	vst v0  }
0x20: {  	[tilespmem:$0x4F90] =	vst v1  }
0x21: {  	[tilespmem:$0x4F20] =	vst v0  }
0x22: {  	[tilespmem:$0x4FA0] =	vst v1  }
0x23: {  	[tilespmem:$0x4F30] =	vst v0  }
0x24: {  	[tilespmem:$0x4FB0] =	vst v1  }
0x25: {  	[tilespmem:$0x4F40] =	vst v0  }
0x26: {  	[tilespmem:$0x4FC0] =	vst v1  }
0x27: {  	[tilespmem:$0x4F50] =	vst v0  }
0x28: {  	[tilespmem:$0x4FD0] =	vst v1  }
0x29: {  	[tilespmem:$0x4F60] =	vst v0  }
0x2a: {  	[tilespmem:$0x4FE0] =	vst v1  }
0x2b: {  	[tilespmem:$0x4F70] =	vst v0  }
0x2c: {  	[tilespmem:$0x4FF0] =	vst v1  }
0x2d: {  	[spmem:s6] =	stream.linear.scatter [tilespmem:s13], [sflag:$0x2], $0x80, $0x38;
	[tilespmem:$0xF500] =	vst v63  }
0x2e: {  	_ =	swait.ge [sflag:s14], $0x80  }
0x2f: {  	[sflag:s14] =	ssyncset.done $0x0  }
0x30: {  	[sflag:s14] =	ssyncadd.s32 $0xFFFFFF80  }
0x31: {  	[spmem:s7] =	stream.linear.scatter [tilespmem:s13], [sflag:$0x2], $0x80, $0x38;
	[tilespmem:$0xF500] =	vst v63  }
0x32: {  	_ =	swait.ge [sflag:s14], $0x80  }
0x33: {  	[sflag:s14] =	ssyncset.done $0x0  }
0x34: {  	[sflag:s14] =	ssyncadd.s32 $0xFFFFFF80  }
0x35: {  	[spmem:s8] =	stream.linear.scatter [tilespmem:s13], [sflag:$0x2], $0x80, $0x38;
	[tilespmem:$0xF500] =	vst v63  }
0x36: {  	_ =	swait.ge [sflag:s14], $0x80  }
0x37: {  	[sflag:s14] =	ssyncset.done $0x0  }
0x38: {  	[sflag:s14] =	ssyncadd.s32 $0xFFFFFF80  }
0x39: {  	[spmem:s9] =	stream.linear.scatter [tilespmem:s13], [sflag:$0x2], $0x80, $0x38;
	[tilespmem:$0xF500] =	vst v63  }
0x3a: {  	_ =	swait.ge [sflag:s14], $0x80  }
0x3b: {  	[sflag:s14] =	ssyncset.done $0x0  }
0x3c: {  	p1 =	sne.s32 s4, $0x1;
	[sflag:s14] =	ssyncadd.s32 $0xFFFFFF80  }
0x3d: {  	[spmem:s10] =	stream.linear.scatter [tilespmem:s13], [sflag:$0x2], $0x80, $0x38;
	[tilespmem:$0xF500] =	vst v63  }
.Ltmp0:
0x3e: {  	_ =	swait.ge [sflag:s14], $0x80;
	(pc) =	sbr.rel @!p1 .LBB2_3-.Ltmp0, $4  }
0x3f: {  	[sflag:s14] =	ssyncset.done $0x0  }
0x40: {  	[sflag:s14] =	ssyncadd.s32 $0xFFFFFF80  }
0x41: {  	s22 =	simm.s32 $0x80;
	s21 =	sadd.s32 $0xFFFFFFFF, s4;
	[bflag:$0x0] =	sbarrier.arrive $0xFFFF  }
0x42: {  	[spmem:s2] =	stream.indirect.scatter.add.f32 [tilespmem:s16], [sflag:$0x1], $0x1, s15, s15, $0xb8;
	[tilespmem:$0xF500] =	vst v63  }
.LBB2_2:
0x43: {  	p2 =	sne.s32 s21, $0x1  }
.Ltmp1:
0x44: {  	_ = 	snop;
	(pc) =	sbr.rel @p2 .LBB2_2-.Ltmp1, $3  }
0x45: {  	_ = 	snop  }
0x46: {  	s21 =	sadd.s32 $0xFFFFFFFF, s21;
	s22 =	sadd.s32 $0x100, s22;
	_ =	sdelay $0x1  }
0x47: {  	[spmem:s2] =	stream.indirect.scatter.add.f32 [tilespmem:s16], [sflag:$0x1], $0x1, s22, s15, $0xb8;
	[tilespmem:$0xF500] =	vst v63  }
.LBB2_3:
.Ltmp2:
0x48: {  	(pc) =	sbr.rel @!p1 .LBB2_5-.Ltmp2, $3  }
0x49: {  	_ =	sdelay $0x1  }
0x4a: {  	_ =	swait.ge [sflag:s17], $0x80  }
0x4b: {  	s21 =	sadd.s32 $0xFFFFFFFF, s4;
	[sflag:s17] =	ssyncset.done $0x0  }
.LBB2_4:
0x4c: {  	p1 =	sne.s32 s21, $0x1;
	s21 =	sadd.s32 $0xFFFFFFFF, s21;
	[sflag:s17] =	ssyncadd.s32 $0xFFFFFF80  }
.Ltmp3:
0x4d: {  	(pc) =	sbr.rel @p1 .LBB2_4-.Ltmp3, $3  }
0x4e: {  	_ =	sdelay $0x1  }
0x4f: {  	_ =	swait.ge [sflag:s17], $0x80  }
0x50: {  	[sflag:s17] =	ssyncset.done $0x0  }
.LBB2_5:
0x51: {  	[sflag:s17] =	ssyncadd.s32 $0xFFFFFF80;
	s21 =	simm.s32 $0x1  }
0x52: {  	s22 =	simm.s32 $0x0;
	[bflag:$0x0] =	sbarrier.arrive $0xFFFF;
	v2 =	vmov s21  }
0x53: {  	[tilespmem:s18], [sflag:$0x2] =	stream.linear.gather [spmem:s6], $0x280, $0x38;
	[tilespmem:$0xF500] =	vst v63  }
0x54: {  	v3 =	vmov s22;
	_ =	swait.ge [sflag:s14], $0x280  }
0x55: {  	v3 =	vand.u32 $0xFFFFFFFE, v3;
	[sflag:s14] =	ssyncset.done $0x0  }
0x56: {  	v3 =	vbroadcast v3, $0x0;
	[sflag:s14] =	ssyncadd.s32 $0xFFFFFD80  }
0x57: {  	v4 =	vld.idx.msk [tilespmem:v2+s18+$0x0], $0xffff;
	_ =	sdelay $0x3  }
0x58: {  	s21 =	simm.s32 $0x52C0  }
0x59: {  	v2 =	vld.idx.msk [tilespmem:v3+s18+$0x0], $0xffff;
	[tilespmem:s21+$0x0] =	vst v4  }
0x5a: {  	[tilespmem:s21+$0x10] =	vst v4  }
0x5b: {  	s31 =	simm.s32 $0x3;
	[tilespmem:s21+$0x20] =	vst v4  }
0x5c: {  	s23 =	simm.s32 $0x5;
	s24 =	simm.s32 $0x2;
	s22 =	simm.s32 $0x52C0;
	v3 =	vmov s31;
	[tilespmem:s21+$0x30] =	vst v4  }
.LBB2_6:
0x5d: {  	p1 =	sne.s32 s23, $0x27F  }
0x5e: {  	v4 =	vmov s24;
	[tilespmem:s21+$0xFFFFFFF0] =	vst v2;
	s22 =	sadd.s32 $0x80, s22;
	s25 =	smov.u32 s23;
	s23 =	sadd.s32 $0x2, s23  }
0x5f: {  	v4 =	vand.u32 $0xFFFFFFFE, v4;
	[tilespmem:s21+$0xFFFFFFE0] =	vst v2  }
0x60: {  	v4 =	vbroadcast v4, $0x0;
	[tilespmem:s21+$0xFFFFFFC0] =	vst v2  }
0x61: {  	[tilespmem:s21+$0xFFFFFFD0] =	vst v2;
	s21 =	smov.u32 s22  }
0x62: {  	v5 =	vld.idx.msk [tilespmem:v3+s18+$0x0], $0xffff;
	_ =	sdelay $0x3  }
0x63: {  	v2 =	vld.idx.msk [tilespmem:v4+s18+$0x0], $0xffff  }
.Ltmp4:
0x64: {  	(pc) =	sbr.rel @p1 .LBB2_6-.Ltmp4, $4  }
0x65: {  	[tilespmem:s22+$0x0] =	vst v5  }
0x66: {  	[tilespmem:s22+$0x10] =	vst v5  }
0x67: {  	[tilespmem:s22+$0x20] =	vst v5  }
0x68: {  	s24 =	sadd.s32 $0xFFFFFFFF, s25;
	v3 =	vmov s25;
	[tilespmem:s22+$0x30] =	vst v5  }
0x69: {  	v4 =	vmov s24;
	[tilespmem:s21+$0xFFFFFFF0] =	vst v2  }
0x6a: {  	[tilespmem:s21+$0xFFFFFFE0] =	vst v2;
	v4 =	vand.u32 $0xFFFFFFFE, v4  }
0x6b: {  	[tilespmem:s21+$0xFFFFFFC0] =	vst v2;
	v4 =	vbroadcast v4, $0x0  }
0x6c: {  	[tilespmem:s21+$0xFFFFFFD0] =	vst v2  }
0x6d: {  	v2 =	vld.idx.msk [tilespmem:v3+s18+$0x0], $0xffff;
	_ =	sdelay $0x3  }
0x6e: {  	s31 =	sadd.s32 $0x80, s22;
	v3 =	vld.idx.msk [tilespmem:v4+s18+$0x0], $0xffff  }
0x6f: {  	[tilespmem:s31+$0x0] =	vst v2  }
0x70: {  	[tilespmem:s31+$0x10] =	vst v2  }
0x71: {  	[tilespmem:s31+$0x20] =	vst v2  }
0x72: {  	[tilespmem:s31+$0x30] =	vst v2  }
0x73: {  	[tilespmem:s31+$0xFFFFFFF0] =	vst v3  }
0x74: {  	s20 =	sadd.s32 $0x1, s20;
	[tilespmem:s31+$0xFFFFFFE0] =	vst v3  }
0x75: {  	p1 =	sne.s32 s20, s12;
	[tilespmem:s31+$0xFFFFFFC0] =	vst v3  }
.Ltmp5:
0x76: {  	[tilespmem:s31+$0xFFFFFFD0] =	vst v3;
	(pc) =	sbr.rel @p1 .LBB2_1-.Ltmp5, $4  }
0x77: {  	[hbm4b:s11+s3] =	stream.linear.scatter [tilespmem:s19], [sflag:$0x2], $0xA000, $0x38;
	[tilespmem:$0xF500] =	vst v63  }
0x78: {  	_ =	swait.ge [sflag:s14], $0xA000  }
0x79: {  	[sflag:s14] =	ssyncset.done $0x0  }
0x7a: {  	[sflag:s14] =	ssyncadd.s32 $0xFFFF6000  }
0x7b: {  	_ =	sfence.sel $0x180000  }
0x7c: {  	[bflag:$0x0] =	sbarrier.arrive $0xFFFF  }
0x7d: {  	p0 =	sne.s32 s0, $0x0;
	_ =	strace $0x90000047  }
0x7e: {  	s0 =	sadd.s32 @!p0 $0x100000, s1;
	[bflag:$0x2] =	sbarrier.arrive $0xFFFF  }
0x7f: {  	[sflag:s0] =	ssyncadd.tile.s32 @!p0 $0x1;
	_ =	shalt  }
.Lfunc_end2:
_tile_overlayer_lowered:
.L_overlay_start_2:
0x80: {  	(tag) =	ssettag $0x2  }
0x81: {  	s0 =	rddreg [dreg:$0x0];
	s2 =	stileid.u32  }
0x82: {  	s1 =	rddreg [dreg:$0x1];
	p0 =	sne.s32 s2, $0x0  }
0x83: {  	s3 =	rddreg [dreg:$0x2];
	[bflag:$0x3] =	sbarrier.arrive $0xFFFF;
	s2 =	simm.s32 @!p0 $0x1C02  }
0x84: {  	[timem:s3], [sflag:s2] =	dma.local @!p0 [hbm:s0], s1  }
0x85: {  	s0 =	simm.s32 @!p0 $0x2  }
0x86: {  	_ =	swait.ge @!p0 [sflag:s0], s1  }
0x87: {  	s1 =	ssub.s32 @!p0 $0x0, s1;
	[sflag:s0] =	ssyncset.done @!p0 $0x0  }
0x88: {  	[sflag:s0] =	ssyncadd.s32 @!p0 s1  }
0x89: {  	[bflag:$0x3] =	sbarrier.arrive $0xFFFF  }
0x8a: {  	_ =	shalt  }

</sc_bundles>
